<compile_context>
chip_gen: v7x
topology: tpu7x:2x2x1
jax: 0.10.2.dev20260603
libtpu: 0.0.44.dev20260713+nightly
codegen_flags: <defaults>
</compile_context>

<pallas_src>
import functools

import jax
import jax.numpy as jnp
from jax import lax
from jax.experimental import pallas as pl
from jax.experimental.pallas import tpu as pltpu
from jax.experimental.pallas import tpu_sc as plsc

_B = 16384
_NC, _NS, _L = 2, 16, 16
_NW = _NC * _NS
_CHUNK = _B // _NW
_STEPS = _CHUNK // _L
_GCH = 128
_NG = _CHUNK // _GCH
_NI = 3 * _NG

_mesh = plsc.VectorSubcoreMesh(core_axis_name="c", subcore_axis_name="s")


@functools.partial(
    pl.kernel,
    mesh=_mesh,
    out_type=jax.ShapeDtypeStruct((_NW, 12 * _CHUNK), jnp.float32),
    scratch_types=[
        pltpu.VMEM((_NG, _GCH), jnp.int32),
        pltpu.VMEM((_NI, _GCH), jnp.int32),
        pltpu.VMEM((3 * _CHUNK,), jnp.float32),
        pltpu.VMEM((3 * _CHUNK,), jnp.float32),
        pltpu.VMEM((12 * _CHUNK,), jnp.float32),
        pltpu.VMEM((12 * _CHUNK,), jnp.float32),
        pltpu.SemaphoreType.DMA,
        pltpu.SemaphoreType.DMA,
    ],
)
def _extr_pose_sc(idx_hbm, poses_hbm, dR_hbm, dT_hbm, out_hbm,
                  idx_v, idx3_v, dRv, dTv, pv, ov, gsem, psem):
    wid = lax.axis_index("s") * _NC + lax.axis_index("c")

    pltpu.sync_copy(idx_hbm.at[wid], idx_v)
    pcopy = pltpu.async_copy(poses_hbm.at[wid], pv, psem)

    for s in range(_STEPS):
        j, o = s // (_GCH // _L), (s % (_GCH // _L)) * _L
        x3 = idx_v[j, pl.ds(o, _L)] * 3
        for c in range(3):
            idx3_v[c * _NG + j, pl.ds(o, _L)] = x3 + c

    gcopies = []
    for r in range(_NI):
        dst = pl.ds(r * _GCH, _GCH)
        gcopies.append(pltpu.async_copy(dR_hbm.at[idx3_v.at[r]],
                                        dRv.at[dst], gsem))
        gcopies.append(pltpu.async_copy(dT_hbm.at[idx3_v.at[r]],
                                        dTv.at[dst], gsem))
    for copy in gcopies:
        copy.wait()
    pcopy.wait()

    def body(s, carry):
        off = s * _L

        def ld(ref, c):
            return ref[pl.ds(c * _CHUNK + off, _L)]

        v0, v1, v2 = ld(dRv, 0), ld(dRv, 1), ld(dRv, 2)
        p = [ld(pv, c) for c in range(12)]

        n2 = v0 * v0 + v1 * v1 + v2 * v2
        a = 1.0 + n2 * (-1.0 / 6.0 + n2 * (1.0 / 120.0 + n2 * (
            -1.0 / 5040.0 + n2 * (1.0 / 362880.0))))
        b = 0.5 + n2 * (-1.0 / 24.0 + n2 * (1.0 / 720.0 + n2 * (
            -1.0 / 40320.0 + n2 * (1.0 / 3628800.0))))
        c1 = 1.0 - b * n2
        bv0, bv1, bv2 = b * v0, b * v1, b * v2
        av0, av1, av2 = a * v0, a * v1, a * v2
        R = [
            c1 + bv0 * v0, bv0 * v1 - av2, bv0 * v2 + av1,
            bv0 * v1 + av2, c1 + bv1 * v1, bv1 * v2 - av0,
            bv0 * v2 - av1, bv1 * v2 + av0, c1 + bv2 * v2,
        ]
        for i in range(3):
            for j in range(3):
                val = (R[3 * i] * p[j] + R[3 * i + 1] * p[4 + j]
                       + R[3 * i + 2] * p[8 + j])
                ov[pl.ds((4 * i + j) * _CHUNK + off, _L)] = val
        for i in range(3):
            val = p[4 * i + 3] + ld(dTv, i)
            ov[pl.ds((4 * i + 3) * _CHUNK + off, _L)] = val
        return carry

    lax.fori_loop(0, _STEPS, body, 0)
    pltpu.sync_copy(ov, out_hbm.at[wid])


def kernel(img_idx, poses, dR_param, dT_param):
    idx3d = img_idx.reshape(_NW, _NG, _GCH)
    posesw = poses.reshape(_NW, _CHUNK, 12).transpose(0, 2, 1)
    posesw = posesw.reshape(_NW, 12 * _CHUNK)
    out = _extr_pose_sc(idx3d, posesw, dR_param.reshape(-1),
                        dT_param.reshape(-1))
    out = out.reshape(_NW, 12, _CHUNK).transpose(0, 2, 1)
    return out.reshape(_B, 3, 4)

# --- scband reference (transcript-rebuilt; emitter-appended) ---
"""Pipeline reference for scband-extr-pose-11948599017483 (READ-ONLY COPY).

The authoritative reference and input builder live on the scoring server;
editing this copy changes nothing except your own understanding.
"""

import jax, jax.numpy as jnp
import numpy as np

N_IMAGES = 100000
BATCH = 16384


def axisangle_to_R(v):
    # v: (B, 3)
    zero = jnp.zeros_like(v[:, :1])
    skew_v0 = jnp.concatenate([zero, -v[:, 2:3], v[:, 1:2]], axis=1)
    skew_v1 = jnp.concatenate([v[:, 2:3], zero, -v[:, 0:1]], axis=1)
    skew_v2 = jnp.concatenate([-v[:, 1:2], v[:, 0:1], zero], axis=1)
    skew_v = jnp.stack([skew_v0, skew_v1, skew_v2], axis=1)  # (B, 3, 3)
    norm_v = (jnp.linalg.norm(v, axis=1) + 1e-07)[:, None, None]
    eye = jnp.eye(3, dtype=v.dtype)
    R = eye + jnp.sin(norm_v) / norm_v * skew_v + (1 - jnp.cos(norm_v)) / norm_v ** 2 * (skew_v @ skew_v)
    return R


def setup_inputs(seed: int = 0) -> dict:
    key = jax.random.key(seed)
    k1, k2, k3, k4 = jax.random.split(key, 4)
    img_idx = jax.random.randint(k1, (BATCH,), 0, N_IMAGES, dtype=jnp.int64 if jax.config.jax_enable_x64 else jnp.int32).astype(jnp.int32)
    poses = jax.random.normal(k2, (BATCH, 3, 4), dtype=jnp.float32)
    # Learned pose-correction parameters (init'd to zeros in torch; use small randn so outputs are nontrivial)
    dR_param = jax.random.normal(k3, (N_IMAGES, 3), dtype=jnp.float32) * 0.01
    dT_param = jax.random.normal(k4, (N_IMAGES, 3), dtype=jnp.float32) * 0.01
    return {"img_idx": img_idx, "poses": poses, "dR_param": dR_param, "dT_param": dT_param}


def reference(img_idx, poses, dR_param, dT_param):
    # Embedding-style gather of per-image pose corrections
    dR_vec = jnp.take(dR_param, img_idx, axis=0)  # (B, 3)
    dT_vec = jnp.take(dT_param, img_idx, axis=0)  # (B, 3)
    dR = axisangle_to_R(dR_vec)                   # (B, 3, 3)
    rot = dR @ poses[..., :3]                     # (B, 3, 3)
    trans = poses[..., 3] + dT_vec                # (B, 3)
    new_poses = jnp.concatenate([rot, trans[..., None]], axis=-1)  # (B, 3, 4)
    return new_poses


if False:  # reference __main__ guard neutralized (emitter)
    out = reference(**setup_inputs())
    print(out.shape, out.dtype)

if __name__ == "__main__":
    import jax
    _d = setup_inputs()
    print(jax.jit(kernel)(*tuple(_d.values())))

</pallas_src>

<mosaic_0001>
#map = affine_map<(d0, d1) -> (0, 0, 0)>
#map1 = affine_map<(d0, d1) -> (0, 0)>
#map2 = affine_map<(d0, d1) -> (0)>
module attributes {stable_mosaic.version = 14 : i64} {
  func.func @_extr_pose_sc(%arg0: i32, %arg1: i32, %arg2: memref<32x4x128xi32, #tpu.memory_space<hbm>>, %arg3: memref<32x6144xf32, #tpu.memory_space<hbm>>, %arg4: memref<300000xf32, #tpu.memory_space<hbm>>, %arg5: memref<300000xf32, #tpu.memory_space<hbm>>, %arg6: memref<32x6144xf32, #tpu.memory_space<hbm>>, %arg7: memref<4x128xi32, #tpu.memory_space<vmem>>, %arg8: memref<12x128xi32, #tpu.memory_space<vmem>>, %arg9: memref<1536xf32, #tpu.memory_space<vmem>>, %arg10: memref<1536xf32, #tpu.memory_space<vmem>>, %arg11: memref<6144xf32, #tpu.memory_space<vmem>>, %arg12: memref<6144xf32, #tpu.memory_space<vmem>>, %arg13: memref<!tpu.dma_semaphore, #tpu.memory_space<semaphore_mem>>, %arg14: memref<!tpu.dma_semaphore, #tpu.memory_space<semaphore_mem>>) attributes {dimension_semantics = [#tpu.dimension_semantics<core_parallel>, #tpu.dimension_semantics<subcore_parallel>], iteration_bounds = array<i64: 2, 16>, scalar_prefetch = 0 : i64, scratch_operands = 8 : i64, tpu.core_type = #tpu.core_type<sc_vector_subcore>, window_params = [{transform_indices = #map}, {transform_indices = #map1}, {transform_indices = #map2}, {transform_indices = #map2}, {transform_indices = #map1}]} {
    %mul3A = arith.constant 2 : i32
    %mul3A_0 = arith.muli %arg1, %mul3A : i32
    %add3A = arith.addi %mul3A_0, %arg0 : i32
    "tpu.region"() ({
      %run_scoped3A = tpu.sem_alloc : memref<!tpu.dma_semaphore, #tpu.memory_space<semaphore_mem>>
      %dma_start3A_1518 = arith.constant 0 : i32
      %dma_start3A_1519 = arith.constant 0 : i32
      %dma_start3A_1520 = tpu.memref_slice %arg2[%add3A, %dma_start3A_1518, %dma_start3A_1519] : memref<32x4x128xi32, #tpu.memory_space<hbm>> -> memref<1x4x128xi32, #tpu.memory_space<hbm>>
      %dma_start3A_1521 = tpu.memref_squeeze %dma_start3A_1520 : memref<1x4x128xi32, #tpu.memory_space<hbm>> -> memref<4x128xi32, #tpu.memory_space<hbm>>
      %dma_start3A_1522 = arith.constant 0 : i32
      %dma_start3A_1523 = arith.constant 0 : i32
      %dma_start3A_1524 = tpu.memref_slice %arg2[%add3A, %dma_start3A_1522, %dma_start3A_1523] : memref<32x4x128xi32, #tpu.memory_space<hbm>> -> memref<1x4x128xi32, #tpu.memory_space<hbm>>
      %dma_start3A_1525 = tpu.memref_squeeze %dma_start3A_1524 : memref<1x4x128xi32, #tpu.memory_space<hbm>> -> memref<4x128xi32, #tpu.memory_space<hbm>>
      tpu.enqueue_dma source(%dma_start3A_1525 : memref<4x128xi32, #tpu.memory_space<hbm>>) target(%arg7 : memref<4x128xi32, #tpu.memory_space<vmem>>) target_semaphore(%run_scoped3A : memref<!tpu.dma_semaphore, #tpu.memory_space<semaphore_mem>>)
      %dma_wait3A_1526 = arith.constant 0 : i32
      %dma_wait3A_1527 = arith.constant 0 : i32
      %dma_wait3A_1528 = tpu.memref_slice %arg2[%add3A, %dma_wait3A_1526, %dma_wait3A_1527] : memref<32x4x128xi32, #tpu.memory_space<hbm>> -> memref<1x4x128xi32, #tpu.memory_space<hbm>>
      %dma_wait3A_1529 = tpu.memref_squeeze %dma_wait3A_1528 : memref<1x4x128xi32, #tpu.memory_space<hbm>> -> memref<4x128xi32, #tpu.memory_space<hbm>>
      %dma_wait3A_1530 = arith.constant 0 : i32
      %dma_wait3A_1531 = arith.constant 0 : i32
      %dma_wait3A_1532 = tpu.memref_slice %arg2[%add3A, %dma_wait3A_1530, %dma_wait3A_1531] : memref<32x4x128xi32, #tpu.memory_space<hbm>> -> memref<1x4x128xi32, #tpu.memory_space<hbm>>
      %dma_wait3A_1533 = tpu.memref_squeeze %dma_wait3A_1532 : memref<1x4x128xi32, #tpu.memory_space<hbm>> -> memref<4x128xi32, #tpu.memory_space<hbm>>
      tpu.wait_dma2 semaphore(%run_scoped3A : memref<!tpu.dma_semaphore, #tpu.memory_space<semaphore_mem>>) src(%dma_wait3A_1533 : memref<4x128xi32, #tpu.memory_space<hbm>>) dst(%arg7 : memref<4x128xi32, #tpu.memory_space<vmem>>)
      tpu.yield
    }) : () -> ()
    %dma_start3A = arith.constant 0 : i32
    %dma_start3A_1 = tpu.memref_slice %arg3[%add3A, %dma_start3A] : memref<32x6144xf32, #tpu.memory_space<hbm>> -> memref<1x6144xf32, #tpu.memory_space<hbm>>
    %dma_start3A_2 = tpu.memref_squeeze %dma_start3A_1 : memref<1x6144xf32, #tpu.memory_space<hbm>> -> memref<6144xf32, #tpu.memory_space<hbm>>
    %dma_start3A_3 = arith.constant 0 : i32
    %dma_start3A_4 = tpu.memref_slice %arg3[%add3A, %dma_start3A_3] : memref<32x6144xf32, #tpu.memory_space<hbm>> -> memref<1x6144xf32, #tpu.memory_space<hbm>>
    %dma_start3A_5 = tpu.memref_squeeze %dma_start3A_4 : memref<1x6144xf32, #tpu.memory_space<hbm>> -> memref<6144xf32, #tpu.memory_space<hbm>>
    tpu.enqueue_dma source(%dma_start3A_5 : memref<6144xf32, #tpu.memory_space<hbm>>) target(%arg11 : memref<6144xf32, #tpu.memory_space<vmem>>) target_semaphore(%arg14 : memref<!tpu.dma_semaphore, #tpu.memory_space<semaphore_mem>>)
    %get3A = arith.constant 0 : i32
    %get3A_6 = arith.index_cast %get3A : i32 to index
    %get3A_7 = arith.constant 0 : index
    %get3A_8 = tpu.vector_load %arg7[%get3A_6, %get3A_7] {strides = array<i32>} : memref<4x128xi32, #tpu.memory_space<vmem>>, vector<1x16xi32>,
    %get3A_9 = vector.shape_cast %get3A_8 : vector<1x16xi32> to vector<16xi32>
    %mul3A_10 = arith.constant 3 : i32
    %mul3A_11 = vector.broadcast %mul3A_10 : i32 to vector<16xi32>
    %mul3A_12 = arith.muli %get3A_9, %mul3A_11 : vector<16xi32>
    %add3A_13 = arith.constant 0 : i32
    %add3A_14 = vector.broadcast %add3A_13 : i32 to vector<16xi32>
    %add3A_15 = arith.addi %mul3A_12, %add3A_14 : vector<16xi32>
    %swap3A = arith.constant 0 : i32
    %swap3A_16 = arith.index_cast %swap3A : i32 to index
    %swap3A_17 = arith.constant 0 : index
    %swap3A_18 = tpu.vector_load %arg8[%swap3A_16, %swap3A_17] {strides = array<i32>} : memref<12x128xi32, #tpu.memory_space<vmem>>, vector<1x16xi32>,
    %swap3A_19 = vector.shape_cast %swap3A_18 : vector<1x16xi32> to vector<16xi32>
    %swap3A_20 = vector.shape_cast %add3A_15 : vector<16xi32> to vector<1x16xi32>
    tpu.vector_store %arg8[%swap3A_16, %swap3A_17], %swap3A_20 {strides = array<i32>} : memref<12x128xi32, #tpu.memory_space<vmem>>, vector<1x16xi32>,
    %add3A_21 = arith.constant 1 : i32
    %add3A_22 = vector.broadcast %add3A_21 : i32 to vector<16xi32>
    %add3A_23 = arith.addi %mul3A_12, %add3A_22 : vector<16xi32>
    %swap3A_24 = arith.constant 4 : i32
    %swap3A_25 = arith.index_cast %swap3A_24 : i32 to index
    %swap3A_26 = arith.constant 0 : index
    %swap3A_27 = tpu.vector_load %arg8[%swap3A_25, %swap3A_26] {strides = array<i32>} : memref<12x128xi32, #tpu.memory_space<vmem>>, vector<1x16xi32>,
    %swap3A_28 = vector.shape_cast %swap3A_27 : vector<1x16xi32> to vector<16xi32>
    %swap3A_29 = vector.shape_cast %add3A_23 : vector<16xi32> to vector<1x16xi32>
    tpu.vector_store %arg8[%swap3A_25, %swap3A_26], %swap3A_29 {strides = array<i32>} : memref<12x128xi32, #tpu.memory_space<vmem>>, vector<1x16xi32>,
    %add3A_30 = arith.constant 2 : i32
    %add3A_31 = vector.broadcast %add3A_30 : i32 to vector<16xi32>
    %add3A_32 = arith.addi %mul3A_12, %add3A_31 : vector<16xi32>
    %swap3A_33 = arith.constant 8 : i32
    %swap3A_34 = arith.index_cast %swap3A_33 : i32 to index
    %swap3A_35 = arith.constant 0 : index
    %swap3A_36 = tpu.vector_load %arg8[%swap3A_34, %swap3A_35] {strides = array<i32>} : memref<12x128xi32, #tpu.memory_space<vmem>>, vector<1x16xi32>,
    %swap3A_37 = vector.shape_cast %swap3A_36 : vector<1x16xi32> to vector<16xi32>
    %swap3A_38 = vector.shape_cast %add3A_32 : vector<16xi32> to vector<1x16xi32>
    tpu.vector_store %arg8[%swap3A_34, %swap3A_35], %swap3A_38 {strides = array<i32>} : memref<12x128xi32, #tpu.memory_space<vmem>>, vector<1x16xi32>,
    %get3A_39 = arith.constant 0 : i32
    %get3A_40 = arith.index_cast %get3A_39 : i32 to index
    %get3A_41 = arith.constant 16 : index
    %get3A_42 = tpu.vector_load %arg7[%get3A_40, %get3A_41] {strides = array<i32>} : memref<4x128xi32, #tpu.memory_space<vmem>>, vector<1x16xi32>,
    %get3A_43 = vector.shape_cast %get3A_42 : vector<1x16xi32> to vector<16xi32>
    %mul3A_44 = arith.constant 3 : i32
    %mul3A_45 = vector.broadcast %mul3A_44 : i32 to vector<16xi32>
    %mul3A_46 = arith.muli %get3A_43, %mul3A_45 : vector<16xi32>
    %add3A_47 = arith.constant 0 : i32
    %add3A_48 = vector.broadcast %add3A_47 : i32 to vector<16xi32>
    %add3A_49 = arith.addi %mul3A_46, %add3A_48 : vector<16xi32>
    %swap3A_50 = arith.constant 0 : i32
    %swap3A_51 = arith.index_cast %swap3A_50 : i32 to index
    %swap3A_52 = arith.constant 16 : index
    %swap3A_53 = tpu.vector_load %arg8[%swap3A_51, %swap3A_52] {strides = array<i32>} : memref<12x128xi32, #tpu.memory_space<vmem>>, vector<1x16xi32>,
    %swap3A_54 = vector.shape_cast %swap3A_53 : vector<1x16xi32> to vector<16xi32>
    %swap3A_55 = vector.shape_cast %add3A_49 : vector<16xi32> to vector<1x16xi32>
    tpu.vector_store %arg8[%swap3A_51, %swap3A_52], %swap3A_55 {strides = array<i32>} : memref<12x128xi32, #tpu.memory_space<vmem>>, vector<1x16xi32>,
    %add3A_56 = arith.constant 1 : i32
    %add3A_57 = vector.broadcast %add3A_56 : i32 to vector<16xi32>
    %add3A_58 = arith.addi %mul3A_46, %add3A_57 : vector<16xi32>
    %swap3A_59 = arith.constant 4 : i32
    %swap3A_60 = arith.index_cast %swap3A_59 : i32 to index
    %swap3A_61 = arith.constant 16 : index
    %swap3A_62 = tpu.vector_load %arg8[%swap3A_60, %swap3A_61] {strides = array<i32>} : memref<12x128xi32, #tpu.memory_space<vmem>>, vector<1x16xi32>,
    %swap3A_63 = vector.shape_cast %swap3A_62 : vector<1x16xi32> to vector<16xi32>
    %swap3A_64 = vector.shape_cast %add3A_58 : vector<16xi32> to vector<1x16xi32>
    tpu.vector_store %arg8[%swap3A_60, %swap3A_61], %swap3A_64 {strides = array<i32>} : memref<12x128xi32, #tpu.memory_space<vmem>>, vector<1x16xi32>,
    %add3A_65 = arith.constant 2 : i32
    %add3A_66 = vector.broadcast %add3A_65 : i32 to vector<16xi32>
    %add3A_67 = arith.addi %mul3A_46, %add3A_66 : vector<16xi32>
    %swap3A_68 = arith.constant 8 : i32
    %swap3A_69 = arith.index_cast %swap3A_68 : i32 to index
    %swap3A_70 = arith.constant 16 : index
    %swap3A_71 = tpu.vector_load %arg8[%swap3A_69, %swap3A_70] {strides = array<i32>} : memref<12x128xi32, #tpu.memory_space<vmem>>, vector<1x16xi32>,
    %swap3A_72 = vector.shape_cast %swap3A_71 : vector<1x16xi32> to vector<16xi32>
    %swap3A_73 = vector.shape_cast %add3A_67 : vector<16xi32> to vector<1x16xi32>
    tpu.vector_store %arg8[%swap3A_69, %swap3A_70], %swap3A_73 {strides = array<i32>} : memref<12x128xi32, #tpu.memory_space<vmem>>, vector<1x16xi32>,
    %get3A_74 = arith.constant 0 : i32
    %get3A_75 = arith.index_cast %get3A_74 : i32 to index
    %get3A_76 = arith.constant 32 : index
    %get3A_77 = tpu.vector_load %arg7[%get3A_75, %get3A_76] {strides = array<i32>} : memref<4x128xi32, #tpu.memory_space<vmem>>, vector<1x16xi32>,
    %get3A_78 = vector.shape_cast %get3A_77 : vector<1x16xi32> to vector<16xi32>
    %mul3A_79 = arith.constant 3 : i32
    %mul3A_80 = vector.broadcast %mul3A_79 : i32 to vector<16xi32>
    %mul3A_81 = arith.muli %get3A_78, %mul3A_80 : vector<16xi32>
    %add3A_82 = arith.constant 0 : i32
    %add3A_83 = vector.broadcast %add3A_82 : i32 to vector<16xi32>
    %add3A_84 = arith.addi %mul3A_81, %add3A_83 : vector<16xi32>
    %swap3A_85 = arith.constant 0 : i32
    %swap3A_86 = arith.index_cast %swap3A_85 : i32 to index
    %swap3A_87 = arith.constant 32 : index
    %swap3A_88 = tpu.vector_load %arg8[%swap3A_86, %swap3A_87] {strides = array<i32>} : memref<12x128xi32, #tpu.memory_space<vmem>>, vector<1x16xi32>,
    %swap3A_89 = vector.shape_cast %swap3A_88 : vector<1x16xi32> to vector<16xi32>
    %swap3A_90 = vector.shape_cast %add3A_84 : vector<16xi32> to vector<1x16xi32>
    tpu.vector_store %arg8[%swap3A_86, %swap3A_87], %swap3A_90 {strides = array<i32>} : memref<12x128xi32, #tpu.memory_space<vmem>>, vector<1x16xi32>,
    %add3A_91 = arith.constant 1 : i32
    %add3A_92 = vector.broadcast %add3A_91 : i32 to vector<16xi32>
    %add3A_93 = arith.addi %mul3A_81, %add3A_92 : vector<16xi32>
    %swap3A_94 = arith.constant 4 : i32
    %swap3A_95 = arith.index_cast %swap3A_94 : i32 to index
    %swap3A_96 = arith.constant 32 : index
    %swap3A_97 = tpu.vector_load %arg8[%swap3A_95, %swap3A_96] {strides = array<i32>} : memref<12x128xi32, #tpu.memory_space<vmem>>, vector<1x16xi32>,
    %swap3A_98 = vector.shape_cast %swap3A_97 : vector<1x16xi32> to vector<16xi32>
    %swap3A_99 = vector.shape_cast %add3A_93 : vector<16xi32> to vector<1x16xi32>
    tpu.vector_store %arg8[%swap3A_95, %swap3A_96], %swap3A_99 {strides = array<i32>} : memref<12x128xi32, #tpu.memory_space<vmem>>, vector<1x16xi32>,
    %add3A_100 = arith.constant 2 : i32
    %add3A_101 = vector.broadcast %add3A_100 : i32 to vector<16xi32>
    %add3A_102 = arith.addi %mul3A_81, %add3A_101 : vector<16xi32>
    %swap3A_103 = arith.constant 8 : i32
    %swap3A_104 = arith.index_cast %swap3A_103 : i32 to index
    %swap3A_105 = arith.constant 32 : index
    %swap3A_106 = tpu.vector_load %arg8[%swap3A_104, %swap3A_105] {strides = array<i32>} : memref<12x128xi32, #tpu.memory_space<vmem>>, vector<1x16xi32>,
    %swap3A_107 = vector.shape_cast %swap3A_106 : vector<1x16xi32> to vector<16xi32>
    %swap3A_108 = vector.shape_cast %add3A_102 : vector<16xi32> to vector<1x16xi32>
    tpu.vector_store %arg8[%swap3A_104, %swap3A_105], %swap3A_108 {strides = array<i32>} : memref<12x128xi32, #tpu.memory_space<vmem>>, vector<1x16xi32>,
    %get3A_109 = arith.constant 0 : i32
    %get3A_110 = arith.index_cast %get3A_109 : i32 to index
    %get3A_111 = arith.constant 48 : index
    %get3A_112 = tpu.vector_load %arg7[%get3A_110, %get3A_111] {strides = array<i32>} : memref<4x128xi32, #tpu.memory_space<vmem>>, vector<1x16xi32>,
    %get3A_113 = vector.shape_cast %get3A_112 : vector<1x16xi32> to vector<16xi32>
    %mul3A_114 = arith.constant 3 : i32
    %mul3A_115 = vector.broadcast %mul3A_114 : i32 to vector<16xi32>
    %mul3A_116 = arith.muli %get3A_113, %mul3A_115 : vector<16xi32>
    %add3A_117 = arith.constant 0 : i32
    %add3A_118 = vector.broadcast %add3A_117 : i32 to vector<16xi32>
    %add3A_119 = arith.addi %mul3A_116, %add3A_118 : vector<16xi32>
    %swap3A_120 = arith.constant 0 : i32
    %swap3A_121 = arith.index_cast %swap3A_120 : i32 to index
    %swap3A_122 = arith.constant 48 : index
    %swap3A_123 = tpu.vector_load %arg8[%swap3A_121, %swap3A_122] {strides = array<i32>} : memref<12x128xi32, #tpu.memory_space<vmem>>, vector<1x16xi32>,
    %swap3A_124 = vector.shape_cast %swap3A_123 : vector<1x16xi32> to vector<16xi32>
    %swap3A_125 = vector.shape_cast %add3A_119 : vector<16xi32> to vector<1x16xi32>
    tpu.vector_store %arg8[%swap3A_121, %swap3A_122], %swap3A_125 {strides = array<i32>} : memref<12x128xi32, #tpu.memory_space<vmem>>, vector<1x16xi32>,
    %add3A_126 = arith.constant 1 : i32
    %add3A_127 = vector.broadcast %add3A_126 : i32 to vector<16xi32>
    %add3A_128 = arith.addi %mul3A_116, %add3A_127 : vector<16xi32>
    %swap3A_129 = arith.constant 4 : i32
    %swap3A_130 = arith.index_cast %swap3A_129 : i32 to index
    %swap3A_131 = arith.constant 48 : index
    %swap3A_132 = tpu.vector_load %arg8[%swap3A_130, %swap3A_131] {strides = array<i32>} : memref<12x128xi32, #tpu.memory_space<vmem>>, vector<1x16xi32>,
    %swap3A_133 = vector.shape_cast %swap3A_132 : vector<1x16xi32> to vector<16xi32>
    %swap3A_134 = vector.shape_cast %add3A_128 : vector<16xi32> to vector<1x16xi32>
    tpu.vector_store %arg8[%swap3A_130, %swap3A_131], %swap3A_134 {strides = array<i32>} : memref<12x128xi32, #tpu.memory_space<vmem>>, vector<1x16xi32>,
    %add3A_135 = arith.constant 2 : i32
    %add3A_136 = vector.broadcast %add3A_135 : i32 to vector<16xi32>
    %add3A_137 = arith.addi %mul3A_116, %add3A_136 : vector<16xi32>
    %swap3A_138 = arith.constant 8 : i32
    %swap3A_139 = arith.index_cast %swap3A_138 : i32 to index
    %swap3A_140 = arith.constant 48 : index
    %swap3A_141 = tpu.vector_load %arg8[%swap3A_139, %swap3A_140] {strides = array<i32>} : memref<12x128xi32, #tpu.memory_space<vmem>>, vector<1x16xi32>,
    %swap3A_142 = vector.shape_cast %swap3A_141 : vector<1x16xi32> to vector<16xi32>
    %swap3A_143 = vector.shape_cast %add3A_137 : vector<16xi32> to vector<1x16xi32>
    tpu.vector_store %arg8[%swap3A_139, %swap3A_140], %swap3A_143 {strides = array<i32>} : memref<12x128xi32, #tpu.memory_space<vmem>>, vector<1x16xi32>,
    %get3A_144 = arith.constant 0 : i32
    %get3A_145 = arith.index_cast %get3A_144 : i32 to index
    %get3A_146 = arith.constant 64 : index
    %get3A_147 = tpu.vector_load %arg7[%get3A_145, %get3A_146] {strides = array<i32>} : memref<4x128xi32, #tpu.memory_space<vmem>>, vector<1x16xi32>,
    %get3A_148 = vector.shape_cast %get3A_147 : vector<1x16xi32> to vector<16xi32>
    %mul3A_149 = arith.constant 3 : i32
    %mul3A_150 = vector.broadcast %mul3A_149 : i32 to vector<16xi32>
    %mul3A_151 = arith.muli %get3A_148, %mul3A_150 : vector<16xi32>
    %add3A_152 = arith.constant 0 : i32
    %add3A_153 = vector.broadcast %add3A_152 : i32 to vector<16xi32>
    %add3A_154 = arith.addi %mul3A_151, %add3A_153 : vector<16xi32>
    %swap3A_155 = arith.constant 0 : i32
    %swap3A_156 = arith.index_cast %swap3A_155 : i32 to index
    %swap3A_157 = arith.constant 64 : index
    %swap3A_158 = tpu.vector_load %arg8[%swap3A_156, %swap3A_157] {strides = array<i32>} : memref<12x128xi32, #tpu.memory_space<vmem>>, vector<1x16xi32>,
    %swap3A_159 = vector.shape_cast %swap3A_158 : vector<1x16xi32> to vector<16xi32>
    %swap3A_160 = vector.shape_cast %add3A_154 : vector<16xi32> to vector<1x16xi32>
    tpu.vector_store %arg8[%swap3A_156, %swap3A_157], %swap3A_160 {strides = array<i32>} : memref<12x128xi32, #tpu.memory_space<vmem>>, vector<1x16xi32>,
    %add3A_161 = arith.constant 1 : i32
    %add3A_162 = vector.broadcast %add3A_161 : i32 to vector<16xi32>
    %add3A_163 = arith.addi %mul3A_151, %add3A_162 : vector<16xi32>
    %swap3A_164 = arith.constant 4 : i32
    %swap3A_165 = arith.index_cast %swap3A_164 : i32 to index
    %swap3A_166 = arith.constant 64 : index
    %swap3A_167 = tpu.vector_load %arg8[%swap3A_165, %swap3A_166] {strides = array<i32>} : memref<12x128xi32, #tpu.memory_space<vmem>>, vector<1x16xi32>,
    %swap3A_168 = vector.shape_cast %swap3A_167 : vector<1x16xi32> to vector<16xi32>
    %swap3A_169 = vector.shape_cast %add3A_163 : vector<16xi32> to vector<1x16xi32>
    tpu.vector_store %arg8[%swap3A_165, %swap3A_166], %swap3A_169 {strides = array<i32>} : memref<12x128xi32, #tpu.memory_space<vmem>>, vector<1x16xi32>,
    %add3A_170 = arith.constant 2 : i32
    %add3A_171 = vector.broadcast %add3A_170 : i32 to vector<16xi32>
    %add3A_172 = arith.addi %mul3A_151, %add3A_171 : vector<16xi32>
    %swap3A_173 = arith.constant 8 : i32
    %swap3A_174 = arith.index_cast %swap3A_173 : i32 to index
    %swap3A_175 = arith.constant 64 : index
    %swap3A_176 = tpu.vector_load %arg8[%swap3A_174, %swap3A_175] {strides = array<i32>} : memref<12x128xi32, #tpu.memory_space<vmem>>, vector<1x16xi32>,
    %swap3A_177 = vector.shape_cast %swap3A_176 : vector<1x16xi32> to vector<16xi32>
    %swap3A_178 = vector.shape_cast %add3A_172 : vector<16xi32> to vector<1x16xi32>
    tpu.vector_store %arg8[%swap3A_174, %swap3A_175], %swap3A_178 {strides = array<i32>} : memref<12x128xi32, #tpu.memory_space<vmem>>, vector<1x16xi32>,
    %get3A_179 = arith.constant 0 : i32
    %get3A_180 = arith.index_cast %get3A_179 : i32 to index
    %get3A_181 = arith.constant 80 : index
    %get3A_182 = tpu.vector_load %arg7[%get3A_180, %get3A_181] {strides = array<i32>} : memref<4x128xi32, #tpu.memory_space<vmem>>, vector<1x16xi32>,
    %get3A_183 = vector.shape_cast %get3A_182 : vector<1x16xi32> to vector<16xi32>
    %mul3A_184 = arith.constant 3 : i32
    %mul3A_185 = vector.broadcast %mul3A_184 : i32 to vector<16xi32>
    %mul3A_186 = arith.muli %get3A_183, %mul3A_185 : vector<16xi32>
    %add3A_187 = arith.constant 0 : i32
    %add3A_188 = vector.broadcast %add3A_187 : i32 to vector<16xi32>
    %add3A_189 = arith.addi %mul3A_186, %add3A_188 : vector<16xi32>
    %swap3A_190 = arith.constant 0 : i32
    %swap3A_191 = arith.index_cast %swap3A_190 : i32 to index
    %swap3A_192 = arith.constant 80 : index
    %swap3A_193 = tpu.vector_load %arg8[%swap3A_191, %swap3A_192] {strides = array<i32>} : memref<12x128xi32, #tpu.memory_space<vmem>>, vector<1x16xi32>,
    %swap3A_194 = vector.shape_cast %swap3A_193 : vector<1x16xi32> to vector<16xi32>
    %swap3A_195 = vector.shape_cast %add3A_189 : vector<16xi32> to vector<1x16xi32>
    tpu.vector_store %arg8[%swap3A_191, %swap3A_192], %swap3A_195 {strides = array<i32>} : memref<12x128xi32, #tpu.memory_space<vmem>>, vector<1x16xi32>,
    %add3A_196 = arith.constant 1 : i32
    %add3A_197 = vector.broadcast %add3A_196 : i32 to vector<16xi32>
    %add3A_198 = arith.addi %mul3A_186, %add3A_197 : vector<16xi32>
    %swap3A_199 = arith.constant 4 : i32
    %swap3A_200 = arith.index_cast %swap3A_199 : i32 to index
    %swap3A_201 = arith.constant 80 : index
    %swap3A_202 = tpu.vector_load %arg8[%swap3A_200, %swap3A_201] {strides = array<i32>} : memref<12x128xi32, #tpu.memory_space<vmem>>, vector<1x16xi32>,
    %swap3A_203 = vector.shape_cast %swap3A_202 : vector<1x16xi32> to vector<16xi32>
    %swap3A_204 = vector.shape_cast %add3A_198 : vector<16xi32> to vector<1x16xi32>
    tpu.vector_store %arg8[%swap3A_200, %swap3A_201], %swap3A_204 {strides = array<i32>} : memref<12x128xi32, #tpu.memory_space<vmem>>, vector<1x16xi32>,
    %add3A_205 = arith.constant 2 : i32
    %add3A_206 = vector.broadcast %add3A_205 : i32 to vector<16xi32>
    %add3A_207 = arith.addi %mul3A_186, %add3A_206 : vector<16xi32>
    %swap3A_208 = arith.constant 8 : i32
    %swap3A_209 = arith.index_cast %swap3A_208 : i32 to index
    %swap3A_210 = arith.constant 80 : index
    %swap3A_211 = tpu.vector_load %arg8[%swap3A_209, %swap3A_210] {strides = array<i32>} : memref<12x128xi32, #tpu.memory_space<vmem>>, vector<1x16xi32>,
    %swap3A_212 = vector.shape_cast %swap3A_211 : vector<1x16xi32> to vector<16xi32>
    %swap3A_213 = vector.shape_cast %add3A_207 : vector<16xi32> to vector<1x16xi32>
    tpu.vector_store %arg8[%swap3A_209, %swap3A_210], %swap3A_213 {strides = array<i32>} : memref<12x128xi32, #tpu.memory_space<vmem>>, vector<1x16xi32>,
    %get3A_214 = arith.constant 0 : i32
    %get3A_215 = arith.index_cast %get3A_214 : i32 to index
    %get3A_216 = arith.constant 96 : index
    %get3A_217 = tpu.vector_load %arg7[%get3A_215, %get3A_216] {strides = array<i32>} : memref<4x128xi32, #tpu.memory_space<vmem>>, vector<1x16xi32>,
    %get3A_218 = vector.shape_cast %get3A_217 : vector<1x16xi32> to vector<16xi32>
    %mul3A_219 = arith.constant 3 : i32
    %mul3A_220 = vector.broadcast %mul3A_219 : i32 to vector<16xi32>
    %mul3A_221 = arith.muli %get3A_218, %mul3A_220 : vector<16xi32>
    %add3A_222 = arith.constant 0 : i32
    %add3A_223 = vector.broadcast %add3A_222 : i32 to vector<16xi32>
    %add3A_224 = arith.addi %mul3A_221, %add3A_223 : vector<16xi32>
    %swap3A_225 = arith.constant 0 : i32
    %swap3A_226 = arith.index_cast %swap3A_225 : i32 to index
    %swap3A_227 = arith.constant 96 : index
    %swap3A_228 = tpu.vector_load %arg8[%swap3A_226, %swap3A_227] {strides = array<i32>} : memref<12x128xi32, #tpu.memory_space<vmem>>, vector<1x16xi32>,
    %swap3A_229 = vector.shape_cast %swap3A_228 : vector<1x16xi32> to vector<16xi32>
    %swap3A_230 = vector.shape_cast %add3A_224 : vector<16xi32> to vector<1x16xi32>
    tpu.vector_store %arg8[%swap3A_226, %swap3A_227], %swap3A_230 {strides = array<i32>} : memref<12x128xi32, #tpu.memory_space<vmem>>, vector<1x16xi32>,
    %add3A_231 = arith.constant 1 : i32
    %add3A_232 = vector.broadcast %add3A_231 : i32 to vector<16xi32>
    %add3A_233 = arith.addi %mul3A_221, %add3A_232 : vector<16xi32>
    %swap3A_234 = arith.constant 4 : i32
    %swap3A_235 = arith.index_cast %swap3A_234 : i32 to index
    %swap3A_236 = arith.constant 96 : index
    %swap3A_237 = tpu.vector_load %arg8[%swap3A_235, %swap3A_236] {strides = array<i32>} : memref<12x128xi32, #tpu.memory_space<vmem>>, vector<1x16xi32>,
    %swap3A_238 = vector.shape_cast %swap3A_237 : vector<1x16xi32> to vector<16xi32>
    %swap3A_239 = vector.shape_cast %add3A_233 : vector<16xi32> to vector<1x16xi32>
    tpu.vector_store %arg8[%swap3A_235, %swap3A_236], %swap3A_239 {strides = array<i32>} : memref<12x128xi32, #tpu.memory_space<vmem>>, vector<1x16xi32>,
    %add3A_240 = arith.constant 2 : i32
    %add3A_241 = vector.broadcast %add3A_240 : i32 to vector<16xi32>
    %add3A_242 = arith.addi %mul3A_221, %add3A_241 : vector<16xi32>
    %swap3A_243 = arith.constant 8 : i32
    %swap3A_244 = arith.index_cast %swap3A_243 : i32 to index
    %swap3A_245 = arith.constant 96 : index
    %swap3A_246 = tpu.vector_load %arg8[%swap3A_244, %swap3A_245] {strides = array<i32>} : memref<12x128xi32, #tpu.memory_space<vmem>>, vector<1x16xi32>,
    %swap3A_247 = vector.shape_cast %swap3A_246 : vector<1x16xi32> to vector<16xi32>
    %swap3A_248 = vector.shape_cast %add3A_242 : vector<16xi32> to vector<1x16xi32>
    tpu.vector_store %arg8[%swap3A_244, %swap3A_245], %swap3A_248 {strides = array<i32>} : memref<12x128xi32, #tpu.memory_space<vmem>>, vector<1x16xi32>,
    %get3A_249 = arith.constant 0 : i32
    %get3A_250 = arith.index_cast %get3A_249 : i32 to index
    %get3A_251 = arith.constant 112 : index
    %get3A_252 = tpu.vector_load %arg7[%get3A_250, %get3A_251] {strides = array<i32>} : memref<4x128xi32, #tpu.memory_space<vmem>>, vector<1x16xi32>,
    %get3A_253 = vector.shape_cast %get3A_252 : vector<1x16xi32> to vector<16xi32>
    %mul3A_254 = arith.constant 3 : i32
    %mul3A_255 = vector.broadcast %mul3A_254 : i32 to vector<16xi32>
    %mul3A_256 = arith.muli %get3A_253, %mul3A_255 : vector<16xi32>
    %add3A_257 = arith.constant 0 : i32
    %add3A_258 = vector.broadcast %add3A_257 : i32 to vector<16xi32>
    %add3A_259 = arith.addi %mul3A_256, %add3A_258 : vector<16xi32>
    %swap3A_260 = arith.constant 0 : i32
    %swap3A_261 = arith.index_cast %swap3A_260 : i32 to index
    %swap3A_262 = arith.constant 112 : index
    %swap3A_263 = tpu.vector_load %arg8[%swap3A_261, %swap3A_262] {strides = array<i32>} : memref<12x128xi32, #tpu.memory_space<vmem>>, vector<1x16xi32>,
    %swap3A_264 = vector.shape_cast %swap3A_263 : vector<1x16xi32> to vector<16xi32>
    %swap3A_265 = vector.shape_cast %add3A_259 : vector<16xi32> to vector<1x16xi32>
    tpu.vector_store %arg8[%swap3A_261, %swap3A_262], %swap3A_265 {strides = array<i32>} : memref<12x128xi32, #tpu.memory_space<vmem>>, vector<1x16xi32>,
    %add3A_266 = arith.constant 1 : i32
    %add3A_267 = vector.broadcast %add3A_266 : i32 to vector<16xi32>
    %add3A_268 = arith.addi %mul3A_256, %add3A_267 : vector<16xi32>
    %swap3A_269 = arith.constant 4 : i32
    %swap3A_270 = arith.index_cast %swap3A_269 : i32 to index
    %swap3A_271 = arith.constant 112 : index
    %swap3A_272 = tpu.vector_load %arg8[%swap3A_270, %swap3A_271] {strides = array<i32>} : memref<12x128xi32, #tpu.memory_space<vmem>>, vector<1x16xi32>,
    %swap3A_273 = vector.shape_cast %swap3A_272 : vector<1x16xi32> to vector<16xi32>
    %swap3A_274 = vector.shape_cast %add3A_268 : vector<16xi32> to vector<1x16xi32>
    tpu.vector_store %arg8[%swap3A_270, %swap3A_271], %swap3A_274 {strides = array<i32>} : memref<12x128xi32, #tpu.memory_space<vmem>>, vector<1x16xi32>,
    %add3A_275 = arith.constant 2 : i32
    %add3A_276 = vector.broadcast %add3A_275 : i32 to vector<16xi32>
    %add3A_277 = arith.addi %mul3A_256, %add3A_276 : vector<16xi32>
    %swap3A_278 = arith.constant 8 : i32
    %swap3A_279 = arith.index_cast %swap3A_278 : i32 to index
    %swap3A_280 = arith.constant 112 : index
    %swap3A_281 = tpu.vector_load %arg8[%swap3A_279, %swap3A_280] {strides = array<i32>} : memref<12x128xi32, #tpu.memory_space<vmem>>, vector<1x16xi32>,
    %swap3A_282 = vector.shape_cast %swap3A_281 : vector<1x16xi32> to vector<16xi32>
    %swap3A_283 = vector.shape_cast %add3A_277 : vector<16xi32> to vector<1x16xi32>
    tpu.vector_store %arg8[%swap3A_279, %swap3A_280], %swap3A_283 {strides = array<i32>} : memref<12x128xi32, #tpu.memory_space<vmem>>, vector<1x16xi32>,
    %get3A_284 = arith.constant 1 : i32
    %get3A_285 = arith.index_cast %get3A_284 : i32 to index
    %get3A_286 = arith.constant 0 : index
    %get3A_287 = tpu.vector_load %arg7[%get3A_285, %get3A_286] {strides = array<i32>} : memref<4x128xi32, #tpu.memory_space<vmem>>, vector<1x16xi32>,
    %get3A_288 = vector.shape_cast %get3A_287 : vector<1x16xi32> to vector<16xi32>
    %mul3A_289 = arith.constant 3 : i32
    %mul3A_290 = vector.broadcast %mul3A_289 : i32 to vector<16xi32>
    %mul3A_291 = arith.muli %get3A_288, %mul3A_290 : vector<16xi32>
    %add3A_292 = arith.constant 0 : i32
    %add3A_293 = vector.broadcast %add3A_292 : i32 to vector<16xi32>
    %add3A_294 = arith.addi %mul3A_291, %add3A_293 : vector<16xi32>
    %swap3A_295 = arith.constant 1 : i32
    %swap3A_296 = arith.index_cast %swap3A_295 : i32 to index
    %swap3A_297 = arith.constant 0 : index
    %swap3A_298 = tpu.vector_load %arg8[%swap3A_296, %swap3A_297] {strides = array<i32>} : memref<12x128xi32, #tpu.memory_space<vmem>>, vector<1x16xi32>,
    %swap3A_299 = vector.shape_cast %swap3A_298 : vector<1x16xi32> to vector<16xi32>
    %swap3A_300 = vector.shape_cast %add3A_294 : vector<16xi32> to vector<1x16xi32>
    tpu.vector_store %arg8[%swap3A_296, %swap3A_297], %swap3A_300 {strides = array<i32>} : memref<12x128xi32, #tpu.memory_space<vmem>>, vector<1x16xi32>,
    %add3A_301 = arith.constant 1 : i32
    %add3A_302 = vector.broadcast %add3A_301 : i32 to vector<16xi32>
    %add3A_303 = arith.addi %mul3A_291, %add3A_302 : vector<16xi32>
    %swap3A_304 = arith.constant 5 : i32
    %swap3A_305 = arith.index_cast %swap3A_304 : i32 to index
    %swap3A_306 = arith.constant 0 : index
    %swap3A_307 = tpu.vector_load %arg8[%swap3A_305, %swap3A_306] {strides = array<i32>} : memref<12x128xi32, #tpu.memory_space<vmem>>, vector<1x16xi32>,
    %swap3A_308 = vector.shape_cast %swap3A_307 : vector<1x16xi32> to vector<16xi32>
    %swap3A_309 = vector.shape_cast %add3A_303 : vector<16xi32> to vector<1x16xi32>
    tpu.vector_store %arg8[%swap3A_305, %swap3A_306], %swap3A_309 {strides = array<i32>} : memref<12x128xi32, #tpu.memory_space<vmem>>, vector<1x16xi32>,
    %add3A_310 = arith.constant 2 : i32
    %add3A_311 = vector.broadcast %add3A_310 : i32 to vector<16xi32>
    %add3A_312 = arith.addi %mul3A_291, %add3A_311 : vector<16xi32>
    %swap3A_313 = arith.constant 9 : i32
    %swap3A_314 = arith.index_cast %swap3A_313 : i32 to index
    %swap3A_315 = arith.constant 0 : index
    %swap3A_316 = tpu.vector_load %arg8[%swap3A_314, %swap3A_315] {strides = array<i32>} : memref<12x128xi32, #tpu.memory_space<vmem>>, vector<1x16xi32>,
    %swap3A_317 = vector.shape_cast %swap3A_316 : vector<1x16xi32> to vector<16xi32>
    %swap3A_318 = vector.shape_cast %add3A_312 : vector<16xi32> to vector<1x16xi32>
    tpu.vector_store %arg8[%swap3A_314, %swap3A_315], %swap3A_318 {strides = array<i32>} : memref<12x128xi32, #tpu.memory_space<vmem>>, vector<1x16xi32>,
    %get3A_319 = arith.constant 1 : i32
    %get3A_320 = arith.index_cast %get3A_319 : i32 to index
    %get3A_321 = arith.constant 16 : index
    %get3A_322 = tpu.vector_load %arg7[%get3A_320, %get3A_321] {strides = array<i32>} : memref<4x128xi32, #tpu.memory_space<vmem>>, vector<1x16xi32>,
    %get3A_323 = vector.shape_cast %get3A_322 : vector<1x16xi32> to vector<16xi32>
    %mul3A_324 = arith.constant 3 : i32
    %mul3A_325 = vector.broadcast %mul3A_324 : i32 to vector<16xi32>
    %mul3A_326 = arith.muli %get3A_323, %mul3A_325 : vector<16xi32>
    %add3A_327 = arith.constant 0 : i32
    %add3A_328 = vector.broadcast %add3A_327 : i32 to vector<16xi32>
    %add3A_329 = arith.addi %mul3A_326, %add3A_328 : vector<16xi32>
    %swap3A_330 = arith.constant 1 : i32
    %swap3A_331 = arith.index_cast %swap3A_330 : i32 to index
    %swap3A_332 = arith.constant 16 : index
    %swap3A_333 = tpu.vector_load %arg8[%swap3A_331, %swap3A_332] {strides = array<i32>} : memref<12x128xi32, #tpu.memory_space<vmem>>, vector<1x16xi32>,
    %swap3A_334 = vector.shape_cast %swap3A_333 : vector<1x16xi32> to vector<16xi32>
    %swap3A_335 = vector.shape_cast %add3A_329 : vector<16xi32> to vector<1x16xi32>
    tpu.vector_store %arg8[%swap3A_331, %swap3A_332], %swap3A_335 {strides = array<i32>} : memref<12x128xi32, #tpu.memory_space<vmem>>, vector<1x16xi32>,
    %add3A_336 = arith.constant 1 : i32
    %add3A_337 = vector.broadcast %add3A_336 : i32 to vector<16xi32>
    %add3A_338 = arith.addi %mul3A_326, %add3A_337 : vector<16xi32>
    %swap3A_339 = arith.constant 5 : i32
    %swap3A_340 = arith.index_cast %swap3A_339 : i32 to index
    %swap3A_341 = arith.constant 16 : index
    %swap3A_342 = tpu.vector_load %arg8[%swap3A_340, %swap3A_341] {strides = array<i32>} : memref<12x128xi32, #tpu.memory_space<vmem>>, vector<1x16xi32>,
    %swap3A_343 = vector.shape_cast %swap3A_342 : vector<1x16xi32> to vector<16xi32>
    %swap3A_344 = vector.shape_cast %add3A_338 : vector<16xi32> to vector<1x16xi32>
    tpu.vector_store %arg8[%swap3A_340, %swap3A_341], %swap3A_344 {strides = array<i32>} : memref<12x128xi32, #tpu.memory_space<vmem>>, vector<1x16xi32>,
    %add3A_345 = arith.constant 2 : i32
    %add3A_346 = vector.broadcast %add3A_345 : i32 to vector<16xi32>
    %add3A_347 = arith.addi %mul3A_326, %add3A_346 : vector<16xi32>
    %swap3A_348 = arith.constant 9 : i32
    %swap3A_349 = arith.index_cast %swap3A_348 : i32 to index
    %swap3A_350 = arith.constant 16 : index
    %swap3A_351 = tpu.vector_load %arg8[%swap3A_349, %swap3A_350] {strides = array<i32>} : memref<12x128xi32, #tpu.memory_space<vmem>>, vector<1x16xi32>,
    %swap3A_352 = vector.shape_cast %swap3A_351 : vector<1x16xi32> to vector<16xi32>
    %swap3A_353 = vector.shape_cast %add3A_347 : vector<16xi32> to vector<1x16xi32>
    tpu.vector_store %arg8[%swap3A_349, %swap3A_350], %swap3A_353 {strides = array<i32>} : memref<12x128xi32, #tpu.memory_space<vmem>>, vector<1x16xi32>,
    %get3A_354 = arith.constant 1 : i32
    %get3A_355 = arith.index_cast %get3A_354 : i32 to index
    %get3A_356 = arith.constant 32 : index
    %get3A_357 = tpu.vector_load %arg7[%get3A_355, %get3A_356] {strides = array<i32>} : memref<4x128xi32, #tpu.memory_space<vmem>>, vector<1x16xi32>,
    %get3A_358 = vector.shape_cast %get3A_357 : vector<1x16xi32> to vector<16xi32>
    %mul3A_359 = arith.constant 3 : i32
    %mul3A_360 = vector.broadcast %mul3A_359 : i32 to vector<16xi32>
    %mul3A_361 = arith.muli %get3A_358, %mul3A_360 : vector<16xi32>
    %add3A_362 = arith.constant 0 : i32
    %add3A_363 = vector.broadcast %add3A_362 : i32 to vector<16xi32>
    %add3A_364 = arith.addi %mul3A_361, %add3A_363 : vector<16xi32>
    %swap3A_365 = arith.constant 1 : i32
    %swap3A_366 = arith.index_cast %swap3A_365 : i32 to index
    %swap3A_367 = arith.constant 32 : index
    %swap3A_368 = tpu.vector_load %arg8[%swap3A_366, %swap3A_367] {strides = array<i32>} : memref<12x128xi32, #tpu.memory_space<vmem>>, vector<1x16xi32>,
    %swap3A_369 = vector.shape_cast %swap3A_368 : vector<1x16xi32> to vector<16xi32>
    %swap3A_370 = vector.shape_cast %add3A_364 : vector<16xi32> to vector<1x16xi32>
    tpu.vector_store %arg8[%swap3A_366, %swap3A_367], %swap3A_370 {strides = array<i32>} : memref<12x128xi32, #tpu.memory_space<vmem>>, vector<1x16xi32>,
    %add3A_371 = arith.constant 1 : i32
    %add3A_372 = vector.broadcast %add3A_371 : i32 to vector<16xi32>
    %add3A_373 = arith.addi %mul3A_361, %add3A_372 : vector<16xi32>
    %swap3A_374 = arith.constant 5 : i32
    %swap3A_375 = arith.index_cast %swap3A_374 : i32 to index
    %swap3A_376 = arith.constant 32 : index
    %swap3A_377 = tpu.vector_load %arg8[%swap3A_375, %swap3A_376] {strides = array<i32>} : memref<12x128xi32, #tpu.memory_space<vmem>>, vector<1x16xi32>,
    %swap3A_378 = vector.shape_cast %swap3A_377 : vector<1x16xi32> to vector<16xi32>
    %swap3A_379 = vector.shape_cast %add3A_373 : vector<16xi32> to vector<1x16xi32>
    tpu.vector_store %arg8[%swap3A_375, %swap3A_376], %swap3A_379 {strides = array<i32>} : memref<12x128xi32, #tpu.memory_space<vmem>>, vector<1x16xi32>,
    %add3A_380 = arith.constant 2 : i32
    %add3A_381 = vector.broadcast %add3A_380 : i32 to vector<16xi32>
    %add3A_382 = arith.addi %mul3A_361, %add3A_381 : vector<16xi32>
    %swap3A_383 = arith.constant 9 : i32
    %swap3A_384 = arith.index_cast %swap3A_383 : i32 to index
    %swap3A_385 = arith.constant 32 : index
    %swap3A_386 = tpu.vector_load %arg8[%swap3A_384, %swap3A_385] {strides = array<i32>} : memref<12x128xi32, #tpu.memory_space<vmem>>, vector<1x16xi32>,
    %swap3A_387 = vector.shape_cast %swap3A_386 : vector<1x16xi32> to vector<16xi32>
    %swap3A_388 = vector.shape_cast %add3A_382 : vector<16xi32> to vector<1x16xi32>
    tpu.vector_store %arg8[%swap3A_384, %swap3A_385], %swap3A_388 {strides = array<i32>} : memref<12x128xi32, #tpu.memory_space<vmem>>, vector<1x16xi32>,
    %get3A_389 = arith.constant 1 : i32
    %get3A_390 = arith.index_cast %get3A_389 : i32 to index
    %get3A_391 = arith.constant 48 : index
    %get3A_392 = tpu.vector_load %arg7[%get3A_390, %get3A_391] {strides = array<i32>} : memref<4x128xi32, #tpu.memory_space<vmem>>, vector<1x16xi32>,
    %get3A_393 = vector.shape_cast %get3A_392 : vector<1x16xi32> to vector<16xi32>
    %mul3A_394 = arith.constant 3 : i32
    %mul3A_395 = vector.broadcast %mul3A_394 : i32 to vector<16xi32>
    %mul3A_396 = arith.muli %get3A_393, %mul3A_395 : vector<16xi32>
    %add3A_397 = arith.constant 0 : i32
    %add3A_398 = vector.broadcast %add3A_397 : i32 to vector<16xi32>
    %add3A_399 = arith.addi %mul3A_396, %add3A_398 : vector<16xi32>
    %swap3A_400 = arith.constant 1 : i32
    %swap3A_401 = arith.index_cast %swap3A_400 : i32 to index
    %swap3A_402 = arith.constant 48 : index
    %swap3A_403 = tpu.vector_load %arg8[%swap3A_401, %swap3A_402] {strides = array<i32>} : memref<12x128xi32, #tpu.memory_space<vmem>>, vector<1x16xi32>,
    %swap3A_404 = vector.shape_cast %swap3A_403 : vector<1x16xi32> to vector<16xi32>
    %swap3A_405 = vector.shape_cast %add3A_399 : vector<16xi32> to vector<1x16xi32>
    tpu.vector_store %arg8[%swap3A_401, %swap3A_402], %swap3A_405 {strides = array<i32>} : memref<12x128xi32, #tpu.memory_space<vmem>>, vector<1x16xi32>,
    %add3A_406 = arith.constant 1 : i32
    %add3A_407 = vector.broadcast %add3A_406 : i32 to vector<16xi32>
    %add3A_408 = arith.addi %mul3A_396, %add3A_407 : vector<16xi32>
    %swap3A_409 = arith.constant 5 : i32
    %swap3A_410 = arith.index_cast %swap3A_409 : i32 to index
    %swap3A_411 = arith.constant 48 : index
    %swap3A_412 = tpu.vector_load %arg8[%swap3A_410, %swap3A_411] {strides = array<i32>} : memref<12x128xi32, #tpu.memory_space<vmem>>, vector<1x16xi32>,
    %swap3A_413 = vector.shape_cast %swap3A_412 : vector<1x16xi32> to vector<16xi32>
    %swap3A_414 = vector.shape_cast %add3A_408 : vector<16xi32> to vector<1x16xi32>
    tpu.vector_store %arg8[%swap3A_410, %swap3A_411], %swap3A_414 {strides = array<i32>} : memref<12x128xi32, #tpu.memory_space<vmem>>, vector<1x16xi32>,
    %add3A_415 = arith.constant 2 : i32
    %add3A_416 = vector.broadcast %add3A_415 : i32 to vector<16xi32>
    %add3A_417 = arith.addi %mul3A_396, %add3A_416 : vector<16xi32>
    %swap3A_418 = arith.constant 9 : i32
    %swap3A_419 = arith.index_cast %swap3A_418 : i32 to index
    %swap3A_420 = arith.constant 48 : index
    %swap3A_421 = tpu.vector_load %arg8[%swap3A_419, %swap3A_420] {strides = array<i32>} : memref<12x128xi32, #tpu.memory_space<vmem>>, vector<1x16xi32>,
    %swap3A_422 = vector.shape_cast %swap3A_421 : vector<1x16xi32> to vector<16xi32>
    %swap3A_423 = vector.shape_cast %add3A_417 : vector<16xi32> to vector<1x16xi32>
    tpu.vector_store %arg8[%swap3A_419, %swap3A_420], %swap3A_423 {strides = array<i32>} : memref<12x128xi32, #tpu.memory_space<vmem>>, vector<1x16xi32>,
    %get3A_424 = arith.constant 1 : i32
    %get3A_425 = arith.index_cast %get3A_424 : i32 to index
    %get3A_426 = arith.constant 64 : index
    %get3A_427 = tpu.vector_load %arg7[%get3A_425, %get3A_426] {strides = array<i32>} : memref<4x128xi32, #tpu.memory_space<vmem>>, vector<1x16xi32>,
    %get3A_428 = vector.shape_cast %get3A_427 : vector<1x16xi32> to vector<16xi32>
    %mul3A_429 = arith.constant 3 : i32
    %mul3A_430 = vector.broadcast %mul3A_429 : i32 to vector<16xi32>
    %mul3A_431 = arith.muli %get3A_428, %mul3A_430 : vector<16xi32>
    %add3A_432 = arith.constant 0 : i32
    %add3A_433 = vector.broadcast %add3A_432 : i32 to vector<16xi32>
    %add3A_434 = arith.addi %mul3A_431, %add3A_433 : vector<16xi32>
    %swap3A_435 = arith.constant 1 : i32
    %swap3A_436 = arith.index_cast %swap3A_435 : i32 to index
    %swap3A_437 = arith.constant 64 : index
    %swap3A_438 = tpu.vector_load %arg8[%swap3A_436, %swap3A_437] {strides = array<i32>} : memref<12x128xi32, #tpu.memory_space<vmem>>, vector<1x16xi32>,
    %swap3A_439 = vector.shape_cast %swap3A_438 : vector<1x16xi32> to vector<16xi32>
    %swap3A_440 = vector.shape_cast %add3A_434 : vector<16xi32> to vector<1x16xi32>
    tpu.vector_store %arg8[%swap3A_436, %swap3A_437], %swap3A_440 {strides = array<i32>} : memref<12x128xi32, #tpu.memory_space<vmem>>, vector<1x16xi32>,
    %add3A_441 = arith.constant 1 : i32
    %add3A_442 = vector.broadcast %add3A_441 : i32 to vector<16xi32>
    %add3A_443 = arith.addi %mul3A_431, %add3A_442 : vector<16xi32>
    %swap3A_444 = arith.constant 5 : i32
    %swap3A_445 = arith.index_cast %swap3A_444 : i32 to index
    %swap3A_446 = arith.constant 64 : index
    %swap3A_447 = tpu.vector_load %arg8[%swap3A_445, %swap3A_446] {strides = array<i32>} : memref<12x128xi32, #tpu.memory_space<vmem>>, vector<1x16xi32>,
    %swap3A_448 = vector.shape_cast %swap3A_447 : vector<1x16xi32> to vector<16xi32>
    %swap3A_449 = vector.shape_cast %add3A_443 : vector<16xi32> to vector<1x16xi32>
    tpu.vector_store %arg8[%swap3A_445, %swap3A_446], %swap3A_449 {strides = array<i32>} : memref<12x128xi32, #tpu.memory_space<vmem>>, vector<1x16xi32>,
    %add3A_450 = arith.constant 2 : i32
    %add3A_451 = vector.broadcast %add3A_450 : i32 to vector<16xi32>
    %add3A_452 = arith.addi %mul3A_431, %add3A_451 : vector<16xi32>
    %swap3A_453 = arith.constant 9 : i32
    %swap3A_454 = arith.index_cast %swap3A_453 : i32 to index
    %swap3A_455 = arith.constant 64 : index
    %swap3A_456 = tpu.vector_load %arg8[%swap3A_454, %swap3A_455] {strides = array<i32>} : memref<12x128xi32, #tpu.memory_space<vmem>>, vector<1x16xi32>,
    %swap3A_457 = vector.shape_cast %swap3A_456 : vector<1x16xi32> to vector<16xi32>
    %swap3A_458 = vector.shape_cast %add3A_452 : vector<16xi32> to vector<1x16xi32>
    tpu.vector_store %arg8[%swap3A_454, %swap3A_455], %swap3A_458 {strides = array<i32>} : memref<12x128xi32, #tpu.memory_space<vmem>>, vector<1x16xi32>,
    %get3A_459 = arith.constant 1 : i32
    %get3A_460 = arith.index_cast %get3A_459 : i32 to index
    %get3A_461 = arith.constant 80 : index
    %get3A_462 = tpu.vector_load %arg7[%get3A_460, %get3A_461] {strides = array<i32>} : memref<4x128xi32, #tpu.memory_space<vmem>>, vector<1x16xi32>,
    %get3A_463 = vector.shape_cast %get3A_462 : vector<1x16xi32> to vector<16xi32>
    %mul3A_464 = arith.constant 3 : i32
    %mul3A_465 = vector.broadcast %mul3A_464 : i32 to vector<16xi32>
    %mul3A_466 = arith.muli %get3A_463, %mul3A_465 : vector<16xi32>
    %add3A_467 = arith.constant 0 : i32
    %add3A_468 = vector.broadcast %add3A_467 : i32 to vector<16xi32>
    %add3A_469 = arith.addi %mul3A_466, %add3A_468 : vector<16xi32>
    %swap3A_470 = arith.constant 1 : i32
    %swap3A_471 = arith.index_cast %swap3A_470 : i32 to index
    %swap3A_472 = arith.constant 80 : index
    %swap3A_473 = tpu.vector_load %arg8[%swap3A_471, %swap3A_472] {strides = array<i32>} : memref<12x128xi32, #tpu.memory_space<vmem>>, vector<1x16xi32>,
    %swap3A_474 = vector.shape_cast %swap3A_473 : vector<1x16xi32> to vector<16xi32>
    %swap3A_475 = vector.shape_cast %add3A_469 : vector<16xi32> to vector<1x16xi32>
    tpu.vector_store %arg8[%swap3A_471, %swap3A_472], %swap3A_475 {strides = array<i32>} : memref<12x128xi32, #tpu.memory_space<vmem>>, vector<1x16xi32>,
    %add3A_476 = arith.constant 1 : i32
    %add3A_477 = vector.broadcast %add3A_476 : i32 to vector<16xi32>
    %add3A_478 = arith.addi %mul3A_466, %add3A_477 : vector<16xi32>
    %swap3A_479 = arith.constant 5 : i32
    %swap3A_480 = arith.index_cast %swap3A_479 : i32 to index
    %swap3A_481 = arith.constant 80 : index
    %swap3A_482 = tpu.vector_load %arg8[%swap3A_480, %swap3A_481] {strides = array<i32>} : memref<12x128xi32, #tpu.memory_space<vmem>>, vector<1x16xi32>,
    %swap3A_483 = vector.shape_cast %swap3A_482 : vector<1x16xi32> to vector<16xi32>
    %swap3A_484 = vector.shape_cast %add3A_478 : vector<16xi32> to vector<1x16xi32>
    tpu.vector_store %arg8[%swap3A_480, %swap3A_481], %swap3A_484 {strides = array<i32>} : memref<12x128xi32, #tpu.memory_space<vmem>>, vector<1x16xi32>,
    %add3A_485 = arith.constant 2 : i32
    %add3A_486 = vector.broadcast %add3A_485 : i32 to vector<16xi32>
    %add3A_487 = arith.addi %mul3A_466, %add3A_486 : vector<16xi32>
    %swap3A_488 = arith.constant 9 : i32
    %swap3A_489 = arith.index_cast %swap3A_488 : i32 to index
    %swap3A_490 = arith.constant 80 : index
    %swap3A_491 = tpu.vector_load %arg8[%swap3A_489, %swap3A_490] {strides = array<i32>} : memref<12x128xi32, #tpu.memory_space<vmem>>, vector<1x16xi32>,
    %swap3A_492 = vector.shape_cast %swap3A_491 : vector<1x16xi32> to vector<16xi32>
    %swap3A_493 = vector.shape_cast %add3A_487 : vector<16xi32> to vector<1x16xi32>
    tpu.vector_store %arg8[%swap3A_489, %swap3A_490], %swap3A_493 {strides = array<i32>} : memref<12x128xi32, #tpu.memory_space<vmem>>, vector<1x16xi32>,
    %get3A_494 = arith.constant 1 : i32
    %get3A_495 = arith.index_cast %get3A_494 : i32 to index
    %get3A_496 = arith.constant 96 : index
    %get3A_497 = tpu.vector_load %arg7[%get3A_495, %get3A_496] {strides = array<i32>} : memref<4x128xi32, #tpu.memory_space<vmem>>, vector<1x16xi32>,
    %get3A_498 = vector.shape_cast %get3A_497 : vector<1x16xi32> to vector<16xi32>
    %mul3A_499 = arith.constant 3 : i32
    %mul3A_500 = vector.broadcast %mul3A_499 : i32 to vector<16xi32>
    %mul3A_501 = arith.muli %get3A_498, %mul3A_500 : vector<16xi32>
    %add3A_502 = arith.constant 0 : i32
    %add3A_503 = vector.broadcast %add3A_502 : i32 to vector<16xi32>
    %add3A_504 = arith.addi %mul3A_501, %add3A_503 : vector<16xi32>
    %swap3A_505 = arith.constant 1 : i32
    %swap3A_506 = arith.index_cast %swap3A_505 : i32 to index
    %swap3A_507 = arith.constant 96 : index
    %swap3A_508 = tpu.vector_load %arg8[%swap3A_506, %swap3A_507] {strides = array<i32>} : memref<12x128xi32, #tpu.memory_space<vmem>>, vector<1x16xi32>,
    %swap3A_509 = vector.shape_cast %swap3A_508 : vector<1x16xi32> to vector<16xi32>
    %swap3A_510 = vector.shape_cast %add3A_504 : vector<16xi32> to vector<1x16xi32>
    tpu.vector_store %arg8[%swap3A_506, %swap3A_507], %swap3A_510 {strides = array<i32>} : memref<12x128xi32, #tpu.memory_space<vmem>>, vector<1x16xi32>,
    %add3A_511 = arith.constant 1 : i32
    %add3A_512 = vector.broadcast %add3A_511 : i32 to vector<16xi32>
    %add3A_513 = arith.addi %mul3A_501, %add3A_512 : vector<16xi32>
    %swap3A_514 = arith.constant 5 : i32
    %swap3A_515 = arith.index_cast %swap3A_514 : i32 to index
    %swap3A_516 = arith.constant 96 : index
    %swap3A_517 = tpu.vector_load %arg8[%swap3A_515, %swap3A_516] {strides = array<i32>} : memref<12x128xi32, #tpu.memory_space<vmem>>, vector<1x16xi32>,
    %swap3A_518 = vector.shape_cast %swap3A_517 : vector<1x16xi32> to vector<16xi32>
    %swap3A_519 = vector.shape_cast %add3A_513 : vector<16xi32> to vector<1x16xi32>
    tpu.vector_store %arg8[%swap3A_515, %swap3A_516], %swap3A_519 {strides = array<i32>} : memref<12x128xi32, #tpu.memory_space<vmem>>, vector<1x16xi32>,
    %add3A_520 = arith.constant 2 : i32
    %add3A_521 = vector.broadcast %add3A_520 : i32 to vector<16xi32>
    %add3A_522 = arith.addi %mul3A_501, %add3A_521 : vector<16xi32>
    %swap3A_523 = arith.constant 9 : i32
    %swap3A_524 = arith.index_cast %swap3A_523 : i32 to index
    %swap3A_525 = arith.constant 96 : index
    %swap3A_526 = tpu.vector_load %arg8[%swap3A_524, %swap3A_525] {strides = array<i32>} : memref<12x128xi32, #tpu.memory_space<vmem>>, vector<1x16xi32>,
    %swap3A_527 = vector.shape_cast %swap3A_526 : vector<1x16xi32> to vector<16xi32>
    %swap3A_528 = vector.shape_cast %add3A_522 : vector<16xi32> to vector<1x16xi32>
    tpu.vector_store %arg8[%swap3A_524, %swap3A_525], %swap3A_528 {strides = array<i32>} : memref<12x128xi32, #tpu.memory_space<vmem>>, vector<1x16xi32>,
    %get3A_529 = arith.constant 1 : i32
    %get3A_530 = arith.index_cast %get3A_529 : i32 to index
    %get3A_531 = arith.constant 112 : index
    %get3A_532 = tpu.vector_load %arg7[%get3A_530, %get3A_531] {strides = array<i32>} : memref<4x128xi32, #tpu.memory_space<vmem>>, vector<1x16xi32>,
    %get3A_533 = vector.shape_cast %get3A_532 : vector<1x16xi32> to vector<16xi32>
    %mul3A_534 = arith.constant 3 : i32
    %mul3A_535 = vector.broadcast %mul3A_534 : i32 to vector<16xi32>
    %mul3A_536 = arith.muli %get3A_533, %mul3A_535 : vector<16xi32>
    %add3A_537 = arith.constant 0 : i32
    %add3A_538 = vector.broadcast %add3A_537 : i32 to vector<16xi32>
    %add3A_539 = arith.addi %mul3A_536, %add3A_538 : vector<16xi32>
    %swap3A_540 = arith.constant 1 : i32
    %swap3A_541 = arith.index_cast %swap3A_540 : i32 to index
    %swap3A_542 = arith.constant 112 : index
    %swap3A_543 = tpu.vector_load %arg8[%swap3A_541, %swap3A_542] {strides = array<i32>} : memref<12x128xi32, #tpu.memory_space<vmem>>, vector<1x16xi32>,
    %swap3A_544 = vector.shape_cast %swap3A_543 : vector<1x16xi32> to vector<16xi32>
    %swap3A_545 = vector.shape_cast %add3A_539 : vector<16xi32> to vector<1x16xi32>
    tpu.vector_store %arg8[%swap3A_541, %swap3A_542], %swap3A_545 {strides = array<i32>} : memref<12x128xi32, #tpu.memory_space<vmem>>, vector<1x16xi32>,
    %add3A_546 = arith.constant 1 : i32
    %add3A_547 = vector.broadcast %add3A_546 : i32 to vector<16xi32>
    %add3A_548 = arith.addi %mul3A_536, %add3A_547 : vector<16xi32>
    %swap3A_549 = arith.constant 5 : i32
    %swap3A_550 = arith.index_cast %swap3A_549 : i32 to index
    %swap3A_551 = arith.constant 112 : index
    %swap3A_552 = tpu.vector_load %arg8[%swap3A_550, %swap3A_551] {strides = array<i32>} : memref<12x128xi32, #tpu.memory_space<vmem>>, vector<1x16xi32>,
    %swap3A_553 = vector.shape_cast %swap3A_552 : vector<1x16xi32> to vector<16xi32>
    %swap3A_554 = vector.shape_cast %add3A_548 : vector<16xi32> to vector<1x16xi32>
    tpu.vector_store %arg8[%swap3A_550, %swap3A_551], %swap3A_554 {strides = array<i32>} : memref<12x128xi32, #tpu.memory_space<vmem>>, vector<1x16xi32>,
    %add3A_555 = arith.constant 2 : i32
    %add3A_556 = vector.broadcast %add3A_555 : i32 to vector<16xi32>
    %add3A_557 = arith.addi %mul3A_536, %add3A_556 : vector<16xi32>
    %swap3A_558 = arith.constant 9 : i32
    %swap3A_559 = arith.index_cast %swap3A_558 : i32 to index
    %swap3A_560 = arith.constant 112 : index
    %swap3A_561 = tpu.vector_load %arg8[%swap3A_559, %swap3A_560] {strides = array<i32>} : memref<12x128xi32, #tpu.memory_space<vmem>>, vector<1x16xi32>,
    %swap3A_562 = vector.shape_cast %swap3A_561 : vector<1x16xi32> to vector<16xi32>
    %swap3A_563 = vector.shape_cast %add3A_557 : vector<16xi32> to vector<1x16xi32>
    tpu.vector_store %arg8[%swap3A_559, %swap3A_560], %swap3A_563 {strides = array<i32>} : memref<12x128xi32, #tpu.memory_space<vmem>>, vector<1x16xi32>,
    %get3A_564 = arith.constant 2 : i32
    %get3A_565 = arith.index_cast %get3A_564 : i32 to index
    %get3A_566 = arith.constant 0 : index
    %get3A_567 = tpu.vector_load %arg7[%get3A_565, %get3A_566] {strides = array<i32>} : memref<4x128xi32, #tpu.memory_space<vmem>>, vector<1x16xi32>,
    %get3A_568 = vector.shape_cast %get3A_567 : vector<1x16xi32> to vector<16xi32>
    %mul3A_569 = arith.constant 3 : i32
    %mul3A_570 = vector.broadcast %mul3A_569 : i32 to vector<16xi32>
    %mul3A_571 = arith.muli %get3A_568, %mul3A_570 : vector<16xi32>
    %add3A_572 = arith.constant 0 : i32
    %add3A_573 = vector.broadcast %add3A_572 : i32 to vector<16xi32>
    %add3A_574 = arith.addi %mul3A_571, %add3A_573 : vector<16xi32>
    %swap3A_575 = arith.constant 2 : i32
    %swap3A_576 = arith.index_cast %swap3A_575 : i32 to index
    %swap3A_577 = arith.constant 0 : index
    %swap3A_578 = tpu.vector_load %arg8[%swap3A_576, %swap3A_577] {strides = array<i32>} : memref<12x128xi32, #tpu.memory_space<vmem>>, vector<1x16xi32>,
    %swap3A_579 = vector.shape_cast %swap3A_578 : vector<1x16xi32> to vector<16xi32>
    %swap3A_580 = vector.shape_cast %add3A_574 : vector<16xi32> to vector<1x16xi32>
    tpu.vector_store %arg8[%swap3A_576, %swap3A_577], %swap3A_580 {strides = array<i32>} : memref<12x128xi32, #tpu.memory_space<vmem>>, vector<1x16xi32>,
    %add3A_581 = arith.constant 1 : i32
    %add3A_582 = vector.broadcast %add3A_581 : i32 to vector<16xi32>
    %add3A_583 = arith.addi %mul3A_571, %add3A_582 : vector<16xi32>
    %swap3A_584 = arith.constant 6 : i32
    %swap3A_585 = arith.index_cast %swap3A_584 : i32 to index
    %swap3A_586 = arith.constant 0 : index
    %swap3A_587 = tpu.vector_load %arg8[%swap3A_585, %swap3A_586] {strides = array<i32>} : memref<12x128xi32, #tpu.memory_space<vmem>>, vector<1x16xi32>,
    %swap3A_588 = vector.shape_cast %swap3A_587 : vector<1x16xi32> to vector<16xi32>
    %swap3A_589 = vector.shape_cast %add3A_583 : vector<16xi32> to vector<1x16xi32>
    tpu.vector_store %arg8[%swap3A_585, %swap3A_586], %swap3A_589 {strides = array<i32>} : memref<12x128xi32, #tpu.memory_space<vmem>>, vector<1x16xi32>,
    %add3A_590 = arith.constant 2 : i32
    %add3A_591 = vector.broadcast %add3A_590 : i32 to vector<16xi32>
    %add3A_592 = arith.addi %mul3A_571, %add3A_591 : vector<16xi32>
    %swap3A_593 = arith.constant 10 : i32
    %swap3A_594 = arith.index_cast %swap3A_593 : i32 to index
    %swap3A_595 = arith.constant 0 : index
    %swap3A_596 = tpu.vector_load %arg8[%swap3A_594, %swap3A_595] {strides = array<i32>} : memref<12x128xi32, #tpu.memory_space<vmem>>, vector<1x16xi32>,
    %swap3A_597 = vector.shape_cast %swap3A_596 : vector<1x16xi32> to vector<16xi32>
    %swap3A_598 = vector.shape_cast %add3A_592 : vector<16xi32> to vector<1x16xi32>
    tpu.vector_store %arg8[%swap3A_594, %swap3A_595], %swap3A_598 {strides = array<i32>} : memref<12x128xi32, #tpu.memory_space<vmem>>, vector<1x16xi32>,
    %get3A_599 = arith.constant 2 : i32
    %get3A_600 = arith.index_cast %get3A_599 : i32 to index
    %get3A_601 = arith.constant 16 : index
    %get3A_602 = tpu.vector_load %arg7[%get3A_600, %get3A_601] {strides = array<i32>} : memref<4x128xi32, #tpu.memory_space<vmem>>, vector<1x16xi32>,
    %get3A_603 = vector.shape_cast %get3A_602 : vector<1x16xi32> to vector<16xi32>
    %mul3A_604 = arith.constant 3 : i32
    %mul3A_605 = vector.broadcast %mul3A_604 : i32 to vector<16xi32>
    %mul3A_606 = arith.muli %get3A_603, %mul3A_605 : vector<16xi32>
    %add3A_607 = arith.constant 0 : i32
    %add3A_608 = vector.broadcast %add3A_607 : i32 to vector<16xi32>
    %add3A_609 = arith.addi %mul3A_606, %add3A_608 : vector<16xi32>
    %swap3A_610 = arith.constant 2 : i32
    %swap3A_611 = arith.index_cast %swap3A_610 : i32 to index
    %swap3A_612 = arith.constant 16 : index
    %swap3A_613 = tpu.vector_load %arg8[%swap3A_611, %swap3A_612] {strides = array<i32>} : memref<12x128xi32, #tpu.memory_space<vmem>>, vector<1x16xi32>,
    %swap3A_614 = vector.shape_cast %swap3A_613 : vector<1x16xi32> to vector<16xi32>
    %swap3A_615 = vector.shape_cast %add3A_609 : vector<16xi32> to vector<1x16xi32>
    tpu.vector_store %arg8[%swap3A_611, %swap3A_612], %swap3A_615 {strides = array<i32>} : memref<12x128xi32, #tpu.memory_space<vmem>>, vector<1x16xi32>,
    %add3A_616 = arith.constant 1 : i32
    %add3A_617 = vector.broadcast %add3A_616 : i32 to vector<16xi32>
    %add3A_618 = arith.addi %mul3A_606, %add3A_617 : vector<16xi32>
    %swap3A_619 = arith.constant 6 : i32
    %swap3A_620 = arith.index_cast %swap3A_619 : i32 to index
    %swap3A_621 = arith.constant 16 : index
    %swap3A_622 = tpu.vector_load %arg8[%swap3A_620, %swap3A_621] {strides = array<i32>} : memref<12x128xi32, #tpu.memory_space<vmem>>, vector<1x16xi32>,
    %swap3A_623 = vector.shape_cast %swap3A_622 : vector<1x16xi32> to vector<16xi32>
    %swap3A_624 = vector.shape_cast %add3A_618 : vector<16xi32> to vector<1x16xi32>
    tpu.vector_store %arg8[%swap3A_620, %swap3A_621], %swap3A_624 {strides = array<i32>} : memref<12x128xi32, #tpu.memory_space<vmem>>, vector<1x16xi32>,
    %add3A_625 = arith.constant 2 : i32
    %add3A_626 = vector.broadcast %add3A_625 : i32 to vector<16xi32>
    %add3A_627 = arith.addi %mul3A_606, %add3A_626 : vector<16xi32>
    %swap3A_628 = arith.constant 10 : i32
    %swap3A_629 = arith.index_cast %swap3A_628 : i32 to index
    %swap3A_630 = arith.constant 16 : index
    %swap3A_631 = tpu.vector_load %arg8[%swap3A_629, %swap3A_630] {strides = array<i32>} : memref<12x128xi32, #tpu.memory_space<vmem>>, vector<1x16xi32>,
    %swap3A_632 = vector.shape_cast %swap3A_631 : vector<1x16xi32> to vector<16xi32>
    %swap3A_633 = vector.shape_cast %add3A_627 : vector<16xi32> to vector<1x16xi32>
    tpu.vector_store %arg8[%swap3A_629, %swap3A_630], %swap3A_633 {strides = array<i32>} : memref<12x128xi32, #tpu.memory_space<vmem>>, vector<1x16xi32>,
    %get3A_634 = arith.constant 2 : i32
    %get3A_635 = arith.index_cast %get3A_634 : i32 to index
    %get3A_636 = arith.constant 32 : index
    %get3A_637 = tpu.vector_load %arg7[%get3A_635, %get3A_636] {strides = array<i32>} : memref<4x128xi32, #tpu.memory_space<vmem>>, vector<1x16xi32>,
    %get3A_638 = vector.shape_cast %get3A_637 : vector<1x16xi32> to vector<16xi32>
    %mul3A_639 = arith.constant 3 : i32
    %mul3A_640 = vector.broadcast %mul3A_639 : i32 to vector<16xi32>
    %mul3A_641 = arith.muli %get3A_638, %mul3A_640 : vector<16xi32>
    %add3A_642 = arith.constant 0 : i32
    %add3A_643 = vector.broadcast %add3A_642 : i32 to vector<16xi32>
    %add3A_644 = arith.addi %mul3A_641, %add3A_643 : vector<16xi32>
    %swap3A_645 = arith.constant 2 : i32
    %swap3A_646 = arith.index_cast %swap3A_645 : i32 to index
    %swap3A_647 = arith.constant 32 : index
    %swap3A_648 = tpu.vector_load %arg8[%swap3A_646, %swap3A_647] {strides = array<i32>} : memref<12x128xi32, #tpu.memory_space<vmem>>, vector<1x16xi32>,
    %swap3A_649 = vector.shape_cast %swap3A_648 : vector<1x16xi32> to vector<16xi32>
    %swap3A_650 = vector.shape_cast %add3A_644 : vector<16xi32> to vector<1x16xi32>
    tpu.vector_store %arg8[%swap3A_646, %swap3A_647], %swap3A_650 {strides = array<i32>} : memref<12x128xi32, #tpu.memory_space<vmem>>, vector<1x16xi32>,
    %add3A_651 = arith.constant 1 : i32
    %add3A_652 = vector.broadcast %add3A_651 : i32 to vector<16xi32>
    %add3A_653 = arith.addi %mul3A_641, %add3A_652 : vector<16xi32>
    %swap3A_654 = arith.constant 6 : i32
    %swap3A_655 = arith.index_cast %swap3A_654 : i32 to index
    %swap3A_656 = arith.constant 32 : index
    %swap3A_657 = tpu.vector_load %arg8[%swap3A_655, %swap3A_656] {strides = array<i32>} : memref<12x128xi32, #tpu.memory_space<vmem>>, vector<1x16xi32>,
    %swap3A_658 = vector.shape_cast %swap3A_657 : vector<1x16xi32> to vector<16xi32>
    %swap3A_659 = vector.shape_cast %add3A_653 : vector<16xi32> to vector<1x16xi32>
    tpu.vector_store %arg8[%swap3A_655, %swap3A_656], %swap3A_659 {strides = array<i32>} : memref<12x128xi32, #tpu.memory_space<vmem>>, vector<1x16xi32>,
    %add3A_660 = arith.constant 2 : i32
    %add3A_661 = vector.broadcast %add3A_660 : i32 to vector<16xi32>
    %add3A_662 = arith.addi %mul3A_641, %add3A_661 : vector<16xi32>
    %swap3A_663 = arith.constant 10 : i32
    %swap3A_664 = arith.index_cast %swap3A_663 : i32 to index
    %swap3A_665 = arith.constant 32 : index
    %swap3A_666 = tpu.vector_load %arg8[%swap3A_664, %swap3A_665] {strides = array<i32>} : memref<12x128xi32, #tpu.memory_space<vmem>>, vector<1x16xi32>,
    %swap3A_667 = vector.shape_cast %swap3A_666 : vector<1x16xi32> to vector<16xi32>
    %swap3A_668 = vector.shape_cast %add3A_662 : vector<16xi32> to vector<1x16xi32>
    tpu.vector_store %arg8[%swap3A_664, %swap3A_665], %swap3A_668 {strides = array<i32>} : memref<12x128xi32, #tpu.memory_space<vmem>>, vector<1x16xi32>,
    %get3A_669 = arith.constant 2 : i32
    %get3A_670 = arith.index_cast %get3A_669 : i32 to index
    %get3A_671 = arith.constant 48 : index
    %get3A_672 = tpu.vector_load %arg7[%get3A_670, %get3A_671] {strides = array<i32>} : memref<4x128xi32, #tpu.memory_space<vmem>>, vector<1x16xi32>,
    %get3A_673 = vector.shape_cast %get3A_672 : vector<1x16xi32> to vector<16xi32>
    %mul3A_674 = arith.constant 3 : i32
    %mul3A_675 = vector.broadcast %mul3A_674 : i32 to vector<16xi32>
    %mul3A_676 = arith.muli %get3A_673, %mul3A_675 : vector<16xi32>
    %add3A_677 = arith.constant 0 : i32
    %add3A_678 = vector.broadcast %add3A_677 : i32 to vector<16xi32>
    %add3A_679 = arith.addi %mul3A_676, %add3A_678 : vector<16xi32>
    %swap3A_680 = arith.constant 2 : i32
    %swap3A_681 = arith.index_cast %swap3A_680 : i32 to index
    %swap3A_682 = arith.constant 48 : index
    %swap3A_683 = tpu.vector_load %arg8[%swap3A_681, %swap3A_682] {strides = array<i32>} : memref<12x128xi32, #tpu.memory_space<vmem>>, vector<1x16xi32>,
    %swap3A_684 = vector.shape_cast %swap3A_683 : vector<1x16xi32> to vector<16xi32>
    %swap3A_685 = vector.shape_cast %add3A_679 : vector<16xi32> to vector<1x16xi32>
    tpu.vector_store %arg8[%swap3A_681, %swap3A_682], %swap3A_685 {strides = array<i32>} : memref<12x128xi32, #tpu.memory_space<vmem>>, vector<1x16xi32>,
    %add3A_686 = arith.constant 1 : i32
    %add3A_687 = vector.broadcast %add3A_686 : i32 to vector<16xi32>
    %add3A_688 = arith.addi %mul3A_676, %add3A_687 : vector<16xi32>
    %swap3A_689 = arith.constant 6 : i32
    %swap3A_690 = arith.index_cast %swap3A_689 : i32 to index
    %swap3A_691 = arith.constant 48 : index
    %swap3A_692 = tpu.vector_load %arg8[%swap3A_690, %swap3A_691] {strides = array<i32>} : memref<12x128xi32, #tpu.memory_space<vmem>>, vector<1x16xi32>,
    %swap3A_693 = vector.shape_cast %swap3A_692 : vector<1x16xi32> to vector<16xi32>
    %swap3A_694 = vector.shape_cast %add3A_688 : vector<16xi32> to vector<1x16xi32>
    tpu.vector_store %arg8[%swap3A_690, %swap3A_691], %swap3A_694 {strides = array<i32>} : memref<12x128xi32, #tpu.memory_space<vmem>>, vector<1x16xi32>,
    %add3A_695 = arith.constant 2 : i32
    %add3A_696 = vector.broadcast %add3A_695 : i32 to vector<16xi32>
    %add3A_697 = arith.addi %mul3A_676, %add3A_696 : vector<16xi32>
    %swap3A_698 = arith.constant 10 : i32
    %swap3A_699 = arith.index_cast %swap3A_698 : i32 to index
    %swap3A_700 = arith.constant 48 : index
    %swap3A_701 = tpu.vector_load %arg8[%swap3A_699, %swap3A_700] {strides = array<i32>} : memref<12x128xi32, #tpu.memory_space<vmem>>, vector<1x16xi32>,
    %swap3A_702 = vector.shape_cast %swap3A_701 : vector<1x16xi32> to vector<16xi32>
    %swap3A_703 = vector.shape_cast %add3A_697 : vector<16xi32> to vector<1x16xi32>
    tpu.vector_store %arg8[%swap3A_699, %swap3A_700], %swap3A_703 {strides = array<i32>} : memref<12x128xi32, #tpu.memory_space<vmem>>, vector<1x16xi32>,
    %get3A_704 = arith.constant 2 : i32
    %get3A_705 = arith.index_cast %get3A_704 : i32 to index
    %get3A_706 = arith.constant 64 : index
    %get3A_707 = tpu.vector_load %arg7[%get3A_705, %get3A_706] {strides = array<i32>} : memref<4x128xi32, #tpu.memory_space<vmem>>, vector<1x16xi32>,
    %get3A_708 = vector.shape_cast %get3A_707 : vector<1x16xi32> to vector<16xi32>
    %mul3A_709 = arith.constant 3 : i32
    %mul3A_710 = vector.broadcast %mul3A_709 : i32 to vector<16xi32>
    %mul3A_711 = arith.muli %get3A_708, %mul3A_710 : vector<16xi32>
    %add3A_712 = arith.constant 0 : i32
    %add3A_713 = vector.broadcast %add3A_712 : i32 to vector<16xi32>
    %add3A_714 = arith.addi %mul3A_711, %add3A_713 : vector<16xi32>
    %swap3A_715 = arith.constant 2 : i32
    %swap3A_716 = arith.index_cast %swap3A_715 : i32 to index
    %swap3A_717 = arith.constant 64 : index
    %swap3A_718 = tpu.vector_load %arg8[%swap3A_716, %swap3A_717] {strides = array<i32>} : memref<12x128xi32, #tpu.memory_space<vmem>>, vector<1x16xi32>,
    %swap3A_719 = vector.shape_cast %swap3A_718 : vector<1x16xi32> to vector<16xi32>
    %swap3A_720 = vector.shape_cast %add3A_714 : vector<16xi32> to vector<1x16xi32>
    tpu.vector_store %arg8[%swap3A_716, %swap3A_717], %swap3A_720 {strides = array<i32>} : memref<12x128xi32, #tpu.memory_space<vmem>>, vector<1x16xi32>,
    %add3A_721 = arith.constant 1 : i32
    %add3A_722 = vector.broadcast %add3A_721 : i32 to vector<16xi32>
    %add3A_723 = arith.addi %mul3A_711, %add3A_722 : vector<16xi32>
    %swap3A_724 = arith.constant 6 : i32
    %swap3A_725 = arith.index_cast %swap3A_724 : i32 to index
    %swap3A_726 = arith.constant 64 : index
    %swap3A_727 = tpu.vector_load %arg8[%swap3A_725, %swap3A_726] {strides = array<i32>} : memref<12x128xi32, #tpu.memory_space<vmem>>, vector<1x16xi32>,
    %swap3A_728 = vector.shape_cast %swap3A_727 : vector<1x16xi32> to vector<16xi32>
    %swap3A_729 = vector.shape_cast %add3A_723 : vector<16xi32> to vector<1x16xi32>
    tpu.vector_store %arg8[%swap3A_725, %swap3A_726], %swap3A_729 {strides = array<i32>} : memref<12x128xi32, #tpu.memory_space<vmem>>, vector<1x16xi32>,
    %add3A_730 = arith.constant 2 : i32
    %add3A_731 = vector.broadcast %add3A_730 : i32 to vector<16xi32>
    %add3A_732 = arith.addi %mul3A_711, %add3A_731 : vector<16xi32>
    %swap3A_733 = arith.constant 10 : i32
    %swap3A_734 = arith.index_cast %swap3A_733 : i32 to index
    %swap3A_735 = arith.constant 64 : index
    %swap3A_736 = tpu.vector_load %arg8[%swap3A_734, %swap3A_735] {strides = array<i32>} : memref<12x128xi32, #tpu.memory_space<vmem>>, vector<1x16xi32>,
    %swap3A_737 = vector.shape_cast %swap3A_736 : vector<1x16xi32> to vector<16xi32>
    %swap3A_738 = vector.shape_cast %add3A_732 : vector<16xi32> to vector<1x16xi32>
    tpu.vector_store %arg8[%swap3A_734, %swap3A_735], %swap3A_738 {strides = array<i32>} : memref<12x128xi32, #tpu.memory_space<vmem>>, vector<1x16xi32>,
    %get3A_739 = arith.constant 2 : i32
    %get3A_740 = arith.index_cast %get3A_739 : i32 to index
    %get3A_741 = arith.constant 80 : index
    %get3A_742 = tpu.vector_load %arg7[%get3A_740, %get3A_741] {strides = array<i32>} : memref<4x128xi32, #tpu.memory_space<vmem>>, vector<1x16xi32>,
    %get3A_743 = vector.shape_cast %get3A_742 : vector<1x16xi32> to vector<16xi32>
    %mul3A_744 = arith.constant 3 : i32
    %mul3A_745 = vector.broadcast %mul3A_744 : i32 to vector<16xi32>
    %mul3A_746 = arith.muli %get3A_743, %mul3A_745 : vector<16xi32>
    %add3A_747 = arith.constant 0 : i32
    %add3A_748 = vector.broadcast %add3A_747 : i32 to vector<16xi32>
    %add3A_749 = arith.addi %mul3A_746, %add3A_748 : vector<16xi32>
    %swap3A_750 = arith.constant 2 : i32
    %swap3A_751 = arith.index_cast %swap3A_750 : i32 to index
    %swap3A_752 = arith.constant 80 : index
    %swap3A_753 = tpu.vector_load %arg8[%swap3A_751, %swap3A_752] {strides = array<i32>} : memref<12x128xi32, #tpu.memory_space<vmem>>, vector<1x16xi32>,
    %swap3A_754 = vector.shape_cast %swap3A_753 : vector<1x16xi32> to vector<16xi32>
    %swap3A_755 = vector.shape_cast %add3A_749 : vector<16xi32> to vector<1x16xi32>
    tpu.vector_store %arg8[%swap3A_751, %swap3A_752], %swap3A_755 {strides = array<i32>} : memref<12x128xi32, #tpu.memory_space<vmem>>, vector<1x16xi32>,
    %add3A_756 = arith.constant 1 : i32
    %add3A_757 = vector.broadcast %add3A_756 : i32 to vector<16xi32>
    %add3A_758 = arith.addi %mul3A_746, %add3A_757 : vector<16xi32>
    %swap3A_759 = arith.constant 6 : i32
    %swap3A_760 = arith.index_cast %swap3A_759 : i32 to index
    %swap3A_761 = arith.constant 80 : index
    %swap3A_762 = tpu.vector_load %arg8[%swap3A_760, %swap3A_761] {strides = array<i32>} : memref<12x128xi32, #tpu.memory_space<vmem>>, vector<1x16xi32>,
    %swap3A_763 = vector.shape_cast %swap3A_762 : vector<1x16xi32> to vector<16xi32>
    %swap3A_764 = vector.shape_cast %add3A_758 : vector<16xi32> to vector<1x16xi32>
    tpu.vector_store %arg8[%swap3A_760, %swap3A_761], %swap3A_764 {strides = array<i32>} : memref<12x128xi32, #tpu.memory_space<vmem>>, vector<1x16xi32>,
    %add3A_765 = arith.constant 2 : i32
    %add3A_766 = vector.broadcast %add3A_765 : i32 to vector<16xi32>
    %add3A_767 = arith.addi %mul3A_746, %add3A_766 : vector<16xi32>
    %swap3A_768 = arith.constant 10 : i32
    %swap3A_769 = arith.index_cast %swap3A_768 : i32 to index
    %swap3A_770 = arith.constant 80 : index
    %swap3A_771 = tpu.vector_load %arg8[%swap3A_769, %swap3A_770] {strides = array<i32>} : memref<12x128xi32, #tpu.memory_space<vmem>>, vector<1x16xi32>,
    %swap3A_772 = vector.shape_cast %swap3A_771 : vector<1x16xi32> to vector<16xi32>
    %swap3A_773 = vector.shape_cast %add3A_767 : vector<16xi32> to vector<1x16xi32>
    tpu.vector_store %arg8[%swap3A_769, %swap3A_770], %swap3A_773 {strides = array<i32>} : memref<12x128xi32, #tpu.memory_space<vmem>>, vector<1x16xi32>,
    %get3A_774 = arith.constant 2 : i32
    %get3A_775 = arith.index_cast %get3A_774 : i32 to index
    %get3A_776 = arith.constant 96 : index
    %get3A_777 = tpu.vector_load %arg7[%get3A_775, %get3A_776] {strides = array<i32>} : memref<4x128xi32, #tpu.memory_space<vmem>>, vector<1x16xi32>,
    %get3A_778 = vector.shape_cast %get3A_777 : vector<1x16xi32> to vector<16xi32>
    %mul3A_779 = arith.constant 3 : i32
    %mul3A_780 = vector.broadcast %mul3A_779 : i32 to vector<16xi32>
    %mul3A_781 = arith.muli %get3A_778, %mul3A_780 : vector<16xi32>
    %add3A_782 = arith.constant 0 : i32
    %add3A_783 = vector.broadcast %add3A_782 : i32 to vector<16xi32>
    %add3A_784 = arith.addi %mul3A_781, %add3A_783 : vector<16xi32>
    %swap3A_785 = arith.constant 2 : i32
    %swap3A_786 = arith.index_cast %swap3A_785 : i32 to index
    %swap3A_787 = arith.constant 96 : index
    %swap3A_788 = tpu.vector_load %arg8[%swap3A_786, %swap3A_787] {strides = array<i32>} : memref<12x128xi32, #tpu.memory_space<vmem>>, vector<1x16xi32>,
    %swap3A_789 = vector.shape_cast %swap3A_788 : vector<1x16xi32> to vector<16xi32>
    %swap3A_790 = vector.shape_cast %add3A_784 : vector<16xi32> to vector<1x16xi32>
    tpu.vector_store %arg8[%swap3A_786, %swap3A_787], %swap3A_790 {strides = array<i32>} : memref<12x128xi32, #tpu.memory_space<vmem>>, vector<1x16xi32>,
    %add3A_791 = arith.constant 1 : i32
    %add3A_792 = vector.broadcast %add3A_791 : i32 to vector<16xi32>
    %add3A_793 = arith.addi %mul3A_781, %add3A_792 : vector<16xi32>
    %swap3A_794 = arith.constant 6 : i32
    %swap3A_795 = arith.index_cast %swap3A_794 : i32 to index
    %swap3A_796 = arith.constant 96 : index
    %swap3A_797 = tpu.vector_load %arg8[%swap3A_795, %swap3A_796] {strides = array<i32>} : memref<12x128xi32, #tpu.memory_space<vmem>>, vector<1x16xi32>,
    %swap3A_798 = vector.shape_cast %swap3A_797 : vector<1x16xi32> to vector<16xi32>
    %swap3A_799 = vector.shape_cast %add3A_793 : vector<16xi32> to vector<1x16xi32>
    tpu.vector_store %arg8[%swap3A_795, %swap3A_796], %swap3A_799 {strides = array<i32>} : memref<12x128xi32, #tpu.memory_space<vmem>>, vector<1x16xi32>,
    %add3A_800 = arith.constant 2 : i32
    %add3A_801 = vector.broadcast %add3A_800 : i32 to vector<16xi32>
    %add3A_802 = arith.addi %mul3A_781, %add3A_801 : vector<16xi32>
    %swap3A_803 = arith.constant 10 : i32
    %swap3A_804 = arith.index_cast %swap3A_803 : i32 to index
    %swap3A_805 = arith.constant 96 : index
    %swap3A_806 = tpu.vector_load %arg8[%swap3A_804, %swap3A_805] {strides = array<i32>} : memref<12x128xi32, #tpu.memory_space<vmem>>, vector<1x16xi32>,
    %swap3A_807 = vector.shape_cast %swap3A_806 : vector<1x16xi32> to vector<16xi32>
    %swap3A_808 = vector.shape_cast %add3A_802 : vector<16xi32> to vector<1x16xi32>
    tpu.vector_store %arg8[%swap3A_804, %swap3A_805], %swap3A_808 {strides = array<i32>} : memref<12x128xi32, #tpu.memory_space<vmem>>, vector<1x16xi32>,
    %get3A_809 = arith.constant 2 : i32
    %get3A_810 = arith.index_cast %get3A_809 : i32 to index
    %get3A_811 = arith.constant 112 : index
    %get3A_812 = tpu.vector_load %arg7[%get3A_810, %get3A_811] {strides = array<i32>} : memref<4x128xi32, #tpu.memory_space<vmem>>, vector<1x16xi32>,
    %get3A_813 = vector.shape_cast %get3A_812 : vector<1x16xi32> to vector<16xi32>
    %mul3A_814 = arith.constant 3 : i32
    %mul3A_815 = vector.broadcast %mul3A_814 : i32 to vector<16xi32>
    %mul3A_816 = arith.muli %get3A_813, %mul3A_815 : vector<16xi32>
    %add3A_817 = arith.constant 0 : i32
    %add3A_818 = vector.broadcast %add3A_817 : i32 to vector<16xi32>
    %add3A_819 = arith.addi %mul3A_816, %add3A_818 : vector<16xi32>
    %swap3A_820 = arith.constant 2 : i32
    %swap3A_821 = arith.index_cast %swap3A_820 : i32 to index
    %swap3A_822 = arith.constant 112 : index
    %swap3A_823 = tpu.vector_load %arg8[%swap3A_821, %swap3A_822] {strides = array<i32>} : memref<12x128xi32, #tpu.memory_space<vmem>>, vector<1x16xi32>,
    %swap3A_824 = vector.shape_cast %swap3A_823 : vector<1x16xi32> to vector<16xi32>
    %swap3A_825 = vector.shape_cast %add3A_819 : vector<16xi32> to vector<1x16xi32>
    tpu.vector_store %arg8[%swap3A_821, %swap3A_822], %swap3A_825 {strides = array<i32>} : memref<12x128xi32, #tpu.memory_space<vmem>>, vector<1x16xi32>,
    %add3A_826 = arith.constant 1 : i32
    %add3A_827 = vector.broadcast %add3A_826 : i32 to vector<16xi32>
    %add3A_828 = arith.addi %mul3A_816, %add3A_827 : vector<16xi32>
    %swap3A_829 = arith.constant 6 : i32
    %swap3A_830 = arith.index_cast %swap3A_829 : i32 to index
    %swap3A_831 = arith.constant 112 : index
    %swap3A_832 = tpu.vector_load %arg8[%swap3A_830, %swap3A_831] {strides = array<i32>} : memref<12x128xi32, #tpu.memory_space<vmem>>, vector<1x16xi32>,
    %swap3A_833 = vector.shape_cast %swap3A_832 : vector<1x16xi32> to vector<16xi32>
    %swap3A_834 = vector.shape_cast %add3A_828 : vector<16xi32> to vector<1x16xi32>
    tpu.vector_store %arg8[%swap3A_830, %swap3A_831], %swap3A_834 {strides = array<i32>} : memref<12x128xi32, #tpu.memory_space<vmem>>, vector<1x16xi32>,
    %add3A_835 = arith.constant 2 : i32
    %add3A_836 = vector.broadcast %add3A_835 : i32 to vector<16xi32>
    %add3A_837 = arith.addi %mul3A_816, %add3A_836 : vector<16xi32>
    %swap3A_838 = arith.constant 10 : i32
    %swap3A_839 = arith.index_cast %swap3A_838 : i32 to index
    %swap3A_840 = arith.constant 112 : index
    %swap3A_841 = tpu.vector_load %arg8[%swap3A_839, %swap3A_840] {strides = array<i32>} : memref<12x128xi32, #tpu.memory_space<vmem>>, vector<1x16xi32>,
    %swap3A_842 = vector.shape_cast %swap3A_841 : vector<1x16xi32> to vector<16xi32>
    %swap3A_843 = vector.shape_cast %add3A_837 : vector<16xi32> to vector<1x16xi32>
    tpu.vector_store %arg8[%swap3A_839, %swap3A_840], %swap3A_843 {strides = array<i32>} : memref<12x128xi32, #tpu.memory_space<vmem>>, vector<1x16xi32>,
    %get3A_844 = arith.constant 3 : i32
    %get3A_845 = arith.index_cast %get3A_844 : i32 to index
    %get3A_846 = arith.constant 0 : index
    %get3A_847 = tpu.vector_load %arg7[%get3A_845, %get3A_846] {strides = array<i32>} : memref<4x128xi32, #tpu.memory_space<vmem>>, vector<1x16xi32>,
    %get3A_848 = vector.shape_cast %get3A_847 : vector<1x16xi32> to vector<16xi32>
    %mul3A_849 = arith.constant 3 : i32
    %mul3A_850 = vector.broadcast %mul3A_849 : i32 to vector<16xi32>
    %mul3A_851 = arith.muli %get3A_848, %mul3A_850 : vector<16xi32>
    %add3A_852 = arith.constant 0 : i32
    %add3A_853 = vector.broadcast %add3A_852 : i32 to vector<16xi32>
    %add3A_854 = arith.addi %mul3A_851, %add3A_853 : vector<16xi32>
    %swap3A_855 = arith.constant 3 : i32
    %swap3A_856 = arith.index_cast %swap3A_855 : i32 to index
    %swap3A_857 = arith.constant 0 : index
    %swap3A_858 = tpu.vector_load %arg8[%swap3A_856, %swap3A_857] {strides = array<i32>} : memref<12x128xi32, #tpu.memory_space<vmem>>, vector<1x16xi32>,
    %swap3A_859 = vector.shape_cast %swap3A_858 : vector<1x16xi32> to vector<16xi32>
    %swap3A_860 = vector.shape_cast %add3A_854 : vector<16xi32> to vector<1x16xi32>
    tpu.vector_store %arg8[%swap3A_856, %swap3A_857], %swap3A_860 {strides = array<i32>} : memref<12x128xi32, #tpu.memory_space<vmem>>, vector<1x16xi32>,
    %add3A_861 = arith.constant 1 : i32
    %add3A_862 = vector.broadcast %add3A_861 : i32 to vector<16xi32>
    %add3A_863 = arith.addi %mul3A_851, %add3A_862 : vector<16xi32>
    %swap3A_864 = arith.constant 7 : i32
    %swap3A_865 = arith.index_cast %swap3A_864 : i32 to index
    %swap3A_866 = arith.constant 0 : index
    %swap3A_867 = tpu.vector_load %arg8[%swap3A_865, %swap3A_866] {strides = array<i32>} : memref<12x128xi32, #tpu.memory_space<vmem>>, vector<1x16xi32>,
    %swap3A_868 = vector.shape_cast %swap3A_867 : vector<1x16xi32> to vector<16xi32>
    %swap3A_869 = vector.shape_cast %add3A_863 : vector<16xi32> to vector<1x16xi32>
    tpu.vector_store %arg8[%swap3A_865, %swap3A_866], %swap3A_869 {strides = array<i32>} : memref<12x128xi32, #tpu.memory_space<vmem>>, vector<1x16xi32>,
    %add3A_870 = arith.constant 2 : i32
    %add3A_871 = vector.broadcast %add3A_870 : i32 to vector<16xi32>
    %add3A_872 = arith.addi %mul3A_851, %add3A_871 : vector<16xi32>
    %swap3A_873 = arith.constant 11 : i32
    %swap3A_874 = arith.index_cast %swap3A_873 : i32 to index
    %swap3A_875 = arith.constant 0 : index
    %swap3A_876 = tpu.vector_load %arg8[%swap3A_874, %swap3A_875] {strides = array<i32>} : memref<12x128xi32, #tpu.memory_space<vmem>>, vector<1x16xi32>,
    %swap3A_877 = vector.shape_cast %swap3A_876 : vector<1x16xi32> to vector<16xi32>
    %swap3A_878 = vector.shape_cast %add3A_872 : vector<16xi32> to vector<1x16xi32>
    tpu.vector_store %arg8[%swap3A_874, %swap3A_875], %swap3A_878 {strides = array<i32>} : memref<12x128xi32, #tpu.memory_space<vmem>>, vector<1x16xi32>,
    %get3A_879 = arith.constant 3 : i32
    %get3A_880 = arith.index_cast %get3A_879 : i32 to index
    %get3A_881 = arith.constant 16 : index
    %get3A_882 = tpu.vector_load %arg7[%get3A_880, %get3A_881] {strides = array<i32>} : memref<4x128xi32, #tpu.memory_space<vmem>>, vector<1x16xi32>,
    %get3A_883 = vector.shape_cast %get3A_882 : vector<1x16xi32> to vector<16xi32>
    %mul3A_884 = arith.constant 3 : i32
    %mul3A_885 = vector.broadcast %mul3A_884 : i32 to vector<16xi32>
    %mul3A_886 = arith.muli %get3A_883, %mul3A_885 : vector<16xi32>
    %add3A_887 = arith.constant 0 : i32
    %add3A_888 = vector.broadcast %add3A_887 : i32 to vector<16xi32>
    %add3A_889 = arith.addi %mul3A_886, %add3A_888 : vector<16xi32>
    %swap3A_890 = arith.constant 3 : i32
    %swap3A_891 = arith.index_cast %swap3A_890 : i32 to index
    %swap3A_892 = arith.constant 16 : index
    %swap3A_893 = tpu.vector_load %arg8[%swap3A_891, %swap3A_892] {strides = array<i32>} : memref<12x128xi32, #tpu.memory_space<vmem>>, vector<1x16xi32>,
    %swap3A_894 = vector.shape_cast %swap3A_893 : vector<1x16xi32> to vector<16xi32>
    %swap3A_895 = vector.shape_cast %add3A_889 : vector<16xi32> to vector<1x16xi32>
    tpu.vector_store %arg8[%swap3A_891, %swap3A_892], %swap3A_895 {strides = array<i32>} : memref<12x128xi32, #tpu.memory_space<vmem>>, vector<1x16xi32>,
    %add3A_896 = arith.constant 1 : i32
    %add3A_897 = vector.broadcast %add3A_896 : i32 to vector<16xi32>
    %add3A_898 = arith.addi %mul3A_886, %add3A_897 : vector<16xi32>
    %swap3A_899 = arith.constant 7 : i32
    %swap3A_900 = arith.index_cast %swap3A_899 : i32 to index
    %swap3A_901 = arith.constant 16 : index
    %swap3A_902 = tpu.vector_load %arg8[%swap3A_900, %swap3A_901] {strides = array<i32>} : memref<12x128xi32, #tpu.memory_space<vmem>>, vector<1x16xi32>,
    %swap3A_903 = vector.shape_cast %swap3A_902 : vector<1x16xi32> to vector<16xi32>
    %swap3A_904 = vector.shape_cast %add3A_898 : vector<16xi32> to vector<1x16xi32>
    tpu.vector_store %arg8[%swap3A_900, %swap3A_901], %swap3A_904 {strides = array<i32>} : memref<12x128xi32, #tpu.memory_space<vmem>>, vector<1x16xi32>,
    %add3A_905 = arith.constant 2 : i32
    %add3A_906 = vector.broadcast %add3A_905 : i32 to vector<16xi32>
    %add3A_907 = arith.addi %mul3A_886, %add3A_906 : vector<16xi32>
    %swap3A_908 = arith.constant 11 : i32
    %swap3A_909 = arith.index_cast %swap3A_908 : i32 to index
    %swap3A_910 = arith.constant 16 : index
    %swap3A_911 = tpu.vector_load %arg8[%swap3A_909, %swap3A_910] {strides = array<i32>} : memref<12x128xi32, #tpu.memory_space<vmem>>, vector<1x16xi32>,
    %swap3A_912 = vector.shape_cast %swap3A_911 : vector<1x16xi32> to vector<16xi32>
    %swap3A_913 = vector.shape_cast %add3A_907 : vector<16xi32> to vector<1x16xi32>
    tpu.vector_store %arg8[%swap3A_909, %swap3A_910], %swap3A_913 {strides = array<i32>} : memref<12x128xi32, #tpu.memory_space<vmem>>, vector<1x16xi32>,
    %get3A_914 = arith.constant 3 : i32
    %get3A_915 = arith.index_cast %get3A_914 : i32 to index
    %get3A_916 = arith.constant 32 : index
    %get3A_917 = tpu.vector_load %arg7[%get3A_915, %get3A_916] {strides = array<i32>} : memref<4x128xi32, #tpu.memory_space<vmem>>, vector<1x16xi32>,
    %get3A_918 = vector.shape_cast %get3A_917 : vector<1x16xi32> to vector<16xi32>
    %mul3A_919 = arith.constant 3 : i32
    %mul3A_920 = vector.broadcast %mul3A_919 : i32 to vector<16xi32>
    %mul3A_921 = arith.muli %get3A_918, %mul3A_920 : vector<16xi32>
    %add3A_922 = arith.constant 0 : i32
    %add3A_923 = vector.broadcast %add3A_922 : i32 to vector<16xi32>
    %add3A_924 = arith.addi %mul3A_921, %add3A_923 : vector<16xi32>
    %swap3A_925 = arith.constant 3 : i32
    %swap3A_926 = arith.index_cast %swap3A_925 : i32 to index
    %swap3A_927 = arith.constant 32 : index
    %swap3A_928 = tpu.vector_load %arg8[%swap3A_926, %swap3A_927] {strides = array<i32>} : memref<12x128xi32, #tpu.memory_space<vmem>>, vector<1x16xi32>,
    %swap3A_929 = vector.shape_cast %swap3A_928 : vector<1x16xi32> to vector<16xi32>
    %swap3A_930 = vector.shape_cast %add3A_924 : vector<16xi32> to vector<1x16xi32>
    tpu.vector_store %arg8[%swap3A_926, %swap3A_927], %swap3A_930 {strides = array<i32>} : memref<12x128xi32, #tpu.memory_space<vmem>>, vector<1x16xi32>,
    %add3A_931 = arith.constant 1 : i32
    %add3A_932 = vector.broadcast %add3A_931 : i32 to vector<16xi32>
    %add3A_933 = arith.addi %mul3A_921, %add3A_932 : vector<16xi32>
    %swap3A_934 = arith.constant 7 : i32
    %swap3A_935 = arith.index_cast %swap3A_934 : i32 to index
    %swap3A_936 = arith.constant 32 : index
    %swap3A_937 = tpu.vector_load %arg8[%swap3A_935, %swap3A_936] {strides = array<i32>} : memref<12x128xi32, #tpu.memory_space<vmem>>, vector<1x16xi32>,
    %swap3A_938 = vector.shape_cast %swap3A_937 : vector<1x16xi32> to vector<16xi32>
    %swap3A_939 = vector.shape_cast %add3A_933 : vector<16xi32> to vector<1x16xi32>
    tpu.vector_store %arg8[%swap3A_935, %swap3A_936], %swap3A_939 {strides = array<i32>} : memref<12x128xi32, #tpu.memory_space<vmem>>, vector<1x16xi32>,
    %add3A_940 = arith.constant 2 : i32
    %add3A_941 = vector.broadcast %add3A_940 : i32 to vector<16xi32>
    %add3A_942 = arith.addi %mul3A_921, %add3A_941 : vector<16xi32>
    %swap3A_943 = arith.constant 11 : i32
    %swap3A_944 = arith.index_cast %swap3A_943 : i32 to index
    %swap3A_945 = arith.constant 32 : index
    %swap3A_946 = tpu.vector_load %arg8[%swap3A_944, %swap3A_945] {strides = array<i32>} : memref<12x128xi32, #tpu.memory_space<vmem>>, vector<1x16xi32>,
    %swap3A_947 = vector.shape_cast %swap3A_946 : vector<1x16xi32> to vector<16xi32>
    %swap3A_948 = vector.shape_cast %add3A_942 : vector<16xi32> to vector<1x16xi32>
    tpu.vector_store %arg8[%swap3A_944, %swap3A_945], %swap3A_948 {strides = array<i32>} : memref<12x128xi32, #tpu.memory_space<vmem>>, vector<1x16xi32>,
    %get3A_949 = arith.constant 3 : i32
    %get3A_950 = arith.index_cast %get3A_949 : i32 to index
    %get3A_951 = arith.constant 48 : index
    %get3A_952 = tpu.vector_load %arg7[%get3A_950, %get3A_951] {strides = array<i32>} : memref<4x128xi32, #tpu.memory_space<vmem>>, vector<1x16xi32>,
    %get3A_953 = vector.shape_cast %get3A_952 : vector<1x16xi32> to vector<16xi32>
    %mul3A_954 = arith.constant 3 : i32
    %mul3A_955 = vector.broadcast %mul3A_954 : i32 to vector<16xi32>
    %mul3A_956 = arith.muli %get3A_953, %mul3A_955 : vector<16xi32>
    %add3A_957 = arith.constant 0 : i32
    %add3A_958 = vector.broadcast %add3A_957 : i32 to vector<16xi32>
    %add3A_959 = arith.addi %mul3A_956, %add3A_958 : vector<16xi32>
    %swap3A_960 = arith.constant 3 : i32
    %swap3A_961 = arith.index_cast %swap3A_960 : i32 to index
    %swap3A_962 = arith.constant 48 : index
    %swap3A_963 = tpu.vector_load %arg8[%swap3A_961, %swap3A_962] {strides = array<i32>} : memref<12x128xi32, #tpu.memory_space<vmem>>, vector<1x16xi32>,
    %swap3A_964 = vector.shape_cast %swap3A_963 : vector<1x16xi32> to vector<16xi32>
    %swap3A_965 = vector.shape_cast %add3A_959 : vector<16xi32> to vector<1x16xi32>
    tpu.vector_store %arg8[%swap3A_961, %swap3A_962], %swap3A_965 {strides = array<i32>} : memref<12x128xi32, #tpu.memory_space<vmem>>, vector<1x16xi32>,
    %add3A_966 = arith.constant 1 : i32
    %add3A_967 = vector.broadcast %add3A_966 : i32 to vector<16xi32>
    %add3A_968 = arith.addi %mul3A_956, %add3A_967 : vector<16xi32>
    %swap3A_969 = arith.constant 7 : i32
    %swap3A_970 = arith.index_cast %swap3A_969 : i32 to index
    %swap3A_971 = arith.constant 48 : index
    %swap3A_972 = tpu.vector_load %arg8[%swap3A_970, %swap3A_971] {strides = array<i32>} : memref<12x128xi32, #tpu.memory_space<vmem>>, vector<1x16xi32>,
    %swap3A_973 = vector.shape_cast %swap3A_972 : vector<1x16xi32> to vector<16xi32>
    %swap3A_974 = vector.shape_cast %add3A_968 : vector<16xi32> to vector<1x16xi32>
    tpu.vector_store %arg8[%swap3A_970, %swap3A_971], %swap3A_974 {strides = array<i32>} : memref<12x128xi32, #tpu.memory_space<vmem>>, vector<1x16xi32>,
    %add3A_975 = arith.constant 2 : i32
    %add3A_976 = vector.broadcast %add3A_975 : i32 to vector<16xi32>
    %add3A_977 = arith.addi %mul3A_956, %add3A_976 : vector<16xi32>
    %swap3A_978 = arith.constant 11 : i32
    %swap3A_979 = arith.index_cast %swap3A_978 : i32 to index
    %swap3A_980 = arith.constant 48 : index
    %swap3A_981 = tpu.vector_load %arg8[%swap3A_979, %swap3A_980] {strides = array<i32>} : memref<12x128xi32, #tpu.memory_space<vmem>>, vector<1x16xi32>,
    %swap3A_982 = vector.shape_cast %swap3A_981 : vector<1x16xi32> to vector<16xi32>
    %swap3A_983 = vector.shape_cast %add3A_977 : vector<16xi32> to vector<1x16xi32>
    tpu.vector_store %arg8[%swap3A_979, %swap3A_980], %swap3A_983 {strides = array<i32>} : memref<12x128xi32, #tpu.memory_space<vmem>>, vector<1x16xi32>,
    %get3A_984 = arith.constant 3 : i32
    %get3A_985 = arith.index_cast %get3A_984 : i32 to index
    %get3A_986 = arith.constant 64 : index
    %get3A_987 = tpu.vector_load %arg7[%get3A_985, %get3A_986] {strides = array<i32>} : memref<4x128xi32, #tpu.memory_space<vmem>>, vector<1x16xi32>,
    %get3A_988 = vector.shape_cast %get3A_987 : vector<1x16xi32> to vector<16xi32>
    %mul3A_989 = arith.constant 3 : i32
    %mul3A_990 = vector.broadcast %mul3A_989 : i32 to vector<16xi32>
    %mul3A_991 = arith.muli %get3A_988, %mul3A_990 : vector<16xi32>
    %add3A_992 = arith.constant 0 : i32
    %add3A_993 = vector.broadcast %add3A_992 : i32 to vector<16xi32>
    %add3A_994 = arith.addi %mul3A_991, %add3A_993 : vector<16xi32>
    %swap3A_995 = arith.constant 3 : i32
    %swap3A_996 = arith.index_cast %swap3A_995 : i32 to index
    %swap3A_997 = arith.constant 64 : index
    %swap3A_998 = tpu.vector_load %arg8[%swap3A_996, %swap3A_997] {strides = array<i32>} : memref<12x128xi32, #tpu.memory_space<vmem>>, vector<1x16xi32>,
    %swap3A_999 = vector.shape_cast %swap3A_998 : vector<1x16xi32> to vector<16xi32>
    %swap3A_1000 = vector.shape_cast %add3A_994 : vector<16xi32> to vector<1x16xi32>
    tpu.vector_store %arg8[%swap3A_996, %swap3A_997], %swap3A_1000 {strides = array<i32>} : memref<12x128xi32, #tpu.memory_space<vmem>>, vector<1x16xi32>,
    %add3A_1001 = arith.constant 1 : i32
    %add3A_1002 = vector.broadcast %add3A_1001 : i32 to vector<16xi32>
    %add3A_1003 = arith.addi %mul3A_991, %add3A_1002 : vector<16xi32>
    %swap3A_1004 = arith.constant 7 : i32
    %swap3A_1005 = arith.index_cast %swap3A_1004 : i32 to index
    %swap3A_1006 = arith.constant 64 : index
    %swap3A_1007 = tpu.vector_load %arg8[%swap3A_1005, %swap3A_1006] {strides = array<i32>} : memref<12x128xi32, #tpu.memory_space<vmem>>, vector<1x16xi32>,
    %swap3A_1008 = vector.shape_cast %swap3A_1007 : vector<1x16xi32> to vector<16xi32>
    %swap3A_1009 = vector.shape_cast %add3A_1003 : vector<16xi32> to vector<1x16xi32>
    tpu.vector_store %arg8[%swap3A_1005, %swap3A_1006], %swap3A_1009 {strides = array<i32>} : memref<12x128xi32, #tpu.memory_space<vmem>>, vector<1x16xi32>,
    %add3A_1010 = arith.constant 2 : i32
    %add3A_1011 = vector.broadcast %add3A_1010 : i32 to vector<16xi32>
    %add3A_1012 = arith.addi %mul3A_991, %add3A_1011 : vector<16xi32>
    %swap3A_1013 = arith.constant 11 : i32
    %swap3A_1014 = arith.index_cast %swap3A_1013 : i32 to index
    %swap3A_1015 = arith.constant 64 : index
    %swap3A_1016 = tpu.vector_load %arg8[%swap3A_1014, %swap3A_1015] {strides = array<i32>} : memref<12x128xi32, #tpu.memory_space<vmem>>, vector<1x16xi32>,
    %swap3A_1017 = vector.shape_cast %swap3A_1016 : vector<1x16xi32> to vector<16xi32>
    %swap3A_1018 = vector.shape_cast %add3A_1012 : vector<16xi32> to vector<1x16xi32>
    tpu.vector_store %arg8[%swap3A_1014, %swap3A_1015], %swap3A_1018 {strides = array<i32>} : memref<12x128xi32, #tpu.memory_space<vmem>>, vector<1x16xi32>,
    %get3A_1019 = arith.constant 3 : i32
    %get3A_1020 = arith.index_cast %get3A_1019 : i32 to index
    %get3A_1021 = arith.constant 80 : index
    %get3A_1022 = tpu.vector_load %arg7[%get3A_1020, %get3A_1021] {strides = array<i32>} : memref<4x128xi32, #tpu.memory_space<vmem>>, vector<1x16xi32>,
    %get3A_1023 = vector.shape_cast %get3A_1022 : vector<1x16xi32> to vector<16xi32>
    %mul3A_1024 = arith.constant 3 : i32
    %mul3A_1025 = vector.broadcast %mul3A_1024 : i32 to vector<16xi32>
    %mul3A_1026 = arith.muli %get3A_1023, %mul3A_1025 : vector<16xi32>
    %add3A_1027 = arith.constant 0 : i32
    %add3A_1028 = vector.broadcast %add3A_1027 : i32 to vector<16xi32>
    %add3A_1029 = arith.addi %mul3A_1026, %add3A_1028 : vector<16xi32>
    %swap3A_1030 = arith.constant 3 : i32
    %swap3A_1031 = arith.index_cast %swap3A_1030 : i32 to index
    %swap3A_1032 = arith.constant 80 : index
    %swap3A_1033 = tpu.vector_load %arg8[%swap3A_1031, %swap3A_1032] {strides = array<i32>} : memref<12x128xi32, #tpu.memory_space<vmem>>, vector<1x16xi32>,
    %swap3A_1034 = vector.shape_cast %swap3A_1033 : vector<1x16xi32> to vector<16xi32>
    %swap3A_1035 = vector.shape_cast %add3A_1029 : vector<16xi32> to vector<1x16xi32>
    tpu.vector_store %arg8[%swap3A_1031, %swap3A_1032], %swap3A_1035 {strides = array<i32>} : memref<12x128xi32, #tpu.memory_space<vmem>>, vector<1x16xi32>,
    %add3A_1036 = arith.constant 1 : i32
    %add3A_1037 = vector.broadcast %add3A_1036 : i32 to vector<16xi32>
    %add3A_1038 = arith.addi %mul3A_1026, %add3A_1037 : vector<16xi32>
    %swap3A_1039 = arith.constant 7 : i32
    %swap3A_1040 = arith.index_cast %swap3A_1039 : i32 to index
    %swap3A_1041 = arith.constant 80 : index
    %swap3A_1042 = tpu.vector_load %arg8[%swap3A_1040, %swap3A_1041] {strides = array<i32>} : memref<12x128xi32, #tpu.memory_space<vmem>>, vector<1x16xi32>,
    %swap3A_1043 = vector.shape_cast %swap3A_1042 : vector<1x16xi32> to vector<16xi32>
    %swap3A_1044 = vector.shape_cast %add3A_1038 : vector<16xi32> to vector<1x16xi32>
    tpu.vector_store %arg8[%swap3A_1040, %swap3A_1041], %swap3A_1044 {strides = array<i32>} : memref<12x128xi32, #tpu.memory_space<vmem>>, vector<1x16xi32>,
    %add3A_1045 = arith.constant 2 : i32
    %add3A_1046 = vector.broadcast %add3A_1045 : i32 to vector<16xi32>
    %add3A_1047 = arith.addi %mul3A_1026, %add3A_1046 : vector<16xi32>
    %swap3A_1048 = arith.constant 11 : i32
    %swap3A_1049 = arith.index_cast %swap3A_1048 : i32 to index
    %swap3A_1050 = arith.constant 80 : index
    %swap3A_1051 = tpu.vector_load %arg8[%swap3A_1049, %swap3A_1050] {strides = array<i32>} : memref<12x128xi32, #tpu.memory_space<vmem>>, vector<1x16xi32>,
    %swap3A_1052 = vector.shape_cast %swap3A_1051 : vector<1x16xi32> to vector<16xi32>
    %swap3A_1053 = vector.shape_cast %add3A_1047 : vector<16xi32> to vector<1x16xi32>
    tpu.vector_store %arg8[%swap3A_1049, %swap3A_1050], %swap3A_1053 {strides = array<i32>} : memref<12x128xi32, #tpu.memory_space<vmem>>, vector<1x16xi32>,
    %get3A_1054 = arith.constant 3 : i32
    %get3A_1055 = arith.index_cast %get3A_1054 : i32 to index
    %get3A_1056 = arith.constant 96 : index
    %get3A_1057 = tpu.vector_load %arg7[%get3A_1055, %get3A_1056] {strides = array<i32>} : memref<4x128xi32, #tpu.memory_space<vmem>>, vector<1x16xi32>,
    %get3A_1058 = vector.shape_cast %get3A_1057 : vector<1x16xi32> to vector<16xi32>
    %mul3A_1059 = arith.constant 3 : i32
    %mul3A_1060 = vector.broadcast %mul3A_1059 : i32 to vector<16xi32>
    %mul3A_1061 = arith.muli %get3A_1058, %mul3A_1060 : vector<16xi32>
    %add3A_1062 = arith.constant 0 : i32
    %add3A_1063 = vector.broadcast %add3A_1062 : i32 to vector<16xi32>
    %add3A_1064 = arith.addi %mul3A_1061, %add3A_1063 : vector<16xi32>
    %swap3A_1065 = arith.constant 3 : i32
    %swap3A_1066 = arith.index_cast %swap3A_1065 : i32 to index
    %swap3A_1067 = arith.constant 96 : index
    %swap3A_1068 = tpu.vector_load %arg8[%swap3A_1066, %swap3A_1067] {strides = array<i32>} : memref<12x128xi32, #tpu.memory_space<vmem>>, vector<1x16xi32>,
    %swap3A_1069 = vector.shape_cast %swap3A_1068 : vector<1x16xi32> to vector<16xi32>
    %swap3A_1070 = vector.shape_cast %add3A_1064 : vector<16xi32> to vector<1x16xi32>
    tpu.vector_store %arg8[%swap3A_1066, %swap3A_1067], %swap3A_1070 {strides = array<i32>} : memref<12x128xi32, #tpu.memory_space<vmem>>, vector<1x16xi32>,
    %add3A_1071 = arith.constant 1 : i32
    %add3A_1072 = vector.broadcast %add3A_1071 : i32 to vector<16xi32>
    %add3A_1073 = arith.addi %mul3A_1061, %add3A_1072 : vector<16xi32>
    %swap3A_1074 = arith.constant 7 : i32
    %swap3A_1075 = arith.index_cast %swap3A_1074 : i32 to index
    %swap3A_1076 = arith.constant 96 : index
    %swap3A_1077 = tpu.vector_load %arg8[%swap3A_1075, %swap3A_1076] {strides = array<i32>} : memref<12x128xi32, #tpu.memory_space<vmem>>, vector<1x16xi32>,
    %swap3A_1078 = vector.shape_cast %swap3A_1077 : vector<1x16xi32> to vector<16xi32>
    %swap3A_1079 = vector.shape_cast %add3A_1073 : vector<16xi32> to vector<1x16xi32>
    tpu.vector_store %arg8[%swap3A_1075, %swap3A_1076], %swap3A_1079 {strides = array<i32>} : memref<12x128xi32, #tpu.memory_space<vmem>>, vector<1x16xi32>,
    %add3A_1080 = arith.constant 2 : i32
    %add3A_1081 = vector.broadcast %add3A_1080 : i32 to vector<16xi32>
    %add3A_1082 = arith.addi %mul3A_1061, %add3A_1081 : vector<16xi32>
    %swap3A_1083 = arith.constant 11 : i32
    %swap3A_1084 = arith.index_cast %swap3A_1083 : i32 to index
    %swap3A_1085 = arith.constant 96 : index
    %swap3A_1086 = tpu.vector_load %arg8[%swap3A_1084, %swap3A_1085] {strides = array<i32>} : memref<12x128xi32, #tpu.memory_space<vmem>>, vector<1x16xi32>,
    %swap3A_1087 = vector.shape_cast %swap3A_1086 : vector<1x16xi32> to vector<16xi32>
    %swap3A_1088 = vector.shape_cast %add3A_1082 : vector<16xi32> to vector<1x16xi32>
    tpu.vector_store %arg8[%swap3A_1084, %swap3A_1085], %swap3A_1088 {strides = array<i32>} : memref<12x128xi32, #tpu.memory_space<vmem>>, vector<1x16xi32>,
    %get3A_1089 = arith.constant 3 : i32
    %get3A_1090 = arith.index_cast %get3A_1089 : i32 to index
    %get3A_1091 = arith.constant 112 : index
    %get3A_1092 = tpu.vector_load %arg7[%get3A_1090, %get3A_1091] {strides = array<i32>} : memref<4x128xi32, #tpu.memory_space<vmem>>, vector<1x16xi32>,
    %get3A_1093 = vector.shape_cast %get3A_1092 : vector<1x16xi32> to vector<16xi32>
    %mul3A_1094 = arith.constant 3 : i32
    %mul3A_1095 = vector.broadcast %mul3A_1094 : i32 to vector<16xi32>
    %mul3A_1096 = arith.muli %get3A_1093, %mul3A_1095 : vector<16xi32>
    %add3A_1097 = arith.constant 0 : i32
    %add3A_1098 = vector.broadcast %add3A_1097 : i32 to vector<16xi32>
    %add3A_1099 = arith.addi %mul3A_1096, %add3A_1098 : vector<16xi32>
    %swap3A_1100 = arith.constant 3 : i32
    %swap3A_1101 = arith.index_cast %swap3A_1100 : i32 to index
    %swap3A_1102 = arith.constant 112 : index
    %swap3A_1103 = tpu.vector_load %arg8[%swap3A_1101, %swap3A_1102] {strides = array<i32>} : memref<12x128xi32, #tpu.memory_space<vmem>>, vector<1x16xi32>,
    %swap3A_1104 = vector.shape_cast %swap3A_1103 : vector<1x16xi32> to vector<16xi32>
    %swap3A_1105 = vector.shape_cast %add3A_1099 : vector<16xi32> to vector<1x16xi32>
    tpu.vector_store %arg8[%swap3A_1101, %swap3A_1102], %swap3A_1105 {strides = array<i32>} : memref<12x128xi32, #tpu.memory_space<vmem>>, vector<1x16xi32>,
    %add3A_1106 = arith.constant 1 : i32
    %add3A_1107 = vector.broadcast %add3A_1106 : i32 to vector<16xi32>
    %add3A_1108 = arith.addi %mul3A_1096, %add3A_1107 : vector<16xi32>
    %swap3A_1109 = arith.constant 7 : i32
    %swap3A_1110 = arith.index_cast %swap3A_1109 : i32 to index
    %swap3A_1111 = arith.constant 112 : index
    %swap3A_1112 = tpu.vector_load %arg8[%swap3A_1110, %swap3A_1111] {strides = array<i32>} : memref<12x128xi32, #tpu.memory_space<vmem>>, vector<1x16xi32>,
    %swap3A_1113 = vector.shape_cast %swap3A_1112 : vector<1x16xi32> to vector<16xi32>
    %swap3A_1114 = vector.shape_cast %add3A_1108 : vector<16xi32> to vector<1x16xi32>
    tpu.vector_store %arg8[%swap3A_1110, %swap3A_1111], %swap3A_1114 {strides = array<i32>} : memref<12x128xi32, #tpu.memory_space<vmem>>, vector<1x16xi32>,
    %add3A_1115 = arith.constant 2 : i32
    %add3A_1116 = vector.broadcast %add3A_1115 : i32 to vector<16xi32>
    %add3A_1117 = arith.addi %mul3A_1096, %add3A_1116 : vector<16xi32>
    %swap3A_1118 = arith.constant 11 : i32
    %swap3A_1119 = arith.index_cast %swap3A_1118 : i32 to index
    %swap3A_1120 = arith.constant 112 : index
    %swap3A_1121 = tpu.vector_load %arg8[%swap3A_1119, %swap3A_1120] {strides = array<i32>} : memref<12x128xi32, #tpu.memory_space<vmem>>, vector<1x16xi32>,
    %swap3A_1122 = vector.shape_cast %swap3A_1121 : vector<1x16xi32> to vector<16xi32>
    %swap3A_1123 = vector.shape_cast %add3A_1117 : vector<16xi32> to vector<1x16xi32>
    tpu.vector_store %arg8[%swap3A_1119, %swap3A_1120], %swap3A_1123 {strides = array<i32>} : memref<12x128xi32, #tpu.memory_space<vmem>>, vector<1x16xi32>,
    %dma_start3A_1124 = arith.constant 0 : i32
    %dma_start3A_1125 = arith.constant 0 : i32
    %dma_start3A_1126 = tpu.memref_slice %arg9[%dma_start3A_1125] : memref<1536xf32, #tpu.memory_space<vmem>> -> memref<128xf32, #tpu.memory_space<vmem>>
    %dma_start3A_1127 = arith.constant 0 : i32
    %dma_start3A_1128 = tpu.memref_slice %arg8[%dma_start3A_1124, %dma_start3A_1127] : memref<12x128xi32, #tpu.memory_space<vmem>> -> memref<1x128xi32, #tpu.memory_space<vmem>>
    %dma_start3A_1129 = tpu.memref_squeeze %dma_start3A_1128 : memref<1x128xi32, #tpu.memory_space<vmem>> -> memref<128xi32, #tpu.memory_space<vmem>>
    %dma_start3A_1130 = arith.constant 0 : i32
    %dma_start3A_1131 = tpu.memref_slice %arg4[%dma_start3A_1130] : memref<300000xf32, #tpu.memory_space<hbm>> -> memref<300000xf32, #tpu.memory_space<hbm>>
    tpu.enqueue_indirect_dma source(%dma_start3A_1131 : memref<300000xf32, #tpu.memory_space<hbm>>) target(%dma_start3A_1126 : memref<128xf32, #tpu.memory_space<vmem>>) offsets(%dma_start3A_1129 : memref<128xi32, #tpu.memory_space<vmem>>) semaphore(%arg13 : memref<!tpu.dma_semaphore, #tpu.memory_space<semaphore_mem>>)
    %dma_start3A_1132 = arith.constant 0 : i32
    %dma_start3A_1133 = arith.constant 0 : i32
    %dma_start3A_1134 = tpu.memref_slice %arg10[%dma_start3A_1133] : memref<1536xf32, #tpu.memory_space<vmem>> -> memref<128xf32, #tpu.memory_space<vmem>>
    %dma_start3A_1135 = arith.constant 0 : i32
    %dma_start3A_1136 = tpu.memref_slice %arg8[%dma_start3A_1132, %dma_start3A_1135] : memref<12x128xi32, #tpu.memory_space<vmem>> -> memref<1x128xi32, #tpu.memory_space<vmem>>
    %dma_start3A_1137 = tpu.memref_squeeze %dma_start3A_1136 : memref<1x128xi32, #tpu.memory_space<vmem>> -> memref<128xi32, #tpu.memory_space<vmem>>
    %dma_start3A_1138 = arith.constant 0 : i32
    %dma_start3A_1139 = tpu.memref_slice %arg5[%dma_start3A_1138] : memref<300000xf32, #tpu.memory_space<hbm>> -> memref<300000xf32, #tpu.memory_space<hbm>>
    tpu.enqueue_indirect_dma source(%dma_start3A_1139 : memref<300000xf32, #tpu.memory_space<hbm>>) target(%dma_start3A_1134 : memref<128xf32, #tpu.memory_space<vmem>>) offsets(%dma_start3A_1137 : memref<128xi32, #tpu.memory_space<vmem>>) semaphore(%arg13 : memref<!tpu.dma_semaphore, #tpu.memory_space<semaphore_mem>>)
    %dma_start3A_1140 = arith.constant 1 : i32
    %dma_start3A_1141 = arith.constant 128 : i32
    %dma_start3A_1142 = tpu.memref_slice %arg9[%dma_start3A_1141] : memref<1536xf32, #tpu.memory_space<vmem>> -> memref<128xf32, #tpu.memory_space<vmem>>
    %dma_start3A_1143 = arith.constant 0 : i32
    %dma_start3A_1144 = tpu.memref_slice %arg8[%dma_start3A_1140, %dma_start3A_1143] : memref<12x128xi32, #tpu.memory_space<vmem>> -> memref<1x128xi32, #tpu.memory_space<vmem>>
    %dma_start3A_1145 = tpu.memref_squeeze %dma_start3A_1144 : memref<1x128xi32, #tpu.memory_space<vmem>> -> memref<128xi32, #tpu.memory_space<vmem>>
    %dma_start3A_1146 = arith.constant 0 : i32
    %dma_start3A_1147 = tpu.memref_slice %arg4[%dma_start3A_1146] : memref<300000xf32, #tpu.memory_space<hbm>> -> memref<300000xf32, #tpu.memory_space<hbm>>
    tpu.enqueue_indirect_dma source(%dma_start3A_1147 : memref<300000xf32, #tpu.memory_space<hbm>>) target(%dma_start3A_1142 : memref<128xf32, #tpu.memory_space<vmem>>) offsets(%dma_start3A_1145 : memref<128xi32, #tpu.memory_space<vmem>>) semaphore(%arg13 : memref<!tpu.dma_semaphore, #tpu.memory_space<semaphore_mem>>)
    %dma_start3A_1148 = arith.constant 1 : i32
    %dma_start3A_1149 = arith.constant 128 : i32
    %dma_start3A_1150 = tpu.memref_slice %arg10[%dma_start3A_1149] : memref<1536xf32, #tpu.memory_space<vmem>> -> memref<128xf32, #tpu.memory_space<vmem>>
    %dma_start3A_1151 = arith.constant 0 : i32
    %dma_start3A_1152 = tpu.memref_slice %arg8[%dma_start3A_1148, %dma_start3A_1151] : memref<12x128xi32, #tpu.memory_space<vmem>> -> memref<1x128xi32, #tpu.memory_space<vmem>>
    %dma_start3A_1153 = tpu.memref_squeeze %dma_start3A_1152 : memref<1x128xi32, #tpu.memory_space<vmem>> -> memref<128xi32, #tpu.memory_space<vmem>>
    %dma_start3A_1154 = arith.constant 0 : i32
    %dma_start3A_1155 = tpu.memref_slice %arg5[%dma_start3A_1154] : memref<300000xf32, #tpu.memory_space<hbm>> -> memref<300000xf32, #tpu.memory_space<hbm>>
    tpu.enqueue_indirect_dma source(%dma_start3A_1155 : memref<300000xf32, #tpu.memory_space<hbm>>) target(%dma_start3A_1150 : memref<128xf32, #tpu.memory_space<vmem>>) offsets(%dma_start3A_1153 : memref<128xi32, #tpu.memory_space<vmem>>) semaphore(%arg13 : memref<!tpu.dma_semaphore, #tpu.memory_space<semaphore_mem>>)
    %dma_start3A_1156 = arith.constant 2 : i32
    %dma_start3A_1157 = arith.constant 256 : i32
    %dma_start3A_1158 = tpu.memref_slice %arg9[%dma_start3A_1157] : memref<1536xf32, #tpu.memory_space<vmem>> -> memref<128xf32, #tpu.memory_space<vmem>>
    %dma_start3A_1159 = arith.constant 0 : i32
    %dma_start3A_1160 = tpu.memref_slice %arg8[%dma_start3A_1156, %dma_start3A_1159] : memref<12x128xi32, #tpu.memory_space<vmem>> -> memref<1x128xi32, #tpu.memory_space<vmem>>
    %dma_start3A_1161 = tpu.memref_squeeze %dma_start3A_1160 : memref<1x128xi32, #tpu.memory_space<vmem>> -> memref<128xi32, #tpu.memory_space<vmem>>
    %dma_start3A_1162 = arith.constant 0 : i32
    %dma_start3A_1163 = tpu.memref_slice %arg4[%dma_start3A_1162] : memref<300000xf32, #tpu.memory_space<hbm>> -> memref<300000xf32, #tpu.memory_space<hbm>>
    tpu.enqueue_indirect_dma source(%dma_start3A_1163 : memref<300000xf32, #tpu.memory_space<hbm>>) target(%dma_start3A_1158 : memref<128xf32, #tpu.memory_space<vmem>>) offsets(%dma_start3A_1161 : memref<128xi32, #tpu.memory_space<vmem>>) semaphore(%arg13 : memref<!tpu.dma_semaphore, #tpu.memory_space<semaphore_mem>>)
    %dma_start3A_1164 = arith.constant 2 : i32
    %dma_start3A_1165 = arith.constant 256 : i32
    %dma_start3A_1166 = tpu.memref_slice %arg10[%dma_start3A_1165] : memref<1536xf32, #tpu.memory_space<vmem>> -> memref<128xf32, #tpu.memory_space<vmem>>
    %dma_start3A_1167 = arith.constant 0 : i32
    %dma_start3A_1168 = tpu.memref_slice %arg8[%dma_start3A_1164, %dma_start3A_1167] : memref<12x128xi32, #tpu.memory_space<vmem>> -> memref<1x128xi32, #tpu.memory_space<vmem>>
    %dma_start3A_1169 = tpu.memref_squeeze %dma_start3A_1168 : memref<1x128xi32, #tpu.memory_space<vmem>> -> memref<128xi32, #tpu.memory_space<vmem>>
    %dma_start3A_1170 = arith.constant 0 : i32
    %dma_start3A_1171 = tpu.memref_slice %arg5[%dma_start3A_1170] : memref<300000xf32, #tpu.memory_space<hbm>> -> memref<300000xf32, #tpu.memory_space<hbm>>
    tpu.enqueue_indirect_dma source(%dma_start3A_1171 : memref<300000xf32, #tpu.memory_space<hbm>>) target(%dma_start3A_1166 : memref<128xf32, #tpu.memory_space<vmem>>) offsets(%dma_start3A_1169 : memref<128xi32, #tpu.memory_space<vmem>>) semaphore(%arg13 : memref<!tpu.dma_semaphore, #tpu.memory_space<semaphore_mem>>)
    %dma_start3A_1172 = arith.constant 3 : i32
    %dma_start3A_1173 = arith.constant 384 : i32
    %dma_start3A_1174 = tpu.memref_slice %arg9[%dma_start3A_1173] : memref<1536xf32, #tpu.memory_space<vmem>> -> memref<128xf32, #tpu.memory_space<vmem>>
    %dma_start3A_1175 = arith.constant 0 : i32
    %dma_start3A_1176 = tpu.memref_slice %arg8[%dma_start3A_1172, %dma_start3A_1175] : memref<12x128xi32, #tpu.memory_space<vmem>> -> memref<1x128xi32, #tpu.memory_space<vmem>>
    %dma_start3A_1177 = tpu.memref_squeeze %dma_start3A_1176 : memref<1x128xi32, #tpu.memory_space<vmem>> -> memref<128xi32, #tpu.memory_space<vmem>>
    %dma_start3A_1178 = arith.constant 0 : i32
    %dma_start3A_1179 = tpu.memref_slice %arg4[%dma_start3A_1178] : memref<300000xf32, #tpu.memory_space<hbm>> -> memref<300000xf32, #tpu.memory_space<hbm>>
    tpu.enqueue_indirect_dma source(%dma_start3A_1179 : memref<300000xf32, #tpu.memory_space<hbm>>) target(%dma_start3A_1174 : memref<128xf32, #tpu.memory_space<vmem>>) offsets(%dma_start3A_1177 : memref<128xi32, #tpu.memory_space<vmem>>) semaphore(%arg13 : memref<!tpu.dma_semaphore, #tpu.memory_space<semaphore_mem>>)
    %dma_start3A_1180 = arith.constant 3 : i32
    %dma_start3A_1181 = arith.constant 384 : i32
    %dma_start3A_1182 = tpu.memref_slice %arg10[%dma_start3A_1181] : memref<1536xf32, #tpu.memory_space<vmem>> -> memref<128xf32, #tpu.memory_space<vmem>>
    %dma_start3A_1183 = arith.constant 0 : i32
    %dma_start3A_1184 = tpu.memref_slice %arg8[%dma_start3A_1180, %dma_start3A_1183] : memref<12x128xi32, #tpu.memory_space<vmem>> -> memref<1x128xi32, #tpu.memory_space<vmem>>
    %dma_start3A_1185 = tpu.memref_squeeze %dma_start3A_1184 : memref<1x128xi32, #tpu.memory_space<vmem>> -> memref<128xi32, #tpu.memory_space<vmem>>
    %dma_start3A_1186 = arith.constant 0 : i32
    %dma_start3A_1187 = tpu.memref_slice %arg5[%dma_start3A_1186] : memref<300000xf32, #tpu.memory_space<hbm>> -> memref<300000xf32, #tpu.memory_space<hbm>>
    tpu.enqueue_indirect_dma source(%dma_start3A_1187 : memref<300000xf32, #tpu.memory_space<hbm>>) target(%dma_start3A_1182 : memref<128xf32, #tpu.memory_space<vmem>>) offsets(%dma_start3A_1185 : memref<128xi32, #tpu.memory_space<vmem>>) semaphore(%arg13 : memref<!tpu.dma_semaphore, #tpu.memory_space<semaphore_mem>>)
    %dma_start3A_1188 = arith.constant 4 : i32
    %dma_start3A_1189 = arith.constant 512 : i32
    %dma_start3A_1190 = tpu.memref_slice %arg9[%dma_start3A_1189] : memref<1536xf32, #tpu.memory_space<vmem>> -> memref<128xf32, #tpu.memory_space<vmem>>
    %dma_start3A_1191 = arith.constant 0 : i32
    %dma_start3A_1192 = tpu.memref_slice %arg8[%dma_start3A_1188, %dma_start3A_1191] : memref<12x128xi32, #tpu.memory_space<vmem>> -> memref<1x128xi32, #tpu.memory_space<vmem>>
    %dma_start3A_1193 = tpu.memref_squeeze %dma_start3A_1192 : memref<1x128xi32, #tpu.memory_space<vmem>> -> memref<128xi32, #tpu.memory_space<vmem>>
    %dma_start3A_1194 = arith.constant 0 : i32
    %dma_start3A_1195 = tpu.memref_slice %arg4[%dma_start3A_1194] : memref<300000xf32, #tpu.memory_space<hbm>> -> memref<300000xf32, #tpu.memory_space<hbm>>
    tpu.enqueue_indirect_dma source(%dma_start3A_1195 : memref<300000xf32, #tpu.memory_space<hbm>>) target(%dma_start3A_1190 : memref<128xf32, #tpu.memory_space<vmem>>) offsets(%dma_start3A_1193 : memref<128xi32, #tpu.memory_space<vmem>>) semaphore(%arg13 : memref<!tpu.dma_semaphore, #tpu.memory_space<semaphore_mem>>)
    %dma_start3A_1196 = arith.constant 4 : i32
    %dma_start3A_1197 = arith.constant 512 : i32
    %dma_start3A_1198 = tpu.memref_slice %arg10[%dma_start3A_1197] : memref<1536xf32, #tpu.memory_space<vmem>> -> memref<128xf32, #tpu.memory_space<vmem>>
    %dma_start3A_1199 = arith.constant 0 : i32
    %dma_start3A_1200 = tpu.memref_slice %arg8[%dma_start3A_1196, %dma_start3A_1199] : memref<12x128xi32, #tpu.memory_space<vmem>> -> memref<1x128xi32, #tpu.memory_space<vmem>>
    %dma_start3A_1201 = tpu.memref_squeeze %dma_start3A_1200 : memref<1x128xi32, #tpu.memory_space<vmem>> -> memref<128xi32, #tpu.memory_space<vmem>>
    %dma_start3A_1202 = arith.constant 0 : i32
    %dma_start3A_1203 = tpu.memref_slice %arg5[%dma_start3A_1202] : memref<300000xf32, #tpu.memory_space<hbm>> -> memref<300000xf32, #tpu.memory_space<hbm>>
    tpu.enqueue_indirect_dma source(%dma_start3A_1203 : memref<300000xf32, #tpu.memory_space<hbm>>) target(%dma_start3A_1198 : memref<128xf32, #tpu.memory_space<vmem>>) offsets(%dma_start3A_1201 : memref<128xi32, #tpu.memory_space<vmem>>) semaphore(%arg13 : memref<!tpu.dma_semaphore, #tpu.memory_space<semaphore_mem>>)
    %dma_start3A_1204 = arith.constant 5 : i32
    %dma_start3A_1205 = arith.constant 640 : i32
    %dma_start3A_1206 = tpu.memref_slice %arg9[%dma_start3A_1205] : memref<1536xf32, #tpu.memory_space<vmem>> -> memref<128xf32, #tpu.memory_space<vmem>>
    %dma_start3A_1207 = arith.constant 0 : i32
    %dma_start3A_1208 = tpu.memref_slice %arg8[%dma_start3A_1204, %dma_start3A_1207] : memref<12x128xi32, #tpu.memory_space<vmem>> -> memref<1x128xi32, #tpu.memory_space<vmem>>
    %dma_start3A_1209 = tpu.memref_squeeze %dma_start3A_1208 : memref<1x128xi32, #tpu.memory_space<vmem>> -> memref<128xi32, #tpu.memory_space<vmem>>
    %dma_start3A_1210 = arith.constant 0 : i32
    %dma_start3A_1211 = tpu.memref_slice %arg4[%dma_start3A_1210] : memref<300000xf32, #tpu.memory_space<hbm>> -> memref<300000xf32, #tpu.memory_space<hbm>>
    tpu.enqueue_indirect_dma source(%dma_start3A_1211 : memref<300000xf32, #tpu.memory_space<hbm>>) target(%dma_start3A_1206 : memref<128xf32, #tpu.memory_space<vmem>>) offsets(%dma_start3A_1209 : memref<128xi32, #tpu.memory_space<vmem>>) semaphore(%arg13 : memref<!tpu.dma_semaphore, #tpu.memory_space<semaphore_mem>>)
    %dma_start3A_1212 = arith.constant 5 : i32
    %dma_start3A_1213 = arith.constant 640 : i32
    %dma_start3A_1214 = tpu.memref_slice %arg10[%dma_start3A_1213] : memref<1536xf32, #tpu.memory_space<vmem>> -> memref<128xf32, #tpu.memory_space<vmem>>
    %dma_start3A_1215 = arith.constant 0 : i32
    %dma_start3A_1216 = tpu.memref_slice %arg8[%dma_start3A_1212, %dma_start3A_1215] : memref<12x128xi32, #tpu.memory_space<vmem>> -> memref<1x128xi32, #tpu.memory_space<vmem>>
    %dma_start3A_1217 = tpu.memref_squeeze %dma_start3A_1216 : memref<1x128xi32, #tpu.memory_space<vmem>> -> memref<128xi32, #tpu.memory_space<vmem>>
    %dma_start3A_1218 = arith.constant 0 : i32
    %dma_start3A_1219 = tpu.memref_slice %arg5[%dma_start3A_1218] : memref<300000xf32, #tpu.memory_space<hbm>> -> memref<300000xf32, #tpu.memory_space<hbm>>
    tpu.enqueue_indirect_dma source(%dma_start3A_1219 : memref<300000xf32, #tpu.memory_space<hbm>>) target(%dma_start3A_1214 : memref<128xf32, #tpu.memory_space<vmem>>) offsets(%dma_start3A_1217 : memref<128xi32, #tpu.memory_space<vmem>>) semaphore(%arg13 : memref<!tpu.dma_semaphore, #tpu.memory_space<semaphore_mem>>)
    %dma_start3A_1220 = arith.constant 6 : i32
    %dma_start3A_1221 = arith.constant 768 : i32
    %dma_start3A_1222 = tpu.memref_slice %arg9[%dma_start3A_1221] : memref<1536xf32, #tpu.memory_space<vmem>> -> memref<128xf32, #tpu.memory_space<vmem>>
    %dma_start3A_1223 = arith.constant 0 : i32
    %dma_start3A_1224 = tpu.memref_slice %arg8[%dma_start3A_1220, %dma_start3A_1223] : memref<12x128xi32, #tpu.memory_space<vmem>> -> memref<1x128xi32, #tpu.memory_space<vmem>>
    %dma_start3A_1225 = tpu.memref_squeeze %dma_start3A_1224 : memref<1x128xi32, #tpu.memory_space<vmem>> -> memref<128xi32, #tpu.memory_space<vmem>>
    %dma_start3A_1226 = arith.constant 0 : i32
    %dma_start3A_1227 = tpu.memref_slice %arg4[%dma_start3A_1226] : memref<300000xf32, #tpu.memory_space<hbm>> -> memref<300000xf32, #tpu.memory_space<hbm>>
    tpu.enqueue_indirect_dma source(%dma_start3A_1227 : memref<300000xf32, #tpu.memory_space<hbm>>) target(%dma_start3A_1222 : memref<128xf32, #tpu.memory_space<vmem>>) offsets(%dma_start3A_1225 : memref<128xi32, #tpu.memory_space<vmem>>) semaphore(%arg13 : memref<!tpu.dma_semaphore, #tpu.memory_space<semaphore_mem>>)
    %dma_start3A_1228 = arith.constant 6 : i32
    %dma_start3A_1229 = arith.constant 768 : i32
    %dma_start3A_1230 = tpu.memref_slice %arg10[%dma_start3A_1229] : memref<1536xf32, #tpu.memory_space<vmem>> -> memref<128xf32, #tpu.memory_space<vmem>>
    %dma_start3A_1231 = arith.constant 0 : i32
    %dma_start3A_1232 = tpu.memref_slice %arg8[%dma_start3A_1228, %dma_start3A_1231] : memref<12x128xi32, #tpu.memory_space<vmem>> -> memref<1x128xi32, #tpu.memory_space<vmem>>
    %dma_start3A_1233 = tpu.memref_squeeze %dma_start3A_1232 : memref<1x128xi32, #tpu.memory_space<vmem>> -> memref<128xi32, #tpu.memory_space<vmem>>
    %dma_start3A_1234 = arith.constant 0 : i32
    %dma_start3A_1235 = tpu.memref_slice %arg5[%dma_start3A_1234] : memref<300000xf32, #tpu.memory_space<hbm>> -> memref<300000xf32, #tpu.memory_space<hbm>>
    tpu.enqueue_indirect_dma source(%dma_start3A_1235 : memref<300000xf32, #tpu.memory_space<hbm>>) target(%dma_start3A_1230 : memref<128xf32, #tpu.memory_space<vmem>>) offsets(%dma_start3A_1233 : memref<128xi32, #tpu.memory_space<vmem>>) semaphore(%arg13 : memref<!tpu.dma_semaphore, #tpu.memory_space<semaphore_mem>>)
    %dma_start3A_1236 = arith.constant 7 : i32
    %dma_start3A_1237 = arith.constant 896 : i32
    %dma_start3A_1238 = tpu.memref_slice %arg9[%dma_start3A_1237] : memref<1536xf32, #tpu.memory_space<vmem>> -> memref<128xf32, #tpu.memory_space<vmem>>
    %dma_start3A_1239 = arith.constant 0 : i32
    %dma_start3A_1240 = tpu.memref_slice %arg8[%dma_start3A_1236, %dma_start3A_1239] : memref<12x128xi32, #tpu.memory_space<vmem>> -> memref<1x128xi32, #tpu.memory_space<vmem>>
    %dma_start3A_1241 = tpu.memref_squeeze %dma_start3A_1240 : memref<1x128xi32, #tpu.memory_space<vmem>> -> memref<128xi32, #tpu.memory_space<vmem>>
    %dma_start3A_1242 = arith.constant 0 : i32
    %dma_start3A_1243 = tpu.memref_slice %arg4[%dma_start3A_1242] : memref<300000xf32, #tpu.memory_space<hbm>> -> memref<300000xf32, #tpu.memory_space<hbm>>
    tpu.enqueue_indirect_dma source(%dma_start3A_1243 : memref<300000xf32, #tpu.memory_space<hbm>>) target(%dma_start3A_1238 : memref<128xf32, #tpu.memory_space<vmem>>) offsets(%dma_start3A_1241 : memref<128xi32, #tpu.memory_space<vmem>>) semaphore(%arg13 : memref<!tpu.dma_semaphore, #tpu.memory_space<semaphore_mem>>)
    %dma_start3A_1244 = arith.constant 7 : i32
    %dma_start3A_1245 = arith.constant 896 : i32
    %dma_start3A_1246 = tpu.memref_slice %arg10[%dma_start3A_1245] : memref<1536xf32, #tpu.memory_space<vmem>> -> memref<128xf32, #tpu.memory_space<vmem>>
    %dma_start3A_1247 = arith.constant 0 : i32
    %dma_start3A_1248 = tpu.memref_slice %arg8[%dma_start3A_1244, %dma_start3A_1247] : memref<12x128xi32, #tpu.memory_space<vmem>> -> memref<1x128xi32, #tpu.memory_space<vmem>>
    %dma_start3A_1249 = tpu.memref_squeeze %dma_start3A_1248 : memref<1x128xi32, #tpu.memory_space<vmem>> -> memref<128xi32, #tpu.memory_space<vmem>>
    %dma_start3A_1250 = arith.constant 0 : i32
    %dma_start3A_1251 = tpu.memref_slice %arg5[%dma_start3A_1250] : memref<300000xf32, #tpu.memory_space<hbm>> -> memref<300000xf32, #tpu.memory_space<hbm>>
    tpu.enqueue_indirect_dma source(%dma_start3A_1251 : memref<300000xf32, #tpu.memory_space<hbm>>) target(%dma_start3A_1246 : memref<128xf32, #tpu.memory_space<vmem>>) offsets(%dma_start3A_1249 : memref<128xi32, #tpu.memory_space<vmem>>) semaphore(%arg13 : memref<!tpu.dma_semaphore, #tpu.memory_space<semaphore_mem>>)
    %dma_start3A_1252 = arith.constant 8 : i32
    %dma_start3A_1253 = arith.constant 1024 : i32
    %dma_start3A_1254 = tpu.memref_slice %arg9[%dma_start3A_1253] : memref<1536xf32, #tpu.memory_space<vmem>> -> memref<128xf32, #tpu.memory_space<vmem>>
    %dma_start3A_1255 = arith.constant 0 : i32
    %dma_start3A_1256 = tpu.memref_slice %arg8[%dma_start3A_1252, %dma_start3A_1255] : memref<12x128xi32, #tpu.memory_space<vmem>> -> memref<1x128xi32, #tpu.memory_space<vmem>>
    %dma_start3A_1257 = tpu.memref_squeeze %dma_start3A_1256 : memref<1x128xi32, #tpu.memory_space<vmem>> -> memref<128xi32, #tpu.memory_space<vmem>>
    %dma_start3A_1258 = arith.constant 0 : i32
    %dma_start3A_1259 = tpu.memref_slice %arg4[%dma_start3A_1258] : memref<300000xf32, #tpu.memory_space<hbm>> -> memref<300000xf32, #tpu.memory_space<hbm>>
    tpu.enqueue_indirect_dma source(%dma_start3A_1259 : memref<300000xf32, #tpu.memory_space<hbm>>) target(%dma_start3A_1254 : memref<128xf32, #tpu.memory_space<vmem>>) offsets(%dma_start3A_1257 : memref<128xi32, #tpu.memory_space<vmem>>) semaphore(%arg13 : memref<!tpu.dma_semaphore, #tpu.memory_space<semaphore_mem>>)
    %dma_start3A_1260 = arith.constant 8 : i32
    %dma_start3A_1261 = arith.constant 1024 : i32
    %dma_start3A_1262 = tpu.memref_slice %arg10[%dma_start3A_1261] : memref<1536xf32, #tpu.memory_space<vmem>> -> memref<128xf32, #tpu.memory_space<vmem>>
    %dma_start3A_1263 = arith.constant 0 : i32
    %dma_start3A_1264 = tpu.memref_slice %arg8[%dma_start3A_1260, %dma_start3A_1263] : memref<12x128xi32, #tpu.memory_space<vmem>> -> memref<1x128xi32, #tpu.memory_space<vmem>>
    %dma_start3A_1265 = tpu.memref_squeeze %dma_start3A_1264 : memref<1x128xi32, #tpu.memory_space<vmem>> -> memref<128xi32, #tpu.memory_space<vmem>>
    %dma_start3A_1266 = arith.constant 0 : i32
    %dma_start3A_1267 = tpu.memref_slice %arg5[%dma_start3A_1266] : memref<300000xf32, #tpu.memory_space<hbm>> -> memref<300000xf32, #tpu.memory_space<hbm>>
    tpu.enqueue_indirect_dma source(%dma_start3A_1267 : memref<300000xf32, #tpu.memory_space<hbm>>) target(%dma_start3A_1262 : memref<128xf32, #tpu.memory_space<vmem>>) offsets(%dma_start3A_1265 : memref<128xi32, #tpu.memory_space<vmem>>) semaphore(%arg13 : memref<!tpu.dma_semaphore, #tpu.memory_space<semaphore_mem>>)
    %dma_start3A_1268 = arith.constant 9 : i32
    %dma_start3A_1269 = arith.constant 1152 : i32
    %dma_start3A_1270 = tpu.memref_slice %arg9[%dma_start3A_1269] : memref<1536xf32, #tpu.memory_space<vmem>> -> memref<128xf32, #tpu.memory_space<vmem>>
    %dma_start3A_1271 = arith.constant 0 : i32
    %dma_start3A_1272 = tpu.memref_slice %arg8[%dma_start3A_1268, %dma_start3A_1271] : memref<12x128xi32, #tpu.memory_space<vmem>> -> memref<1x128xi32, #tpu.memory_space<vmem>>
    %dma_start3A_1273 = tpu.memref_squeeze %dma_start3A_1272 : memref<1x128xi32, #tpu.memory_space<vmem>> -> memref<128xi32, #tpu.memory_space<vmem>>
    %dma_start3A_1274 = arith.constant 0 : i32
    %dma_start3A_1275 = tpu.memref_slice %arg4[%dma_start3A_1274] : memref<300000xf32, #tpu.memory_space<hbm>> -> memref<300000xf32, #tpu.memory_space<hbm>>
    tpu.enqueue_indirect_dma source(%dma_start3A_1275 : memref<300000xf32, #tpu.memory_space<hbm>>) target(%dma_start3A_1270 : memref<128xf32, #tpu.memory_space<vmem>>) offsets(%dma_start3A_1273 : memref<128xi32, #tpu.memory_space<vmem>>) semaphore(%arg13 : memref<!tpu.dma_semaphore, #tpu.memory_space<semaphore_mem>>)
    %dma_start3A_1276 = arith.constant 9 : i32
    %dma_start3A_1277 = arith.constant 1152 : i32
    %dma_start3A_1278 = tpu.memref_slice %arg10[%dma_start3A_1277] : memref<1536xf32, #tpu.memory_space<vmem>> -> memref<128xf32, #tpu.memory_space<vmem>>
    %dma_start3A_1279 = arith.constant 0 : i32
    %dma_start3A_1280 = tpu.memref_slice %arg8[%dma_start3A_1276, %dma_start3A_1279] : memref<12x128xi32, #tpu.memory_space<vmem>> -> memref<1x128xi32, #tpu.memory_space<vmem>>
    %dma_start3A_1281 = tpu.memref_squeeze %dma_start3A_1280 : memref<1x128xi32, #tpu.memory_space<vmem>> -> memref<128xi32, #tpu.memory_space<vmem>>
    %dma_start3A_1282 = arith.constant 0 : i32
    %dma_start3A_1283 = tpu.memref_slice %arg5[%dma_start3A_1282] : memref<300000xf32, #tpu.memory_space<hbm>> -> memref<300000xf32, #tpu.memory_space<hbm>>
    tpu.enqueue_indirect_dma source(%dma_start3A_1283 : memref<300000xf32, #tpu.memory_space<hbm>>) target(%dma_start3A_1278 : memref<128xf32, #tpu.memory_space<vmem>>) offsets(%dma_start3A_1281 : memref<128xi32, #tpu.memory_space<vmem>>) semaphore(%arg13 : memref<!tpu.dma_semaphore, #tpu.memory_space<semaphore_mem>>)
    %dma_start3A_1284 = arith.constant 10 : i32
    %dma_start3A_1285 = arith.constant 1280 : i32
    %dma_start3A_1286 = tpu.memref_slice %arg9[%dma_start3A_1285] : memref<1536xf32, #tpu.memory_space<vmem>> -> memref<128xf32, #tpu.memory_space<vmem>>
    %dma_start3A_1287 = arith.constant 0 : i32
    %dma_start3A_1288 = tpu.memref_slice %arg8[%dma_start3A_1284, %dma_start3A_1287] : memref<12x128xi32, #tpu.memory_space<vmem>> -> memref<1x128xi32, #tpu.memory_space<vmem>>
    %dma_start3A_1289 = tpu.memref_squeeze %dma_start3A_1288 : memref<1x128xi32, #tpu.memory_space<vmem>> -> memref<128xi32, #tpu.memory_space<vmem>>
    %dma_start3A_1290 = arith.constant 0 : i32
    %dma_start3A_1291 = tpu.memref_slice %arg4[%dma_start3A_1290] : memref<300000xf32, #tpu.memory_space<hbm>> -> memref<300000xf32, #tpu.memory_space<hbm>>
    tpu.enqueue_indirect_dma source(%dma_start3A_1291 : memref<300000xf32, #tpu.memory_space<hbm>>) target(%dma_start3A_1286 : memref<128xf32, #tpu.memory_space<vmem>>) offsets(%dma_start3A_1289 : memref<128xi32, #tpu.memory_space<vmem>>) semaphore(%arg13 : memref<!tpu.dma_semaphore, #tpu.memory_space<semaphore_mem>>)
    %dma_start3A_1292 = arith.constant 10 : i32
    %dma_start3A_1293 = arith.constant 1280 : i32
    %dma_start3A_1294 = tpu.memref_slice %arg10[%dma_start3A_1293] : memref<1536xf32, #tpu.memory_space<vmem>> -> memref<128xf32, #tpu.memory_space<vmem>>
    %dma_start3A_1295 = arith.constant 0 : i32
    %dma_start3A_1296 = tpu.memref_slice %arg8[%dma_start3A_1292, %dma_start3A_1295] : memref<12x128xi32, #tpu.memory_space<vmem>> -> memref<1x128xi32, #tpu.memory_space<vmem>>
    %dma_start3A_1297 = tpu.memref_squeeze %dma_start3A_1296 : memref<1x128xi32, #tpu.memory_space<vmem>> -> memref<128xi32, #tpu.memory_space<vmem>>
    %dma_start3A_1298 = arith.constant 0 : i32
    %dma_start3A_1299 = tpu.memref_slice %arg5[%dma_start3A_1298] : memref<300000xf32, #tpu.memory_space<hbm>> -> memref<300000xf32, #tpu.memory_space<hbm>>
    tpu.enqueue_indirect_dma source(%dma_start3A_1299 : memref<300000xf32, #tpu.memory_space<hbm>>) target(%dma_start3A_1294 : memref<128xf32, #tpu.memory_space<vmem>>) offsets(%dma_start3A_1297 : memref<128xi32, #tpu.memory_space<vmem>>) semaphore(%arg13 : memref<!tpu.dma_semaphore, #tpu.memory_space<semaphore_mem>>)
    %dma_start3A_1300 = arith.constant 11 : i32
    %dma_start3A_1301 = arith.constant 1408 : i32
    %dma_start3A_1302 = tpu.memref_slice %arg9[%dma_start3A_1301] : memref<1536xf32, #tpu.memory_space<vmem>> -> memref<128xf32, #tpu.memory_space<vmem>>
    %dma_start3A_1303 = arith.constant 0 : i32
    %dma_start3A_1304 = tpu.memref_slice %arg8[%dma_start3A_1300, %dma_start3A_1303] : memref<12x128xi32, #tpu.memory_space<vmem>> -> memref<1x128xi32, #tpu.memory_space<vmem>>
    %dma_start3A_1305 = tpu.memref_squeeze %dma_start3A_1304 : memref<1x128xi32, #tpu.memory_space<vmem>> -> memref<128xi32, #tpu.memory_space<vmem>>
    %dma_start3A_1306 = arith.constant 0 : i32
    %dma_start3A_1307 = tpu.memref_slice %arg4[%dma_start3A_1306] : memref<300000xf32, #tpu.memory_space<hbm>> -> memref<300000xf32, #tpu.memory_space<hbm>>
    tpu.enqueue_indirect_dma source(%dma_start3A_1307 : memref<300000xf32, #tpu.memory_space<hbm>>) target(%dma_start3A_1302 : memref<128xf32, #tpu.memory_space<vmem>>) offsets(%dma_start3A_1305 : memref<128xi32, #tpu.memory_space<vmem>>) semaphore(%arg13 : memref<!tpu.dma_semaphore, #tpu.memory_space<semaphore_mem>>)
    %dma_start3A_1308 = arith.constant 11 : i32
    %dma_start3A_1309 = arith.constant 1408 : i32
    %dma_start3A_1310 = tpu.memref_slice %arg10[%dma_start3A_1309] : memref<1536xf32, #tpu.memory_space<vmem>> -> memref<128xf32, #tpu.memory_space<vmem>>
    %dma_start3A_1311 = arith.constant 0 : i32
    %dma_start3A_1312 = tpu.memref_slice %arg8[%dma_start3A_1308, %dma_start3A_1311] : memref<12x128xi32, #tpu.memory_space<vmem>> -> memref<1x128xi32, #tpu.memory_space<vmem>>
    %dma_start3A_1313 = tpu.memref_squeeze %dma_start3A_1312 : memref<1x128xi32, #tpu.memory_space<vmem>> -> memref<128xi32, #tpu.memory_space<vmem>>
    %dma_start3A_1314 = arith.constant 0 : i32
    %dma_start3A_1315 = tpu.memref_slice %arg5[%dma_start3A_1314] : memref<300000xf32, #tpu.memory_space<hbm>> -> memref<300000xf32, #tpu.memory_space<hbm>>
    tpu.enqueue_indirect_dma source(%dma_start3A_1315 : memref<300000xf32, #tpu.memory_space<hbm>>) target(%dma_start3A_1310 : memref<128xf32, #tpu.memory_space<vmem>>) offsets(%dma_start3A_1313 : memref<128xi32, #tpu.memory_space<vmem>>) semaphore(%arg13 : memref<!tpu.dma_semaphore, #tpu.memory_space<semaphore_mem>>)
    %dma_wait3A = arith.constant 0 : i32
    %dma_wait3A_1316 = arith.constant 0 : i32
    %dma_wait3A_1317 = tpu.memref_slice %arg9[%dma_wait3A_1316] : memref<1536xf32, #tpu.memory_space<vmem>> -> memref<128xf32, #tpu.memory_space<vmem>>
    %dma_wait3A_1318 = arith.constant 0 : i32
    %dma_wait3A_1319 = tpu.memref_slice %arg8[%dma_wait3A, %dma_wait3A_1318] : memref<12x128xi32, #tpu.memory_space<vmem>> -> memref<1x128xi32, #tpu.memory_space<vmem>>
    %dma_wait3A_1320 = tpu.memref_squeeze %dma_wait3A_1319 : memref<1x128xi32, #tpu.memory_space<vmem>> -> memref<128xi32, #tpu.memory_space<vmem>>
    %dma_wait3A_1321 = arith.constant 0 : i32
    %dma_wait3A_1322 = tpu.memref_slice %arg4[%dma_wait3A_1321] : memref<300000xf32, #tpu.memory_space<hbm>> -> memref<300000xf32, #tpu.memory_space<hbm>>
    tpu.wait_indirect_dma semaphore(%arg13 : memref<!tpu.dma_semaphore, #tpu.memory_space<semaphore_mem>>) src(%dma_wait3A_1322 : memref<300000xf32, #tpu.memory_space<hbm>>) dst(%dma_wait3A_1317 : memref<128xf32, #tpu.memory_space<vmem>>)
    %dma_wait3A_1323 = arith.constant 0 : i32
    %dma_wait3A_1324 = arith.constant 0 : i32
    %dma_wait3A_1325 = tpu.memref_slice %arg10[%dma_wait3A_1324] : memref<1536xf32, #tpu.memory_space<vmem>> -> memref<128xf32, #tpu.memory_space<vmem>>
    %dma_wait3A_1326 = arith.constant 0 : i32
    %dma_wait3A_1327 = tpu.memref_slice %arg8[%dma_wait3A_1323, %dma_wait3A_1326] : memref<12x128xi32, #tpu.memory_space<vmem>> -> memref<1x128xi32, #tpu.memory_space<vmem>>
    %dma_wait3A_1328 = tpu.memref_squeeze %dma_wait3A_1327 : memref<1x128xi32, #tpu.memory_space<vmem>> -> memref<128xi32, #tpu.memory_space<vmem>>
    %dma_wait3A_1329 = arith.constant 0 : i32
    %dma_wait3A_1330 = tpu.memref_slice %arg5[%dma_wait3A_1329] : memref<300000xf32, #tpu.memory_space<hbm>> -> memref<300000xf32, #tpu.memory_space<hbm>>
    tpu.wait_indirect_dma semaphore(%arg13 : memref<!tpu.dma_semaphore, #tpu.memory_space<semaphore_mem>>) src(%dma_wait3A_1330 : memref<300000xf32, #tpu.memory_space<hbm>>) dst(%dma_wait3A_1325 : memref<128xf32, #tpu.memory_space<vmem>>)
    %dma_wait3A_1331 = arith.constant 1 : i32
    %dma_wait3A_1332 = arith.constant 128 : i32
    %dma_wait3A_1333 = tpu.memref_slice %arg9[%dma_wait3A_1332] : memref<1536xf32, #tpu.memory_space<vmem>> -> memref<128xf32, #tpu.memory_space<vmem>>
    %dma_wait3A_1334 = arith.constant 0 : i32
    %dma_wait3A_1335 = tpu.memref_slice %arg8[%dma_wait3A_1331, %dma_wait3A_1334] : memref<12x128xi32, #tpu.memory_space<vmem>> -> memref<1x128xi32, #tpu.memory_space<vmem>>
    %dma_wait3A_1336 = tpu.memref_squeeze %dma_wait3A_1335 : memref<1x128xi32, #tpu.memory_space<vmem>> -> memref<128xi32, #tpu.memory_space<vmem>>
    %dma_wait3A_1337 = arith.constant 0 : i32
    %dma_wait3A_1338 = tpu.memref_slice %arg4[%dma_wait3A_1337] : memref<300000xf32, #tpu.memory_space<hbm>> -> memref<300000xf32, #tpu.memory_space<hbm>>
    tpu.wait_indirect_dma semaphore(%arg13 : memref<!tpu.dma_semaphore, #tpu.memory_space<semaphore_mem>>) src(%dma_wait3A_1338 : memref<300000xf32, #tpu.memory_space<hbm>>) dst(%dma_wait3A_1333 : memref<128xf32, #tpu.memory_space<vmem>>)
    %dma_wait3A_1339 = arith.constant 1 : i32
    %dma_wait3A_1340 = arith.constant 128 : i32
    %dma_wait3A_1341 = tpu.memref_slice %arg10[%dma_wait3A_1340] : memref<1536xf32, #tpu.memory_space<vmem>> -> memref<128xf32, #tpu.memory_space<vmem>>
    %dma_wait3A_1342 = arith.constant 0 : i32
    %dma_wait3A_1343 = tpu.memref_slice %arg8[%dma_wait3A_1339, %dma_wait3A_1342] : memref<12x128xi32, #tpu.memory_space<vmem>> -> memref<1x128xi32, #tpu.memory_space<vmem>>
    %dma_wait3A_1344 = tpu.memref_squeeze %dma_wait3A_1343 : memref<1x128xi32, #tpu.memory_space<vmem>> -> memref<128xi32, #tpu.memory_space<vmem>>
    %dma_wait3A_1345 = arith.constant 0 : i32
    %dma_wait3A_1346 = tpu.memref_slice %arg5[%dma_wait3A_1345] : memref<300000xf32, #tpu.memory_space<hbm>> -> memref<300000xf32, #tpu.memory_space<hbm>>
    tpu.wait_indirect_dma semaphore(%arg13 : memref<!tpu.dma_semaphore, #tpu.memory_space<semaphore_mem>>) src(%dma_wait3A_1346 : memref<300000xf32, #tpu.memory_space<hbm>>) dst(%dma_wait3A_1341 : memref<128xf32, #tpu.memory_space<vmem>>)
    %dma_wait3A_1347 = arith.constant 2 : i32
    %dma_wait3A_1348 = arith.constant 256 : i32
    %dma_wait3A_1349 = tpu.memref_slice %arg9[%dma_wait3A_1348] : memref<1536xf32, #tpu.memory_space<vmem>> -> memref<128xf32, #tpu.memory_space<vmem>>
    %dma_wait3A_1350 = arith.constant 0 : i32
    %dma_wait3A_1351 = tpu.memref_slice %arg8[%dma_wait3A_1347, %dma_wait3A_1350] : memref<12x128xi32, #tpu.memory_space<vmem>> -> memref<1x128xi32, #tpu.memory_space<vmem>>
    %dma_wait3A_1352 = tpu.memref_squeeze %dma_wait3A_1351 : memref<1x128xi32, #tpu.memory_space<vmem>> -> memref<128xi32, #tpu.memory_space<vmem>>
    %dma_wait3A_1353 = arith.constant 0 : i32
    %dma_wait3A_1354 = tpu.memref_slice %arg4[%dma_wait3A_1353] : memref<300000xf32, #tpu.memory_space<hbm>> -> memref<300000xf32, #tpu.memory_space<hbm>>
    tpu.wait_indirect_dma semaphore(%arg13 : memref<!tpu.dma_semaphore, #tpu.memory_space<semaphore_mem>>) src(%dma_wait3A_1354 : memref<300000xf32, #tpu.memory_space<hbm>>) dst(%dma_wait3A_1349 : memref<128xf32, #tpu.memory_space<vmem>>)
    %dma_wait3A_1355 = arith.constant 2 : i32
    %dma_wait3A_1356 = arith.constant 256 : i32
    %dma_wait3A_1357 = tpu.memref_slice %arg10[%dma_wait3A_1356] : memref<1536xf32, #tpu.memory_space<vmem>> -> memref<128xf32, #tpu.memory_space<vmem>>
    %dma_wait3A_1358 = arith.constant 0 : i32
    %dma_wait3A_1359 = tpu.memref_slice %arg8[%dma_wait3A_1355, %dma_wait3A_1358] : memref<12x128xi32, #tpu.memory_space<vmem>> -> memref<1x128xi32, #tpu.memory_space<vmem>>
    %dma_wait3A_1360 = tpu.memref_squeeze %dma_wait3A_1359 : memref<1x128xi32, #tpu.memory_space<vmem>> -> memref<128xi32, #tpu.memory_space<vmem>>
    %dma_wait3A_1361 = arith.constant 0 : i32
    %dma_wait3A_1362 = tpu.memref_slice %arg5[%dma_wait3A_1361] : memref<300000xf32, #tpu.memory_space<hbm>> -> memref<300000xf32, #tpu.memory_space<hbm>>
    tpu.wait_indirect_dma semaphore(%arg13 : memref<!tpu.dma_semaphore, #tpu.memory_space<semaphore_mem>>) src(%dma_wait3A_1362 : memref<300000xf32, #tpu.memory_space<hbm>>) dst(%dma_wait3A_1357 : memref<128xf32, #tpu.memory_space<vmem>>)
    %dma_wait3A_1363 = arith.constant 3 : i32
    %dma_wait3A_1364 = arith.constant 384 : i32
    %dma_wait3A_1365 = tpu.memref_slice %arg9[%dma_wait3A_1364] : memref<1536xf32, #tpu.memory_space<vmem>> -> memref<128xf32, #tpu.memory_space<vmem>>
    %dma_wait3A_1366 = arith.constant 0 : i32
    %dma_wait3A_1367 = tpu.memref_slice %arg8[%dma_wait3A_1363, %dma_wait3A_1366] : memref<12x128xi32, #tpu.memory_space<vmem>> -> memref<1x128xi32, #tpu.memory_space<vmem>>
    %dma_wait3A_1368 = tpu.memref_squeeze %dma_wait3A_1367 : memref<1x128xi32, #tpu.memory_space<vmem>> -> memref<128xi32, #tpu.memory_space<vmem>>
    %dma_wait3A_1369 = arith.constant 0 : i32
    %dma_wait3A_1370 = tpu.memref_slice %arg4[%dma_wait3A_1369] : memref<300000xf32, #tpu.memory_space<hbm>> -> memref<300000xf32, #tpu.memory_space<hbm>>
    tpu.wait_indirect_dma semaphore(%arg13 : memref<!tpu.dma_semaphore, #tpu.memory_space<semaphore_mem>>) src(%dma_wait3A_1370 : memref<300000xf32, #tpu.memory_space<hbm>>) dst(%dma_wait3A_1365 : memref<128xf32, #tpu.memory_space<vmem>>)
    %dma_wait3A_1371 = arith.constant 3 : i32
    %dma_wait3A_1372 = arith.constant 384 : i32
    %dma_wait3A_1373 = tpu.memref_slice %arg10[%dma_wait3A_1372] : memref<1536xf32, #tpu.memory_space<vmem>> -> memref<128xf32, #tpu.memory_space<vmem>>
    %dma_wait3A_1374 = arith.constant 0 : i32
    %dma_wait3A_1375 = tpu.memref_slice %arg8[%dma_wait3A_1371, %dma_wait3A_1374] : memref<12x128xi32, #tpu.memory_space<vmem>> -> memref<1x128xi32, #tpu.memory_space<vmem>>
    %dma_wait3A_1376 = tpu.memref_squeeze %dma_wait3A_1375 : memref<1x128xi32, #tpu.memory_space<vmem>> -> memref<128xi32, #tpu.memory_space<vmem>>
    %dma_wait3A_1377 = arith.constant 0 : i32
    %dma_wait3A_1378 = tpu.memref_slice %arg5[%dma_wait3A_1377] : memref<300000xf32, #tpu.memory_space<hbm>> -> memref<300000xf32, #tpu.memory_space<hbm>>
    tpu.wait_indirect_dma semaphore(%arg13 : memref<!tpu.dma_semaphore, #tpu.memory_space<semaphore_mem>>) src(%dma_wait3A_1378 : memref<300000xf32, #tpu.memory_space<hbm>>) dst(%dma_wait3A_1373 : memref<128xf32, #tpu.memory_space<vmem>>)
    %dma_wait3A_1379 = arith.constant 4 : i32
    %dma_wait3A_1380 = arith.constant 512 : i32
    %dma_wait3A_1381 = tpu.memref_slice %arg9[%dma_wait3A_1380] : memref<1536xf32, #tpu.memory_space<vmem>> -> memref<128xf32, #tpu.memory_space<vmem>>
    %dma_wait3A_1382 = arith.constant 0 : i32
    %dma_wait3A_1383 = tpu.memref_slice %arg8[%dma_wait3A_1379, %dma_wait3A_1382] : memref<12x128xi32, #tpu.memory_space<vmem>> -> memref<1x128xi32, #tpu.memory_space<vmem>>
    %dma_wait3A_1384 = tpu.memref_squeeze %dma_wait3A_1383 : memref<1x128xi32, #tpu.memory_space<vmem>> -> memref<128xi32, #tpu.memory_space<vmem>>
    %dma_wait3A_1385 = arith.constant 0 : i32
    %dma_wait3A_1386 = tpu.memref_slice %arg4[%dma_wait3A_1385] : memref<300000xf32, #tpu.memory_space<hbm>> -> memref<300000xf32, #tpu.memory_space<hbm>>
    tpu.wait_indirect_dma semaphore(%arg13 : memref<!tpu.dma_semaphore, #tpu.memory_space<semaphore_mem>>) src(%dma_wait3A_1386 : memref<300000xf32, #tpu.memory_space<hbm>>) dst(%dma_wait3A_1381 : memref<128xf32, #tpu.memory_space<vmem>>)
    %dma_wait3A_1387 = arith.constant 4 : i32
    %dma_wait3A_1388 = arith.constant 512 : i32
    %dma_wait3A_1389 = tpu.memref_slice %arg10[%dma_wait3A_1388] : memref<1536xf32, #tpu.memory_space<vmem>> -> memref<128xf32, #tpu.memory_space<vmem>>
    %dma_wait3A_1390 = arith.constant 0 : i32
    %dma_wait3A_1391 = tpu.memref_slice %arg8[%dma_wait3A_1387, %dma_wait3A_1390] : memref<12x128xi32, #tpu.memory_space<vmem>> -> memref<1x128xi32, #tpu.memory_space<vmem>>
    %dma_wait3A_1392 = tpu.memref_squeeze %dma_wait3A_1391 : memref<1x128xi32, #tpu.memory_space<vmem>> -> memref<128xi32, #tpu.memory_space<vmem>>
    %dma_wait3A_1393 = arith.constant 0 : i32
    %dma_wait3A_1394 = tpu.memref_slice %arg5[%dma_wait3A_1393] : memref<300000xf32, #tpu.memory_space<hbm>> -> memref<300000xf32, #tpu.memory_space<hbm>>
    tpu.wait_indirect_dma semaphore(%arg13 : memref<!tpu.dma_semaphore, #tpu.memory_space<semaphore_mem>>) src(%dma_wait3A_1394 : memref<300000xf32, #tpu.memory_space<hbm>>) dst(%dma_wait3A_1389 : memref<128xf32, #tpu.memory_space<vmem>>)
    %dma_wait3A_1395 = arith.constant 5 : i32
    %dma_wait3A_1396 = arith.constant 640 : i32
    %dma_wait3A_1397 = tpu.memref_slice %arg9[%dma_wait3A_1396] : memref<1536xf32, #tpu.memory_space<vmem>> -> memref<128xf32, #tpu.memory_space<vmem>>
    %dma_wait3A_1398 = arith.constant 0 : i32
    %dma_wait3A_1399 = tpu.memref_slice %arg8[%dma_wait3A_1395, %dma_wait3A_1398] : memref<12x128xi32, #tpu.memory_space<vmem>> -> memref<1x128xi32, #tpu.memory_space<vmem>>
    %dma_wait3A_1400 = tpu.memref_squeeze %dma_wait3A_1399 : memref<1x128xi32, #tpu.memory_space<vmem>> -> memref<128xi32, #tpu.memory_space<vmem>>
    %dma_wait3A_1401 = arith.constant 0 : i32
    %dma_wait3A_1402 = tpu.memref_slice %arg4[%dma_wait3A_1401] : memref<300000xf32, #tpu.memory_space<hbm>> -> memref<300000xf32, #tpu.memory_space<hbm>>
    tpu.wait_indirect_dma semaphore(%arg13 : memref<!tpu.dma_semaphore, #tpu.memory_space<semaphore_mem>>) src(%dma_wait3A_1402 : memref<300000xf32, #tpu.memory_space<hbm>>) dst(%dma_wait3A_1397 : memref<128xf32, #tpu.memory_space<vmem>>)
    %dma_wait3A_1403 = arith.constant 5 : i32
    %dma_wait3A_1404 = arith.constant 640 : i32
    %dma_wait3A_1405 = tpu.memref_slice %arg10[%dma_wait3A_1404] : memref<1536xf32, #tpu.memory_space<vmem>> -> memref<128xf32, #tpu.memory_space<vmem>>
    %dma_wait3A_1406 = arith.constant 0 : i32
    %dma_wait3A_1407 = tpu.memref_slice %arg8[%dma_wait3A_1403, %dma_wait3A_1406] : memref<12x128xi32, #tpu.memory_space<vmem>> -> memref<1x128xi32, #tpu.memory_space<vmem>>
    %dma_wait3A_1408 = tpu.memref_squeeze %dma_wait3A_1407 : memref<1x128xi32, #tpu.memory_space<vmem>> -> memref<128xi32, #tpu.memory_space<vmem>>
    %dma_wait3A_1409 = arith.constant 0 : i32
    %dma_wait3A_1410 = tpu.memref_slice %arg5[%dma_wait3A_1409] : memref<300000xf32, #tpu.memory_space<hbm>> -> memref<300000xf32, #tpu.memory_space<hbm>>
    tpu.wait_indirect_dma semaphore(%arg13 : memref<!tpu.dma_semaphore, #tpu.memory_space<semaphore_mem>>) src(%dma_wait3A_1410 : memref<300000xf32, #tpu.memory_space<hbm>>) dst(%dma_wait3A_1405 : memref<128xf32, #tpu.memory_space<vmem>>)
    %dma_wait3A_1411 = arith.constant 6 : i32
    %dma_wait3A_1412 = arith.constant 768 : i32
    %dma_wait3A_1413 = tpu.memref_slice %arg9[%dma_wait3A_1412] : memref<1536xf32, #tpu.memory_space<vmem>> -> memref<128xf32, #tpu.memory_space<vmem>>
    %dma_wait3A_1414 = arith.constant 0 : i32
    %dma_wait3A_1415 = tpu.memref_slice %arg8[%dma_wait3A_1411, %dma_wait3A_1414] : memref<12x128xi32, #tpu.memory_space<vmem>> -> memref<1x128xi32, #tpu.memory_space<vmem>>
    %dma_wait3A_1416 = tpu.memref_squeeze %dma_wait3A_1415 : memref<1x128xi32, #tpu.memory_space<vmem>> -> memref<128xi32, #tpu.memory_space<vmem>>
    %dma_wait3A_1417 = arith.constant 0 : i32
    %dma_wait3A_1418 = tpu.memref_slice %arg4[%dma_wait3A_1417] : memref<300000xf32, #tpu.memory_space<hbm>> -> memref<300000xf32, #tpu.memory_space<hbm>>
    tpu.wait_indirect_dma semaphore(%arg13 : memref<!tpu.dma_semaphore, #tpu.memory_space<semaphore_mem>>) src(%dma_wait3A_1418 : memref<300000xf32, #tpu.memory_space<hbm>>) dst(%dma_wait3A_1413 : memref<128xf32, #tpu.memory_space<vmem>>)
    %dma_wait3A_1419 = arith.constant 6 : i32
    %dma_wait3A_1420 = arith.constant 768 : i32
    %dma_wait3A_1421 = tpu.memref_slice %arg10[%dma_wait3A_1420] : memref<1536xf32, #tpu.memory_space<vmem>> -> memref<128xf32, #tpu.memory_space<vmem>>
    %dma_wait3A_1422 = arith.constant 0 : i32
    %dma_wait3A_1423 = tpu.memref_slice %arg8[%dma_wait3A_1419, %dma_wait3A_1422] : memref<12x128xi32, #tpu.memory_space<vmem>> -> memref<1x128xi32, #tpu.memory_space<vmem>>
    %dma_wait3A_1424 = tpu.memref_squeeze %dma_wait3A_1423 : memref<1x128xi32, #tpu.memory_space<vmem>> -> memref<128xi32, #tpu.memory_space<vmem>>
    %dma_wait3A_1425 = arith.constant 0 : i32
    %dma_wait3A_1426 = tpu.memref_slice %arg5[%dma_wait3A_1425] : memref<300000xf32, #tpu.memory_space<hbm>> -> memref<300000xf32, #tpu.memory_space<hbm>>
    tpu.wait_indirect_dma semaphore(%arg13 : memref<!tpu.dma_semaphore, #tpu.memory_space<semaphore_mem>>) src(%dma_wait3A_1426 : memref<300000xf32, #tpu.memory_space<hbm>>) dst(%dma_wait3A_1421 : memref<128xf32, #tpu.memory_space<vmem>>)
    %dma_wait3A_1427 = arith.constant 7 : i32
    %dma_wait3A_1428 = arith.constant 896 : i32
    %dma_wait3A_1429 = tpu.memref_slice %arg9[%dma_wait3A_1428] : memref<1536xf32, #tpu.memory_space<vmem>> -> memref<128xf32, #tpu.memory_space<vmem>>
    %dma_wait3A_1430 = arith.constant 0 : i32
    %dma_wait3A_1431 = tpu.memref_slice %arg8[%dma_wait3A_1427, %dma_wait3A_1430] : memref<12x128xi32, #tpu.memory_space<vmem>> -> memref<1x128xi32, #tpu.memory_space<vmem>>
    %dma_wait3A_1432 = tpu.memref_squeeze %dma_wait3A_1431 : memref<1x128xi32, #tpu.memory_space<vmem>> -> memref<128xi32, #tpu.memory_space<vmem>>
    %dma_wait3A_1433 = arith.constant 0 : i32
    %dma_wait3A_1434 = tpu.memref_slice %arg4[%dma_wait3A_1433] : memref<300000xf32, #tpu.memory_space<hbm>> -> memref<300000xf32, #tpu.memory_space<hbm>>
    tpu.wait_indirect_dma semaphore(%arg13 : memref<!tpu.dma_semaphore, #tpu.memory_space<semaphore_mem>>) src(%dma_wait3A_1434 : memref<300000xf32, #tpu.memory_space<hbm>>) dst(%dma_wait3A_1429 : memref<128xf32, #tpu.memory_space<vmem>>)
    %dma_wait3A_1435 = arith.constant 7 : i32
    %dma_wait3A_1436 = arith.constant 896 : i32
    %dma_wait3A_1437 = tpu.memref_slice %arg10[%dma_wait3A_1436] : memref<1536xf32, #tpu.memory_space<vmem>> -> memref<128xf32, #tpu.memory_space<vmem>>
    %dma_wait3A_1438 = arith.constant 0 : i32
    %dma_wait3A_1439 = tpu.memref_slice %arg8[%dma_wait3A_1435, %dma_wait3A_1438] : memref<12x128xi32, #tpu.memory_space<vmem>> -> memref<1x128xi32, #tpu.memory_space<vmem>>
    %dma_wait3A_1440 = tpu.memref_squeeze %dma_wait3A_1439 : memref<1x128xi32, #tpu.memory_space<vmem>> -> memref<128xi32, #tpu.memory_space<vmem>>
    %dma_wait3A_1441 = arith.constant 0 : i32
    %dma_wait3A_1442 = tpu.memref_slice %arg5[%dma_wait3A_1441] : memref<300000xf32, #tpu.memory_space<hbm>> -> memref<300000xf32, #tpu.memory_space<hbm>>
    tpu.wait_indirect_dma semaphore(%arg13 : memref<!tpu.dma_semaphore, #tpu.memory_space<semaphore_mem>>) src(%dma_wait3A_1442 : memref<300000xf32, #tpu.memory_space<hbm>>) dst(%dma_wait3A_1437 : memref<128xf32, #tpu.memory_space<vmem>>)
    %dma_wait3A_1443 = arith.constant 8 : i32
    %dma_wait3A_1444 = arith.constant 1024 : i32
    %dma_wait3A_1445 = tpu.memref_slice %arg9[%dma_wait3A_1444] : memref<1536xf32, #tpu.memory_space<vmem>> -> memref<128xf32, #tpu.memory_space<vmem>>
    %dma_wait3A_1446 = arith.constant 0 : i32
    %dma_wait3A_1447 = tpu.memref_slice %arg8[%dma_wait3A_1443, %dma_wait3A_1446] : memref<12x128xi32, #tpu.memory_space<vmem>> -> memref<1x128xi32, #tpu.memory_space<vmem>>
    %dma_wait3A_1448 = tpu.memref_squeeze %dma_wait3A_1447 : memref<1x128xi32, #tpu.memory_space<vmem>> -> memref<128xi32, #tpu.memory_space<vmem>>
    %dma_wait3A_1449 = arith.constant 0 : i32
    %dma_wait3A_1450 = tpu.memref_slice %arg4[%dma_wait3A_1449] : memref<300000xf32, #tpu.memory_space<hbm>> -> memref<300000xf32, #tpu.memory_space<hbm>>
    tpu.wait_indirect_dma semaphore(%arg13 : memref<!tpu.dma_semaphore, #tpu.memory_space<semaphore_mem>>) src(%dma_wait3A_1450 : memref<300000xf32, #tpu.memory_space<hbm>>) dst(%dma_wait3A_1445 : memref<128xf32, #tpu.memory_space<vmem>>)
    %dma_wait3A_1451 = arith.constant 8 : i32
    %dma_wait3A_1452 = arith.constant 1024 : i32
    %dma_wait3A_1453 = tpu.memref_slice %arg10[%dma_wait3A_1452] : memref<1536xf32, #tpu.memory_space<vmem>> -> memref<128xf32, #tpu.memory_space<vmem>>
    %dma_wait3A_1454 = arith.constant 0 : i32
    %dma_wait3A_1455 = tpu.memref_slice %arg8[%dma_wait3A_1451, %dma_wait3A_1454] : memref<12x128xi32, #tpu.memory_space<vmem>> -> memref<1x128xi32, #tpu.memory_space<vmem>>
    %dma_wait3A_1456 = tpu.memref_squeeze %dma_wait3A_1455 : memref<1x128xi32, #tpu.memory_space<vmem>> -> memref<128xi32, #tpu.memory_space<vmem>>
    %dma_wait3A_1457 = arith.constant 0 : i32
    %dma_wait3A_1458 = tpu.memref_slice %arg5[%dma_wait3A_1457] : memref<300000xf32, #tpu.memory_space<hbm>> -> memref<300000xf32, #tpu.memory_space<hbm>>
    tpu.wait_indirect_dma semaphore(%arg13 : memref<!tpu.dma_semaphore, #tpu.memory_space<semaphore_mem>>) src(%dma_wait3A_1458 : memref<300000xf32, #tpu.memory_space<hbm>>) dst(%dma_wait3A_1453 : memref<128xf32, #tpu.memory_space<vmem>>)
    %dma_wait3A_1459 = arith.constant 9 : i32
    %dma_wait3A_1460 = arith.constant 1152 : i32
    %dma_wait3A_1461 = tpu.memref_slice %arg9[%dma_wait3A_1460] : memref<1536xf32, #tpu.memory_space<vmem>> -> memref<128xf32, #tpu.memory_space<vmem>>
    %dma_wait3A_1462 = arith.constant 0 : i32
    %dma_wait3A_1463 = tpu.memref_slice %arg8[%dma_wait3A_1459, %dma_wait3A_1462] : memref<12x128xi32, #tpu.memory_space<vmem>> -> memref<1x128xi32, #tpu.memory_space<vmem>>
    %dma_wait3A_1464 = tpu.memref_squeeze %dma_wait3A_1463 : memref<1x128xi32, #tpu.memory_space<vmem>> -> memref<128xi32, #tpu.memory_space<vmem>>
    %dma_wait3A_1465 = arith.constant 0 : i32
    %dma_wait3A_1466 = tpu.memref_slice %arg4[%dma_wait3A_1465] : memref<300000xf32, #tpu.memory_space<hbm>> -> memref<300000xf32, #tpu.memory_space<hbm>>
    tpu.wait_indirect_dma semaphore(%arg13 : memref<!tpu.dma_semaphore, #tpu.memory_space<semaphore_mem>>) src(%dma_wait3A_1466 : memref<300000xf32, #tpu.memory_space<hbm>>) dst(%dma_wait3A_1461 : memref<128xf32, #tpu.memory_space<vmem>>)
    %dma_wait3A_1467 = arith.constant 9 : i32
    %dma_wait3A_1468 = arith.constant 1152 : i32
    %dma_wait3A_1469 = tpu.memref_slice %arg10[%dma_wait3A_1468] : memref<1536xf32, #tpu.memory_space<vmem>> -> memref<128xf32, #tpu.memory_space<vmem>>
    %dma_wait3A_1470 = arith.constant 0 : i32
    %dma_wait3A_1471 = tpu.memref_slice %arg8[%dma_wait3A_1467, %dma_wait3A_1470] : memref<12x128xi32, #tpu.memory_space<vmem>> -> memref<1x128xi32, #tpu.memory_space<vmem>>
    %dma_wait3A_1472 = tpu.memref_squeeze %dma_wait3A_1471 : memref<1x128xi32, #tpu.memory_space<vmem>> -> memref<128xi32, #tpu.memory_space<vmem>>
    %dma_wait3A_1473 = arith.constant 0 : i32
    %dma_wait3A_1474 = tpu.memref_slice %arg5[%dma_wait3A_1473] : memref<300000xf32, #tpu.memory_space<hbm>> -> memref<300000xf32, #tpu.memory_space<hbm>>
    tpu.wait_indirect_dma semaphore(%arg13 : memref<!tpu.dma_semaphore, #tpu.memory_space<semaphore_mem>>) src(%dma_wait3A_1474 : memref<300000xf32, #tpu.memory_space<hbm>>) dst(%dma_wait3A_1469 : memref<128xf32, #tpu.memory_space<vmem>>)
    %dma_wait3A_1475 = arith.constant 10 : i32
    %dma_wait3A_1476 = arith.constant 1280 : i32
    %dma_wait3A_1477 = tpu.memref_slice %arg9[%dma_wait3A_1476] : memref<1536xf32, #tpu.memory_space<vmem>> -> memref<128xf32, #tpu.memory_space<vmem>>
    %dma_wait3A_1478 = arith.constant 0 : i32
    %dma_wait3A_1479 = tpu.memref_slice %arg8[%dma_wait3A_1475, %dma_wait3A_1478] : memref<12x128xi32, #tpu.memory_space<vmem>> -> memref<1x128xi32, #tpu.memory_space<vmem>>
    %dma_wait3A_1480 = tpu.memref_squeeze %dma_wait3A_1479 : memref<1x128xi32, #tpu.memory_space<vmem>> -> memref<128xi32, #tpu.memory_space<vmem>>
    %dma_wait3A_1481 = arith.constant 0 : i32
    %dma_wait3A_1482 = tpu.memref_slice %arg4[%dma_wait3A_1481] : memref<300000xf32, #tpu.memory_space<hbm>> -> memref<300000xf32, #tpu.memory_space<hbm>>
    tpu.wait_indirect_dma semaphore(%arg13 : memref<!tpu.dma_semaphore, #tpu.memory_space<semaphore_mem>>) src(%dma_wait3A_1482 : memref<300000xf32, #tpu.memory_space<hbm>>) dst(%dma_wait3A_1477 : memref<128xf32, #tpu.memory_space<vmem>>)
    %dma_wait3A_1483 = arith.constant 10 : i32
    %dma_wait3A_1484 = arith.constant 1280 : i32
    %dma_wait3A_1485 = tpu.memref_slice %arg10[%dma_wait3A_1484] : memref<1536xf32, #tpu.memory_space<vmem>> -> memref<128xf32, #tpu.memory_space<vmem>>
    %dma_wait3A_1486 = arith.constant 0 : i32
    %dma_wait3A_1487 = tpu.memref_slice %arg8[%dma_wait3A_1483, %dma_wait3A_1486] : memref<12x128xi32, #tpu.memory_space<vmem>> -> memref<1x128xi32, #tpu.memory_space<vmem>>
    %dma_wait3A_1488 = tpu.memref_squeeze %dma_wait3A_1487 : memref<1x128xi32, #tpu.memory_space<vmem>> -> memref<128xi32, #tpu.memory_space<vmem>>
    %dma_wait3A_1489 = arith.constant 0 : i32
    %dma_wait3A_1490 = tpu.memref_slice %arg5[%dma_wait3A_1489] : memref<300000xf32, #tpu.memory_space<hbm>> -> memref<300000xf32, #tpu.memory_space<hbm>>
    tpu.wait_indirect_dma semaphore(%arg13 : memref<!tpu.dma_semaphore, #tpu.memory_space<semaphore_mem>>) src(%dma_wait3A_1490 : memref<300000xf32, #tpu.memory_space<hbm>>) dst(%dma_wait3A_1485 : memref<128xf32, #tpu.memory_space<vmem>>)
    %dma_wait3A_1491 = arith.constant 11 : i32
    %dma_wait3A_1492 = arith.constant 1408 : i32
    %dma_wait3A_1493 = tpu.memref_slice %arg9[%dma_wait3A_1492] : memref<1536xf32, #tpu.memory_space<vmem>> -> memref<128xf32, #tpu.memory_space<vmem>>
    %dma_wait3A_1494 = arith.constant 0 : i32
    %dma_wait3A_1495 = tpu.memref_slice %arg8[%dma_wait3A_1491, %dma_wait3A_1494] : memref<12x128xi32, #tpu.memory_space<vmem>> -> memref<1x128xi32, #tpu.memory_space<vmem>>
    %dma_wait3A_1496 = tpu.memref_squeeze %dma_wait3A_1495 : memref<1x128xi32, #tpu.memory_space<vmem>> -> memref<128xi32, #tpu.memory_space<vmem>>
    %dma_wait3A_1497 = arith.constant 0 : i32
    %dma_wait3A_1498 = tpu.memref_slice %arg4[%dma_wait3A_1497] : memref<300000xf32, #tpu.memory_space<hbm>> -> memref<300000xf32, #tpu.memory_space<hbm>>
    tpu.wait_indirect_dma semaphore(%arg13 : memref<!tpu.dma_semaphore, #tpu.memory_space<semaphore_mem>>) src(%dma_wait3A_1498 : memref<300000xf32, #tpu.memory_space<hbm>>) dst(%dma_wait3A_1493 : memref<128xf32, #tpu.memory_space<vmem>>)
    %dma_wait3A_1499 = arith.constant 11 : i32
    %dma_wait3A_1500 = arith.constant 1408 : i32
    %dma_wait3A_1501 = tpu.memref_slice %arg10[%dma_wait3A_1500] : memref<1536xf32, #tpu.memory_space<vmem>> -> memref<128xf32, #tpu.memory_space<vmem>>
    %dma_wait3A_1502 = arith.constant 0 : i32
    %dma_wait3A_1503 = tpu.memref_slice %arg8[%dma_wait3A_1499, %dma_wait3A_1502] : memref<12x128xi32, #tpu.memory_space<vmem>> -> memref<1x128xi32, #tpu.memory_space<vmem>>
    %dma_wait3A_1504 = tpu.memref_squeeze %dma_wait3A_1503 : memref<1x128xi32, #tpu.memory_space<vmem>> -> memref<128xi32, #tpu.memory_space<vmem>>
    %dma_wait3A_1505 = arith.constant 0 : i32
    %dma_wait3A_1506 = tpu.memref_slice %arg5[%dma_wait3A_1505] : memref<300000xf32, #tpu.memory_space<hbm>> -> memref<300000xf32, #tpu.memory_space<hbm>>
    tpu.wait_indirect_dma semaphore(%arg13 : memref<!tpu.dma_semaphore, #tpu.memory_space<semaphore_mem>>) src(%dma_wait3A_1506 : memref<300000xf32, #tpu.memory_space<hbm>>) dst(%dma_wait3A_1501 : memref<128xf32, #tpu.memory_space<vmem>>)
    %dma_wait3A_1507 = arith.constant 0 : i32
    %dma_wait3A_1508 = tpu.memref_slice %arg3[%add3A, %dma_wait3A_1507] : memref<32x6144xf32, #tpu.memory_space<hbm>> -> memref<1x6144xf32, #tpu.memory_space<hbm>>
    %dma_wait3A_1509 = tpu.memref_squeeze %dma_wait3A_1508 : memref<1x6144xf32, #tpu.memory_space<hbm>> -> memref<6144xf32, #tpu.memory_space<hbm>>
    %dma_wait3A_1510 = arith.constant 0 : i32
    %dma_wait3A_1511 = tpu.memref_slice %arg3[%add3A, %dma_wait3A_1510] : memref<32x6144xf32, #tpu.memory_space<hbm>> -> memref<1x6144xf32, #tpu.memory_space<hbm>>
    %dma_wait3A_1512 = tpu.memref_squeeze %dma_wait3A_1511 : memref<1x6144xf32, #tpu.memory_space<hbm>> -> memref<6144xf32, #tpu.memory_space<hbm>>
    tpu.wait_dma2 semaphore(%arg14 : memref<!tpu.dma_semaphore, #tpu.memory_space<semaphore_mem>>) src(%dma_wait3A_1512 : memref<6144xf32, #tpu.memory_space<hbm>>) dst(%arg11 : memref<6144xf32, #tpu.memory_space<vmem>>)
    %scan3A = arith.constant 0 : i32
    %scan3A_1513 = arith.constant 0 : i32
    %scan3A_1514 = arith.constant 32 : i32
    %scan3A_1515 = arith.addi %scan3A_1513, %scan3A_1514 : i32
    %scan3A_1516 = arith.constant 1 : i32
    scf.for %scan3A_1518 = %scan3A_1513 to %scan3A_1515 step %scan3A_1516  : i32 {
      %mul3A_1519 = arith.constant 16 : i32
      %mul3A_1520 = arith.muli %scan3A_1518, %mul3A_1519 : i32
      %add3A_1521 = arith.constant 0 : i32
      %add3A_1522 = arith.addi %add3A_1521, %mul3A_1520 : i32
      %get3A_1523 = arith.index_cast %add3A_1522 : i32 to index
      %get3A_1524 = tpu.vector_load %arg9[%get3A_1523] {strides = array<i32>} : memref<1536xf32, #tpu.memory_space<vmem>>, vector<16xf32>,
      %get3A_1525 = vector.shape_cast %get3A_1524 : vector<16xf32> to vector<16xf32>
      %add3A_1526 = arith.constant 512 : i32
      %add3A_1527 = arith.addi %add3A_1526, %mul3A_1520 : i32
      %get3A_1528 = arith.index_cast %add3A_1527 : i32 to index
      %get3A_1529 = tpu.vector_load %arg9[%get3A_1528] {strides = array<i32>} : memref<1536xf32, #tpu.memory_space<vmem>>, vector<16xf32>,
      %get3A_1530 = vector.shape_cast %get3A_1529 : vector<16xf32> to vector<16xf32>
      %add3A_1531 = arith.constant 1024 : i32
      %add3A_1532 = arith.addi %add3A_1531, %mul3A_1520 : i32
      %get3A_1533 = arith.index_cast %add3A_1532 : i32 to index
      %get3A_1534 = tpu.vector_load %arg9[%get3A_1533] {strides = array<i32>} : memref<1536xf32, #tpu.memory_space<vmem>>, vector<16xf32>,
      %get3A_1535 = vector.shape_cast %get3A_1534 : vector<16xf32> to vector<16xf32>
      %add3A_1536 = arith.constant 0 : i32
      %add3A_1537 = arith.addi %add3A_1536, %mul3A_1520 : i32
      %get3A_1538 = arith.index_cast %add3A_1537 : i32 to index
      %get3A_1539 = tpu.vector_load %arg11[%get3A_1538] {strides = array<i32>} : memref<6144xf32, #tpu.memory_space<vmem>>, vector<16xf32>,
      %get3A_1540 = vector.shape_cast %get3A_1539 : vector<16xf32> to vector<16xf32>
      %add3A_1541 = arith.constant 512 : i32
      %add3A_1542 = arith.addi %add3A_1541, %mul3A_1520 : i32
      %get3A_1543 = arith.index_cast %add3A_1542 : i32 to index
      %get3A_1544 = tpu.vector_load %arg11[%get3A_1543] {strides = array<i32>} : memref<6144xf32, #tpu.memory_space<vmem>>, vector<16xf32>,
      %get3A_1545 = vector.shape_cast %get3A_1544 : vector<16xf32> to vector<16xf32>
      %add3A_1546 = arith.constant 1024 : i32
      %add3A_1547 = arith.addi %add3A_1546, %mul3A_1520 : i32
      %get3A_1548 = arith.index_cast %add3A_1547 : i32 to index
      %get3A_1549 = tpu.vector_load %arg11[%get3A_1548] {strides = array<i32>} : memref<6144xf32, #tpu.memory_space<vmem>>, vector<16xf32>,
      %get3A_1550 = vector.shape_cast %get3A_1549 : vector<16xf32> to vector<16xf32>
      %add3A_1551 = arith.constant 1536 : i32
      %add3A_1552 = arith.addi %add3A_1551, %mul3A_1520 : i32
      %get3A_1553 = arith.index_cast %add3A_1552 : i32 to index
      %get3A_1554 = tpu.vector_load %arg11[%get3A_1553] {strides = array<i32>} : memref<6144xf32, #tpu.memory_space<vmem>>, vector<16xf32>,
      %get3A_1555 = vector.shape_cast %get3A_1554 : vector<16xf32> to vector<16xf32>
      %add3A_1556 = arith.constant 2048 : i32
      %add3A_1557 = arith.addi %add3A_1556, %mul3A_1520 : i32
      %get3A_1558 = arith.index_cast %add3A_1557 : i32 to index
      %get3A_1559 = tpu.vector_load %arg11[%get3A_1558] {strides = array<i32>} : memref<6144xf32, #tpu.memory_space<vmem>>, vector<16xf32>,
      %get3A_1560 = vector.shape_cast %get3A_1559 : vector<16xf32> to vector<16xf32>
      %add3A_1561 = arith.constant 2560 : i32
      %add3A_1562 = arith.addi %add3A_1561, %mul3A_1520 : i32
      %get3A_1563 = arith.index_cast %add3A_1562 : i32 to index
      %get3A_1564 = tpu.vector_load %arg11[%get3A_1563] {strides = array<i32>} : memref<6144xf32, #tpu.memory_space<vmem>>, vector<16xf32>,
      %get3A_1565 = vector.shape_cast %get3A_1564 : vector<16xf32> to vector<16xf32>
      %add3A_1566 = arith.constant 3072 : i32
      %add3A_1567 = arith.addi %add3A_1566, %mul3A_1520 : i32
      %get3A_1568 = arith.index_cast %add3A_1567 : i32 to index
      %get3A_1569 = tpu.vector_load %arg11[%get3A_1568] {strides = array<i32>} : memref<6144xf32, #tpu.memory_space<vmem>>, vector<16xf32>,
      %get3A_1570 = vector.shape_cast %get3A_1569 : vector<16xf32> to vector<16xf32>
      %add3A_1571 = arith.constant 3584 : i32
      %add3A_1572 = arith.addi %add3A_1571, %mul3A_1520 : i32
      %get3A_1573 = arith.index_cast %add3A_1572 : i32 to index
      %get3A_1574 = tpu.vector_load %arg11[%get3A_1573] {strides = array<i32>} : memref<6144xf32, #tpu.memory_space<vmem>>, vector<16xf32>,
      %get3A_1575 = vector.shape_cast %get3A_1574 : vector<16xf32> to vector<16xf32>
      %add3A_1576 = arith.constant 4096 : i32
      %add3A_1577 = arith.addi %add3A_1576, %mul3A_1520 : i32
      %get3A_1578 = arith.index_cast %add3A_1577 : i32 to index
      %get3A_1579 = tpu.vector_load %arg11[%get3A_1578] {strides = array<i32>} : memref<6144xf32, #tpu.memory_space<vmem>>, vector<16xf32>,
      %get3A_1580 = vector.shape_cast %get3A_1579 : vector<16xf32> to vector<16xf32>
      %add3A_1581 = arith.constant 4608 : i32
      %add3A_1582 = arith.addi %add3A_1581, %mul3A_1520 : i32
      %get3A_1583 = arith.index_cast %add3A_1582 : i32 to index
      %get3A_1584 = tpu.vector_load %arg11[%get3A_1583] {strides = array<i32>} : memref<6144xf32, #tpu.memory_space<vmem>>, vector<16xf32>,
      %get3A_1585 = vector.shape_cast %get3A_1584 : vector<16xf32> to vector<16xf32>
      %add3A_1586 = arith.constant 5120 : i32
      %add3A_1587 = arith.addi %add3A_1586, %mul3A_1520 : i32
      %get3A_1588 = arith.index_cast %add3A_1587 : i32 to index
      %get3A_1589 = tpu.vector_load %arg11[%get3A_1588] {strides = array<i32>} : memref<6144xf32, #tpu.memory_space<vmem>>, vector<16xf32>,
      %get3A_1590 = vector.shape_cast %get3A_1589 : vector<16xf32> to vector<16xf32>
      %add3A_1591 = arith.constant 5632 : i32
      %add3A_1592 = arith.addi %add3A_1591, %mul3A_1520 : i32
      %get3A_1593 = arith.index_cast %add3A_1592 : i32 to index
      %get3A_1594 = tpu.vector_load %arg11[%get3A_1593] {strides = array<i32>} : memref<6144xf32, #tpu.memory_space<vmem>>, vector<16xf32>,
      %get3A_1595 = vector.shape_cast %get3A_1594 : vector<16xf32> to vector<16xf32>
      %mul3A_1596 = arith.mulf %get3A_1525, %get3A_1525 : vector<16xf32>
      %mul3A_1597 = arith.mulf %get3A_1530, %get3A_1530 : vector<16xf32>
      %add3A_1598 = arith.addf %mul3A_1596, %mul3A_1597 : vector<16xf32>
      %mul3A_1599 = arith.mulf %get3A_1535, %get3A_1535 : vector<16xf32>
      %add3A_1600 = arith.addf %add3A_1598, %mul3A_1599 : vector<16xf32>
      %mul3A_1601 = arith.constant 2.75573188E-6 : f32
      %mul3A_1602 = vector.broadcast %mul3A_1601 : f32 to vector<16xf32>
      %mul3A_1603 = arith.mulf %add3A_1600, %mul3A_1602 : vector<16xf32>
      %add3A_1604 = arith.constant -1.98412701E-4 : f32
      %add3A_1605 = vector.broadcast %add3A_1604 : f32 to vector<16xf32>
      %add3A_1606 = arith.addf %add3A_1605, %mul3A_1603 : vector<16xf32>
      %mul3A_1607 = arith.mulf %add3A_1600, %add3A_1606 : vector<16xf32>
      %add3A_1608 = arith.constant 0.00833333377 : f32
      %add3A_1609 = vector.broadcast %add3A_1608 : f32 to vector<16xf32>
      %add3A_1610 = arith.addf %add3A_1609, %mul3A_1607 : vector<16xf32>
      %mul3A_1611 = arith.mulf %add3A_1600, %add3A_1610 : vector<16xf32>
      %add3A_1612 = arith.constant -0.166666672 : f32
      %add3A_1613 = vector.broadcast %add3A_1612 : f32 to vector<16xf32>
      %add3A_1614 = arith.addf %add3A_1613, %mul3A_1611 : vector<16xf32>
      %mul3A_1615 = arith.mulf %add3A_1600, %add3A_1614 : vector<16xf32>
      %add3A_1616 = arith.constant 1.000000e+00 : f32
      %add3A_1617 = vector.broadcast %add3A_1616 : f32 to vector<16xf32>
      %add3A_1618 = arith.addf %add3A_1617, %mul3A_1615 : vector<16xf32>
      %mul3A_1619 = arith.constant 2.755732E-7 : f32
      %mul3A_1620 = vector.broadcast %mul3A_1619 : f32 to vector<16xf32>
      %mul3A_1621 = arith.mulf %add3A_1600, %mul3A_1620 : vector<16xf32>
      %add3A_1622 = arith.constant -2.48015876E-5 : f32
      %add3A_1623 = vector.broadcast %add3A_1622 : f32 to vector<16xf32>
      %add3A_1624 = arith.addf %add3A_1623, %mul3A_1621 : vector<16xf32>
      %mul3A_1625 = arith.mulf %add3A_1600, %add3A_1624 : vector<16xf32>
      %add3A_1626 = arith.constant 0.00138888892 : f32
      %add3A_1627 = vector.broadcast %add3A_1626 : f32 to vector<16xf32>
      %add3A_1628 = arith.addf %add3A_1627, %mul3A_1625 : vector<16xf32>
      %mul3A_1629 = arith.mulf %add3A_1600, %add3A_1628 : vector<16xf32>
      %add3A_1630 = arith.constant -0.0416666679 : f32
      %add3A_1631 = vector.broadcast %add3A_1630 : f32 to vector<16xf32>
      %add3A_1632 = arith.addf %add3A_1631, %mul3A_1629 : vector<16xf32>
      %mul3A_1633 = arith.mulf %add3A_1600, %add3A_1632 : vector<16xf32>
      %add3A_1634 = arith.constant 5.000000e-01 : f32
      %add3A_1635 = vector.broadcast %add3A_1634 : f32 to vector<16xf32>
      %add3A_1636 = arith.addf %add3A_1635, %mul3A_1633 : vector<16xf32>
      %mul3A_1637 = arith.mulf %add3A_1636, %add3A_1600 : vector<16xf32>
      %sub3A = arith.constant 1.000000e+00 : f32
      %sub3A_1638 = vector.broadcast %sub3A : f32 to vector<16xf32>
      %sub3A_1639 = arith.subf %sub3A_1638, %mul3A_1637 : vector<16xf32>
      %mul3A_1640 = arith.mulf %add3A_1636, %get3A_1525 : vector<16xf32>
      %mul3A_1641 = arith.mulf %add3A_1636, %get3A_1530 : vector<16xf32>
      %mul3A_1642 = arith.mulf %add3A_1636, %get3A_1535 : vector<16xf32>
      %mul3A_1643 = arith.mulf %add3A_1618, %get3A_1525 : vector<16xf32>
      %mul3A_1644 = arith.mulf %add3A_1618, %get3A_1530 : vector<16xf32>
      %mul3A_1645 = arith.mulf %add3A_1618, %get3A_1535 : vector<16xf32>
      %mul3A_1646 = arith.mulf %mul3A_1640, %get3A_1525 : vector<16xf32>
      %add3A_1647 = arith.addf %sub3A_1639, %mul3A_1646 : vector<16xf32>
      %mul3A_1648 = arith.mulf %mul3A_1640, %get3A_1530 : vector<16xf32>
      %sub3A_1649 = arith.subf %mul3A_1648, %mul3A_1645 : vector<16xf32>
      %mul3A_1650 = arith.mulf %mul3A_1640, %get3A_1535 : vector<16xf32>
      %add3A_1651 = arith.addf %mul3A_1650, %mul3A_1644 : vector<16xf32>
      %mul3A_1652 = arith.mulf %mul3A_1640, %get3A_1530 : vector<16xf32>
      %add3A_1653 = arith.addf %mul3A_1652, %mul3A_1645 : vector<16xf32>
      %mul3A_1654 = arith.mulf %mul3A_1641, %get3A_1530 : vector<16xf32>
      %add3A_1655 = arith.addf %sub3A_1639, %mul3A_1654 : vector<16xf32>
      %mul3A_1656 = arith.mulf %mul3A_1641, %get3A_1535 : vector<16xf32>
      %sub3A_1657 = arith.subf %mul3A_1656, %mul3A_1643 : vector<16xf32>
      %mul3A_1658 = arith.mulf %mul3A_1640, %get3A_1535 : vector<16xf32>
      %sub3A_1659 = arith.subf %mul3A_1658, %mul3A_1644 : vector<16xf32>
      %mul3A_1660 = arith.mulf %mul3A_1641, %get3A_1535 : vector<16xf32>
      %add3A_1661 = arith.addf %mul3A_1660, %mul3A_1643 : vector<16xf32>
      %mul3A_1662 = arith.mulf %mul3A_1642, %get3A_1535 : vector<16xf32>
      %add3A_1663 = arith.addf %sub3A_1639, %mul3A_1662 : vector<16xf32>
      %mul3A_1664 = arith.mulf %add3A_1647, %get3A_1540 : vector<16xf32>
      %mul3A_1665 = arith.mulf %sub3A_1649, %get3A_1560 : vector<16xf32>
      %add3A_1666 = arith.addf %mul3A_1664, %mul3A_1665 : vector<16xf32>
      %mul3A_1667 = arith.mulf %add3A_1651, %get3A_1580 : vector<16xf32>
      %add3A_1668 = arith.addf %add3A_1666, %mul3A_1667 : vector<16xf32>
      %add3A_1669 = arith.constant 0 : i32
      %add3A_1670 = arith.addi %add3A_1669, %mul3A_1520 : i32
      %swap3A_1671 = arith.index_cast %add3A_1670 : i32 to index
      %swap3A_1672 = tpu.vector_load %arg12[%swap3A_1671] {strides = array<i32>} : memref<6144xf32, #tpu.memory_space<vmem>>, vector<16xf32>,
      %swap3A_1673 = vector.shape_cast %swap3A_1672 : vector<16xf32> to vector<16xf32>
      %swap3A_1674 = vector.shape_cast %add3A_1668 : vector<16xf32> to vector<16xf32>
      tpu.vector_store %arg12[%swap3A_1671], %swap3A_1674 {strides = array<i32>} : memref<6144xf32, #tpu.memory_space<vmem>>, vector<16xf32>,
      %mul3A_1675 = arith.mulf %add3A_1647, %get3A_1545 : vector<16xf32>
      %mul3A_1676 = arith.mulf %sub3A_1649, %get3A_1565 : vector<16xf32>
      %add3A_1677 = arith.addf %mul3A_1675, %mul3A_1676 : vector<16xf32>
      %mul3A_1678 = arith.mulf %add3A_1651, %get3A_1585 : vector<16xf32>
      %add3A_1679 = arith.addf %add3A_1677, %mul3A_1678 : vector<16xf32>
      %add3A_1680 = arith.constant 512 : i32
      %add3A_1681 = arith.addi %add3A_1680, %mul3A_1520 : i32
      %swap3A_1682 = arith.index_cast %add3A_1681 : i32 to index
      %swap3A_1683 = tpu.vector_load %arg12[%swap3A_1682] {strides = array<i32>} : memref<6144xf32, #tpu.memory_space<vmem>>, vector<16xf32>,
      %swap3A_1684 = vector.shape_cast %swap3A_1683 : vector<16xf32> to vector<16xf32>
      %swap3A_1685 = vector.shape_cast %add3A_1679 : vector<16xf32> to vector<16xf32>
      tpu.vector_store %arg12[%swap3A_1682], %swap3A_1685 {strides = array<i32>} : memref<6144xf32, #tpu.memory_space<vmem>>, vector<16xf32>,
      %mul3A_1686 = arith.mulf %add3A_1647, %get3A_1550 : vector<16xf32>
      %mul3A_1687 = arith.mulf %sub3A_1649, %get3A_1570 : vector<16xf32>
      %add3A_1688 = arith.addf %mul3A_1686, %mul3A_1687 : vector<16xf32>
      %mul3A_1689 = arith.mulf %add3A_1651, %get3A_1590 : vector<16xf32>
      %add3A_1690 = arith.addf %add3A_1688, %mul3A_1689 : vector<16xf32>
      %add3A_1691 = arith.constant 1024 : i32
      %add3A_1692 = arith.addi %add3A_1691, %mul3A_1520 : i32
      %swap3A_1693 = arith.index_cast %add3A_1692 : i32 to index
      %swap3A_1694 = tpu.vector_load %arg12[%swap3A_1693] {strides = array<i32>} : memref<6144xf32, #tpu.memory_space<vmem>>, vector<16xf32>,
      %swap3A_1695 = vector.shape_cast %swap3A_1694 : vector<16xf32> to vector<16xf32>
      %swap3A_1696 = vector.shape_cast %add3A_1690 : vector<16xf32> to vector<16xf32>
      tpu.vector_store %arg12[%swap3A_1693], %swap3A_1696 {strides = array<i32>} : memref<6144xf32, #tpu.memory_space<vmem>>, vector<16xf32>,
      %mul3A_1697 = arith.mulf %add3A_1653, %get3A_1540 : vector<16xf32>
      %mul3A_1698 = arith.mulf %add3A_1655, %get3A_1560 : vector<16xf32>
      %add3A_1699 = arith.addf %mul3A_1697, %mul3A_1698 : vector<16xf32>
      %mul3A_1700 = arith.mulf %sub3A_1657, %get3A_1580 : vector<16xf32>
      %add3A_1701 = arith.addf %add3A_1699, %mul3A_1700 : vector<16xf32>
      %add3A_1702 = arith.constant 2048 : i32
      %add3A_1703 = arith.addi %add3A_1702, %mul3A_1520 : i32
      %swap3A_1704 = arith.index_cast %add3A_1703 : i32 to index
      %swap3A_1705 = tpu.vector_load %arg12[%swap3A_1704] {strides = array<i32>} : memref<6144xf32, #tpu.memory_space<vmem>>, vector<16xf32>,
      %swap3A_1706 = vector.shape_cast %swap3A_1705 : vector<16xf32> to vector<16xf32>
      %swap3A_1707 = vector.shape_cast %add3A_1701 : vector<16xf32> to vector<16xf32>
      tpu.vector_store %arg12[%swap3A_1704], %swap3A_1707 {strides = array<i32>} : memref<6144xf32, #tpu.memory_space<vmem>>, vector<16xf32>,
      %mul3A_1708 = arith.mulf %add3A_1653, %get3A_1545 : vector<16xf32>
      %mul3A_1709 = arith.mulf %add3A_1655, %get3A_1565 : vector<16xf32>
      %add3A_1710 = arith.addf %mul3A_1708, %mul3A_1709 : vector<16xf32>
      %mul3A_1711 = arith.mulf %sub3A_1657, %get3A_1585 : vector<16xf32>
      %add3A_1712 = arith.addf %add3A_1710, %mul3A_1711 : vector<16xf32>
      %add3A_1713 = arith.constant 2560 : i32
      %add3A_1714 = arith.addi %add3A_1713, %mul3A_1520 : i32
      %swap3A_1715 = arith.index_cast %add3A_1714 : i32 to index
      %swap3A_1716 = tpu.vector_load %arg12[%swap3A_1715] {strides = array<i32>} : memref<6144xf32, #tpu.memory_space<vmem>>, vector<16xf32>,
      %swap3A_1717 = vector.shape_cast %swap3A_1716 : vector<16xf32> to vector<16xf32>
      %swap3A_1718 = vector.shape_cast %add3A_1712 : vector<16xf32> to vector<16xf32>
      tpu.vector_store %arg12[%swap3A_1715], %swap3A_1718 {strides = array<i32>} : memref<6144xf32, #tpu.memory_space<vmem>>, vector<16xf32>,
      %mul3A_1719 = arith.mulf %add3A_1653, %get3A_1550 : vector<16xf32>
      %mul3A_1720 = arith.mulf %add3A_1655, %get3A_1570 : vector<16xf32>
      %add3A_1721 = arith.addf %mul3A_1719, %mul3A_1720 : vector<16xf32>
      %mul3A_1722 = arith.mulf %sub3A_1657, %get3A_1590 : vector<16xf32>
      %add3A_1723 = arith.addf %add3A_1721, %mul3A_1722 : vector<16xf32>
      %add3A_1724 = arith.constant 3072 : i32
      %add3A_1725 = arith.addi %add3A_1724, %mul3A_1520 : i32
      %swap3A_1726 = arith.index_cast %add3A_1725 : i32 to index
      %swap3A_1727 = tpu.vector_load %arg12[%swap3A_1726] {strides = array<i32>} : memref<6144xf32, #tpu.memory_space<vmem>>, vector<16xf32>,
      %swap3A_1728 = vector.shape_cast %swap3A_1727 : vector<16xf32> to vector<16xf32>
      %swap3A_1729 = vector.shape_cast %add3A_1723 : vector<16xf32> to vector<16xf32>
      tpu.vector_store %arg12[%swap3A_1726], %swap3A_1729 {strides = array<i32>} : memref<6144xf32, #tpu.memory_space<vmem>>, vector<16xf32>,
      %mul3A_1730 = arith.mulf %sub3A_1659, %get3A_1540 : vector<16xf32>
      %mul3A_1731 = arith.mulf %add3A_1661, %get3A_1560 : vector<16xf32>
      %add3A_1732 = arith.addf %mul3A_1730, %mul3A_1731 : vector<16xf32>
      %mul3A_1733 = arith.mulf %add3A_1663, %get3A_1580 : vector<16xf32>
      %add3A_1734 = arith.addf %add3A_1732, %mul3A_1733 : vector<16xf32>
      %add3A_1735 = arith.constant 4096 : i32
      %add3A_1736 = arith.addi %add3A_1735, %mul3A_1520 : i32
      %swap3A_1737 = arith.index_cast %add3A_1736 : i32 to index
      %swap3A_1738 = tpu.vector_load %arg12[%swap3A_1737] {strides = array<i32>} : memref<6144xf32, #tpu.memory_space<vmem>>, vector<16xf32>,
      %swap3A_1739 = vector.shape_cast %swap3A_1738 : vector<16xf32> to vector<16xf32>
      %swap3A_1740 = vector.shape_cast %add3A_1734 : vector<16xf32> to vector<16xf32>
      tpu.vector_store %arg12[%swap3A_1737], %swap3A_1740 {strides = array<i32>} : memref<6144xf32, #tpu.memory_space<vmem>>, vector<16xf32>,
      %mul3A_1741 = arith.mulf %sub3A_1659, %get3A_1545 : vector<16xf32>
      %mul3A_1742 = arith.mulf %add3A_1661, %get3A_1565 : vector<16xf32>
      %add3A_1743 = arith.addf %mul3A_1741, %mul3A_1742 : vector<16xf32>
      %mul3A_1744 = arith.mulf %add3A_1663, %get3A_1585 : vector<16xf32>
      %add3A_1745 = arith.addf %add3A_1743, %mul3A_1744 : vector<16xf32>
      %add3A_1746 = arith.constant 4608 : i32
      %add3A_1747 = arith.addi %add3A_1746, %mul3A_1520 : i32
      %swap3A_1748 = arith.index_cast %add3A_1747 : i32 to index
      %swap3A_1749 = tpu.vector_load %arg12[%swap3A_1748] {strides = array<i32>} : memref<6144xf32, #tpu.memory_space<vmem>>, vector<16xf32>,
      %swap3A_1750 = vector.shape_cast %swap3A_1749 : vector<16xf32> to vector<16xf32>
      %swap3A_1751 = vector.shape_cast %add3A_1745 : vector<16xf32> to vector<16xf32>
      tpu.vector_store %arg12[%swap3A_1748], %swap3A_1751 {strides = array<i32>} : memref<6144xf32, #tpu.memory_space<vmem>>, vector<16xf32>,
      %mul3A_1752 = arith.mulf %sub3A_1659, %get3A_1550 : vector<16xf32>
      %mul3A_1753 = arith.mulf %add3A_1661, %get3A_1570 : vector<16xf32>
      %add3A_1754 = arith.addf %mul3A_1752, %mul3A_1753 : vector<16xf32>
      %mul3A_1755 = arith.mulf %add3A_1663, %get3A_1590 : vector<16xf32>
      %add3A_1756 = arith.addf %add3A_1754, %mul3A_1755 : vector<16xf32>
      %add3A_1757 = arith.constant 5120 : i32
      %add3A_1758 = arith.addi %add3A_1757, %mul3A_1520 : i32
      %swap3A_1759 = arith.index_cast %add3A_1758 : i32 to index
      %swap3A_1760 = tpu.vector_load %arg12[%swap3A_1759] {strides = array<i32>} : memref<6144xf32, #tpu.memory_space<vmem>>, vector<16xf32>,
      %swap3A_1761 = vector.shape_cast %swap3A_1760 : vector<16xf32> to vector<16xf32>
      %swap3A_1762 = vector.shape_cast %add3A_1756 : vector<16xf32> to vector<16xf32>
      tpu.vector_store %arg12[%swap3A_1759], %swap3A_1762 {strides = array<i32>} : memref<6144xf32, #tpu.memory_space<vmem>>, vector<16xf32>,
      %add3A_1763 = arith.constant 0 : i32
      %add3A_1764 = arith.addi %add3A_1763, %mul3A_1520 : i32
      %get3A_1765 = arith.index_cast %add3A_1764 : i32 to index
      %get3A_1766 = tpu.vector_load %arg10[%get3A_1765] {strides = array<i32>} : memref<1536xf32, #tpu.memory_space<vmem>>, vector<16xf32>,
      %get3A_1767 = vector.shape_cast %get3A_1766 : vector<16xf32> to vector<16xf32>
      %add3A_1768 = arith.addf %get3A_1555, %get3A_1767 : vector<16xf32>
      %add3A_1769 = arith.constant 1536 : i32
      %add3A_1770 = arith.addi %add3A_1769, %mul3A_1520 : i32
      %swap3A_1771 = arith.index_cast %add3A_1770 : i32 to index
      %swap3A_1772 = tpu.vector_load %arg12[%swap3A_1771] {strides = array<i32>} : memref<6144xf32, #tpu.memory_space<vmem>>, vector<16xf32>,
      %swap3A_1773 = vector.shape_cast %swap3A_1772 : vector<16xf32> to vector<16xf32>
      %swap3A_1774 = vector.shape_cast %add3A_1768 : vector<16xf32> to vector<16xf32>
      tpu.vector_store %arg12[%swap3A_1771], %swap3A_1774 {strides = array<i32>} : memref<6144xf32, #tpu.memory_space<vmem>>, vector<16xf32>,
      %add3A_1775 = arith.constant 512 : i32
      %add3A_1776 = arith.addi %add3A_1775, %mul3A_1520 : i32
      %get3A_1777 = arith.index_cast %add3A_1776 : i32 to index
      %get3A_1778 = tpu.vector_load %arg10[%get3A_1777] {strides = array<i32>} : memref<1536xf32, #tpu.memory_space<vmem>>, vector<16xf32>,
      %get3A_1779 = vector.shape_cast %get3A_1778 : vector<16xf32> to vector<16xf32>
      %add3A_1780 = arith.addf %get3A_1575, %get3A_1779 : vector<16xf32>
      %add3A_1781 = arith.constant 3584 : i32
      %add3A_1782 = arith.addi %add3A_1781, %mul3A_1520 : i32
      %swap3A_1783 = arith.index_cast %add3A_1782 : i32 to index
      %swap3A_1784 = tpu.vector_load %arg12[%swap3A_1783] {strides = array<i32>} : memref<6144xf32, #tpu.memory_space<vmem>>, vector<16xf32>,
      %swap3A_1785 = vector.shape_cast %swap3A_1784 : vector<16xf32> to vector<16xf32>
      %swap3A_1786 = vector.shape_cast %add3A_1780 : vector<16xf32> to vector<16xf32>
      tpu.vector_store %arg12[%swap3A_1783], %swap3A_1786 {strides = array<i32>} : memref<6144xf32, #tpu.memory_space<vmem>>, vector<16xf32>,
      %add3A_1787 = arith.constant 1024 : i32
      %add3A_1788 = arith.addi %add3A_1787, %mul3A_1520 : i32
      %get3A_1789 = arith.index_cast %add3A_1788 : i32 to index
      %get3A_1790 = tpu.vector_load %arg10[%get3A_1789] {strides = array<i32>} : memref<1536xf32, #tpu.memory_space<vmem>>, vector<16xf32>,
      %get3A_1791 = vector.shape_cast %get3A_1790 : vector<16xf32> to vector<16xf32>
      %add3A_1792 = arith.addf %get3A_1595, %get3A_1791 : vector<16xf32>
      %add3A_1793 = arith.constant 5632 : i32
      %add3A_1794 = arith.addi %add3A_1793, %mul3A_1520 : i32
      %swap3A_1795 = arith.index_cast %add3A_1794 : i32 to index
      %swap3A_1796 = tpu.vector_load %arg12[%swap3A_1795] {strides = array<i32>} : memref<6144xf32, #tpu.memory_space<vmem>>, vector<16xf32>,
      %swap3A_1797 = vector.shape_cast %swap3A_1796 : vector<16xf32> to vector<16xf32>
      %swap3A_1798 = vector.shape_cast %add3A_1792 : vector<16xf32> to vector<16xf32>
      tpu.vector_store %arg12[%swap3A_1795], %swap3A_1798 {strides = array<i32>} : memref<6144xf32, #tpu.memory_space<vmem>>, vector<16xf32>,
    }
    %scan3A_1517 = arith.constant 32 : i32
    "tpu.region"() ({
      %run_scoped3A = tpu.sem_alloc : memref<!tpu.dma_semaphore, #tpu.memory_space<semaphore_mem>>
      %dma_start3A_1518 = arith.constant 0 : i32
      %dma_start3A_1519 = tpu.memref_slice %arg6[%add3A, %dma_start3A_1518] : memref<32x6144xf32, #tpu.memory_space<hbm>> -> memref<1x6144xf32, #tpu.memory_space<hbm>>
      %dma_start3A_1520 = tpu.memref_squeeze %dma_start3A_1519 : memref<1x6144xf32, #tpu.memory_space<hbm>> -> memref<6144xf32, #tpu.memory_space<hbm>>
      %dma_start3A_1521 = arith.constant 0 : i32
      %dma_start3A_1522 = tpu.memref_slice %arg6[%add3A, %dma_start3A_1521] : memref<32x6144xf32, #tpu.memory_space<hbm>> -> memref<1x6144xf32, #tpu.memory_space<hbm>>
      %dma_start3A_1523 = tpu.memref_squeeze %dma_start3A_1522 : memref<1x6144xf32, #tpu.memory_space<hbm>> -> memref<6144xf32, #tpu.memory_space<hbm>>
      tpu.enqueue_dma source(%arg12 : memref<6144xf32, #tpu.memory_space<vmem>>) target(%dma_start3A_1523 : memref<6144xf32, #tpu.memory_space<hbm>>) target_semaphore(%run_scoped3A : memref<!tpu.dma_semaphore, #tpu.memory_space<semaphore_mem>>)
      %dma_wait3A_1524 = arith.constant 0 : i32
      %dma_wait3A_1525 = tpu.memref_slice %arg6[%add3A, %dma_wait3A_1524] : memref<32x6144xf32, #tpu.memory_space<hbm>> -> memref<1x6144xf32, #tpu.memory_space<hbm>>
      %dma_wait3A_1526 = tpu.memref_squeeze %dma_wait3A_1525 : memref<1x6144xf32, #tpu.memory_space<hbm>> -> memref<6144xf32, #tpu.memory_space<hbm>>
      %dma_wait3A_1527 = arith.constant 0 : i32
      %dma_wait3A_1528 = tpu.memref_slice %arg6[%add3A, %dma_wait3A_1527] : memref<32x6144xf32, #tpu.memory_space<hbm>> -> memref<1x6144xf32, #tpu.memory_space<hbm>>
      %dma_wait3A_1529 = tpu.memref_squeeze %dma_wait3A_1528 : memref<1x6144xf32, #tpu.memory_space<hbm>> -> memref<6144xf32, #tpu.memory_space<hbm>>
      tpu.wait_dma2 semaphore(%run_scoped3A : memref<!tpu.dma_semaphore, #tpu.memory_space<semaphore_mem>>) src(%arg12 : memref<6144xf32, #tpu.memory_space<vmem>>) dst(%dma_wait3A_1529 : memref<6144xf32, #tpu.memory_space<hbm>>)
      tpu.yield
    }) : () -> ()
    return
  }
}

</mosaic_0001>

<sc_bundles>
// kernel: kernel.3.cloned.1.call-start
scs
__scs_entry_jumppad:
0x0: {  	(pc) =	sbr.rel $0x88, $3  }
0x1: {  	(tag) =	ssettag $0x0;
	lr =	simm.s32 $0x1  }
0x2: {  	[smem:$0x3F9D] =	sst lr;
	_ =	strace $0xD0000000  }
0x3: {  	_ = 	snop  }
0x4: {  	_ = 	snop  }
0x5: {  	_ = 	snop  }
0x6: {  	_ = 	snop  }
0x7: {  	_ = 	snop  }
__scs_overlays_trampoline_lowered:
0x8: {  	[smem:$0x3FAC] =	sst s0  }
0x9: {  	[smem:$0x3FAD] =	sst s1  }
0xa: {  	[smem:$0x3FAE] =	sst s2  }
0xb: {  	[smem:$0x3FAF] =	sst s3  }
0xc: {  	[smem:$0x3FB0] =	sst s4  }
0xd: {  	[smem:$0x3FB1] =	sst s5  }
0xe: {  	[smem:$0x3FB2] =	sst s6  }
0xf: {  	[smem:$0x3FB3] =	sst s7  }
0x10: {  	[smem:$0x3FB4] =	sst s8  }
0x11: {  	[smem:$0x3FB5] =	sst s9;
	s0 =	simm.s32 @!p0 $0x0  }
0x12: {  	s1 =	sld [smem:$0x3F9B];
	s0 =	simm.s32 @p0 $0x1  }
0x13: {  	[smem:$0x3FB6] =	sst s0;
	s0 =	simm.s32 @!p1 $0x0  }
0x14: {  	s2 =	sld [smem:$0x3F9A];
	s0 =	simm.s32 @p1 $0x1  }
0x15: {  	[smem:$0x3FB7] =	sst s0;
	s0 =	simm.s32 @!p2 $0x0  }
0x16: {  	s3 =	sld [smem:$0x3FDB];
	s0 =	simm.s32 @p2 $0x1  }
0x17: {  	s4 =	simm.s32 $0x1BF5;
	[smem:$0x3FB9] =	sst s0  }
0x18: {  	s0 =	sld [smem:$0x3F9C];
	_ =	swait.ge [sflag:s4], $0x0  }
0x19: {  	s7 =	sld [smem:$0x3F9D]  }
0x1a: {  	s8 =	sadd.s32 $0xFFFFE003, lr  }
0x1b: {  	s9 =	sadd.s32 $0xFFFFFEF7, lr;
	s5 =	simm.s32 $0xFFFFFFFF;
	p2 =	slt.u32 s8, $0xFFFFF086  }
0x1c: {  	p1 =	slt.u32 s9, $0xF7A;
	s5 =	simm.s32 @!p2 $0x0  }
0x1d: {  	s5 =	simm.s32 @p1 $0x1;
	p0 =	seq.s32 s7, s2  }
0x1e: {  	s7 =	smul.u32 @!p0 $0xF7A, s2;
	p2 =	seq.s32 @!p0 s5, $0x0  }
0x1f: {  	s9 =	smul.u32 $0xF7A, s1;
	s8 =	simm.s32 @!p0 $0x1BF5;
	p2 =	por !p2, p0  }
0x20: {  	[sflag:s8] =	ssyncset.s32 @!p0 $0xFFFFF086;
	s6 =	sadd.s32 @!p0 s3, s7;
	s7 =	simm.s32 @!p0 $0x108  }
0x21: {  	s3 =	sadd.s32 s3, s9;
	s6 =	sadd.s32 @!p0 $0x88, s6;
	s7 =	simm.s32 @p2 $0x1082  }
0x22: {  	[simem:s7], [sflag:s8] =	dma.local @!p0 [hbm:s6], $0xF7A  }
0x23: {  	s9 =	sor.u32 $0xD0000000, s2;
	s6 =	simm.s32 $0x108;
	_ =	swait.ge @!p0 [sflag:s8], $0x0  }
0x24: {  	s3 =	sadd.s32 $0x88, s3;
	s6 =	simm.s32 @!p1 $0x1082;
	[sflag:s4] =	ssyncset.s32 $0xFFFFF086  }
0x25: {  	[simem:s6], [sflag:s4] =	dma.local [hbm:s3], $0xF7A  }
0x26: {  	[smem:$0x3F9D] =	sst s1;
	(tag) =	ssettag s2;
	_ =	strace s9  }
0x27: {  	s1 =	sld [smem:$0x3FAD]  }
0x28: {  	s2 =	sld [smem:$0x3FAE]  }
0x29: {  	s4 =	sld [smem:$0x3FB0]  }
0x2a: {  	p0 =	seq.s32 s5, $0x0;
	s5 =	sld [smem:$0x3FB1]  }
0x2b: {  	s6 =	sld [smem:$0x3FB2]  }
0x2c: {  	s7 =	sld [smem:$0x3FB3]  }
0x2d: {  	s3 =	simm.s32 $0x108;
	s8 =	sld [smem:$0x3FB4]  }
0x2e: {  	s3 =	simm.s32 @!p0 $0x1082;
	s9 =	sld [smem:$0x3FB5]  }
0x2f: {  	lr =	sadd.s32 s0, s3;
	s0 =	sld [smem:$0x3FAC]  }
0x30: {  	s3 =	sld [smem:$0x3FAF]  }
0x31: {  	[smem:$0x3FB8] =	sst s10  }
0x32: {  	s10 =	sld [smem:$0x3FB6];
	_ =	sdelay $0x3  }
0x33: {  	p0 =	seq.s32 s10, $0x1;
	s10 =	sld [smem:$0x3FB8];
	_ =	sdelay $0x3  }
0x34: {  	[smem:$0x3FB8] =	sst s10  }
0x35: {  	s10 =	sld [smem:$0x3FB7];
	_ =	sdelay $0x3  }
0x36: {  	p1 =	seq.s32 s10, $0x1;
	s10 =	sld [smem:$0x3FB8];
	_ =	sdelay $0x3  }
0x37: {  	[smem:$0x3FB8] =	sst s10  }
0x38: {  	s10 =	sld [smem:$0x3FB9]  }
0x39: {  	_ = 	snop;
	(pc) =	sbr.ind lr, $3  }
0x3a: {  	_ = 	snop  }
0x3b: {  	_ = 	snop  }
0x3c: {  	p2 =	seq.s32 s10, $0x1;
	s10 =	sld [smem:$0x3FB8]  }
0x3d: {  	_ =	shalt  }
0x3e: {  	_ =	shalt  }
0x3f: {  	_ =	shalt  }
0x40: {  	_ =	shalt  }
0x41: {  	_ =	shalt  }
0x42: {  	_ =	shalt  }
0x43: {  	_ =	shalt  }
0x44: {  	_ =	shalt  }
0x45: {  	_ =	shalt  }
0x46: {  	_ =	shalt  }
0x47: {  	_ =	shalt  }
0x48: {  	_ =	shalt  }
0x49: {  	_ =	shalt  }
0x4a: {  	_ =	shalt  }
0x4b: {  	_ =	shalt  }
0x4c: {  	_ =	shalt  }
0x4d: {  	_ =	shalt  }
0x4e: {  	_ =	shalt  }
0x4f: {  	_ =	shalt  }
0x50: {  	_ =	shalt  }
0x51: {  	_ =	shalt  }
0x52: {  	_ =	shalt  }
0x53: {  	_ =	shalt  }
0x54: {  	_ =	shalt  }
0x55: {  	_ =	shalt  }
0x56: {  	_ =	shalt  }
0x57: {  	_ =	shalt  }
0x58: {  	_ =	shalt  }
0x59: {  	_ =	shalt  }
0x5a: {  	_ =	shalt  }
0x5b: {  	_ =	shalt  }
0x5c: {  	_ =	shalt  }
0x5d: {  	_ =	shalt  }
0x5e: {  	_ =	shalt  }
0x5f: {  	_ =	shalt  }
0x60: {  	_ =	shalt  }
0x61: {  	_ =	shalt  }
0x62: {  	_ =	shalt  }
0x63: {  	_ =	shalt  }
0x64: {  	_ =	shalt  }
0x65: {  	_ =	shalt  }
0x66: {  	_ =	shalt  }
0x67: {  	_ =	shalt  }
0x68: {  	_ =	shalt  }
0x69: {  	_ =	shalt  }
0x6a: {  	_ =	shalt  }
0x6b: {  	_ =	shalt  }
0x6c: {  	_ =	shalt  }
0x6d: {  	_ =	shalt  }
0x6e: {  	_ =	shalt  }
0x6f: {  	_ =	shalt  }
0x70: {  	_ =	shalt  }
0x71: {  	_ =	shalt  }
0x72: {  	_ =	shalt  }
0x73: {  	_ =	shalt  }
0x74: {  	_ =	shalt  }
0x75: {  	_ =	shalt  }
0x76: {  	_ =	shalt  }
0x77: {  	_ =	shalt  }
0x78: {  	_ =	shalt  }
0x79: {  	_ =	shalt  }
0x7a: {  	_ =	shalt  }
0x7b: {  	_ =	shalt  }
0x7c: {  	_ =	shalt  }
0x7d: {  	_ =	shalt  }
0x7e: {  	_ =	shalt  }
0x7f: {  	_ =	shalt  }
0x80: {  	_ =	shalt  }
0x81: {  	_ =	shalt  }
0x82: {  	_ =	shalt  }
0x83: {  	_ =	shalt  }
0x84: {  	_ =	shalt  }
0x85: {  	_ =	shalt  }
0x86: {  	_ =	shalt  }
0x87: {  	_ =	shalt  }
.Lfunc_end0:
.L_simem_size_0:
called_computation_lowered:
.L_overlay_start_0:
0x88: {  	s2 =	sld [smem:$0x3FD9]  }
0x89: {  	s3 =	sld [smem:$0x3FFE];
	_ =	sdelay $0x1  }
0x8a: {  	s1 =	srdreg.scid  }
0x8b: {  	s0 =	sand.u32 $0x1, s1  }
0x8c: {  	s17 =	sshll.u32 s0, $0xA;
	s2 =	sadd.s32 s3, s2  }
0x8d: {  	s2 =	sadd.s32 s2, s17  }
0x8e: {  	[smem:$0x3FC4] =	sst s2  }
0x8f: {  	_ = 	snop  }
0x90: {  	s2 =	sld [smem:$0x3FC9]  }
0x91: {  	s18 =	sld [smem:$0x3FD0];
	(tm) =	ssettm $0x1  }
0x92: {  	s4 =	sld [smem:$0x3FFB];
	_ =	sdelay $0x3  }
0x93: {  	_ =	strace s4  }
0x94: {  	s4 =	sld [smem:$0x3FFC];
	_ =	sdelay $0x3  }
0x95: {  	_ =	strace s4  }
0x96: {  	s4 =	sld [smem:$0x3FFD];
	_ =	sdelay $0x3  }
0x97: {  	_ =	strace s4  }
0x98: {  	_ =	strace $0x8FFFFFFF  }
0x99: {  	s19 =	sld [smem:$0x3FDB];
	_ =	sdelay $0x1  }
0x9a: {  	s5 =	simm.s32 $_scs_section_size  }
0x9b: {  	s6 =	simm.s32 $_size__tile_overlayer_lowered;
	s7 =	simm.s32 $_tile_overlayer_lowered  }
0x9c: {  	s22 =	simm.s32 $0x1BFF;
	s21 =	sshll.u32 s7, $0x1;
	s4 =	sadd.s32 s5, s19  }
0x9d: {  	s8 =	simm.s32 $0x0;
	s20 =	sshll.u32 s6, $0x1;
	s6 =	sadd.s32 s21, s4  }
0x9e: {  	[timem:s8], [sflag:s22] =	dma.local [hbm:s6], s20  }
0x9f: {  	_ =	swait.ge [sflag:s22], s20  }
0xa0: {  	s5 =	ssub.s32 $0x0, s20;
	[sflag:s22] =	ssyncset.done $0x0  }
0xa1: {  	[sflag:s22] =	ssyncadd.s32 s5;
	_ =	sdelay $0x1  }
0xa2: {  	s23 =	simm.s32 $0x1B8B  }
0xa3: {  	_ =	swait.ge [sflag:s23], $0x1  }
0xa4: {  	[sflag:s23] =	ssyncset.done $0x0  }
0xa5: {  	s25 =	simm.s32 $0x1B8E;
	s24 =	sld [smem:$0x3FFE];
	[sflag:s23] =	ssyncadd.s32 $0xFFFFFFFF  }
0xa6: {  	s26 =	simm.s32 $execute0_lowered;
	[smem:$0x3FD2] =	sst s25  }
0xa7: {  	s6 =	sshll.u32 s26, $0x1;
	_ =	strace $0x80000046;
	[dreg:$0x1] =	wrdreg $0xFFFFFFFF  }
0xa8: {  	s28 =	simm.s32 $_size_execute0_lowered;
	s4 =	sadd.s32 s4, s6;
	[dreg:$0x0] =	wrdreg $0x0  }
0xa9: {  	s6 =	sshll.u32 s28, $0x1;
	[dreg:$0x2] =	wrdreg s4  }
0xaa: {  	[dreg:$0x3] =	wrdreg s6  }
0xab: {  	[dreg:$0x4] =	wrdreg $0xC0  }
0xac: {  	_ =	task [dreg:s8], $0x5FFFF  }
0xad: {  	[dreg:$0x1] =	wrdreg $0xFFFFFFFF  }
0xae: {  	[dreg:$0x0] =	wrdreg $0x60  }
0xaf: {  	[dreg:$0x2] =	wrdreg s2  }
0xb0: {  	[dreg:$0x3] =	wrdreg s18  }
0xb1: {  	[dreg:$0x4] =	wrdreg s24  }
0xb2: {  	[dreg:$0x5] =	wrdreg $0x9  }
0xb3: {  	_ =	task.clear_ibuf [dreg:s8], $0x6FFFF;
	_ =	strace $0x90000046  }
0xb4: {  	s29 =	simm.s32 $0x9;
	_ =	strace $0x80000048  }
0xb5: {  	_ =	swait.ge [sflag:s29], $0x1  }
0xb6: {  	[sflag:s29] =	ssyncadd.s32 $0xFFFFFFFF  }
0xb7: {  	_ =	strace $0x90000048  }
0xb8: {  	_ =	sfence  }
0xb9: {  	s30 =	sld [smem:$0x0];
	_ =	sdelay $0x2  }
0xba: {  	s31 =	sshll.u32 s1, $0xD;
	s1 =	sshrl.u32 s1, $0x2  }
0xbb: {  	s3 =	sand.u32 $0x4000, s31;
	s1 =	sadd.s32 s1, s30  }
0xbc: {  	s0 =	sor.u32 s3, s0;
	s1 =	sshll.u32 s1, $0x11  }
0xbd: {  	s0 =	sor.u32 s1, s0  }
0xbe: {  	s0 =	sadd.s32 $0x8F2B, s0  }
0xbf: {  	[sflag:s0] =	ssyncadd.remote.s32 $0x1  }
0xc0: {  	_ =	sfence.sel $0xFFFF  }
0xc1: {  	[dreg:$0x0] =	wrdreg $0xFFFFFFFF;
	(pc) =	sbr.abs _section_cstart, $3  }
0xc2: {  	[dreg:$0x1] =	wrdreg $0xFFFFFFFF  }
0xc3: {  	_ =	task.clear_ibuf [dreg:s8], $0x2FFFF;
	_ =	strace $0x9FFFFFFF  }
0xc4: {  	(tm) =	ssettm $0x7FFFFFFF  }
0xc5: {  	_ =	shalt  }
tec
execute0_lowered:
.L_overlay_start_1:
0x0: {  	(tag) =	ssettag $0x1  }
0x1: {  	s0 =	rddreg [dreg:$0x0]  }
0x2: {  	s1 =	rddreg [dreg:$0x1]  }
0x3: {  	s2 =	srdreg.scid;
	s4 =	stileid.u32  }
0x4: {  	s5 =	rddreg [dreg:$0x2];
	s7 =	simm.s32 $0x0;
	s9 =	simm.s32 $0x3  }
0x5: {  	s10 =	simm.s32 $0x80;
	s11 =	simm.s32 $0x400;
	s13 =	simm.s32 $0x200  }
0x6: {  	s16 =	simm.s32 $0x280;
	s19 =	simm.s32 $0x300;
	s22 =	simm.s32 $0x380  }
0x7: {  	s28 =	simm.s32 $0x480;
	s31 =	simm.s32 $0x500;
	s12 =	simm.s32 $0x580  }
0x8: {  	s15 =	simm.s32 $0x600;
	s20 =	simm.s32 $0x680;
	s29 =	simm.s32 $0x780  }
0x9: {  	s30 =	simm.s32 $0xF80;
	s14 =	simm.s32 $0x2;
	s17 =	simm.s32 $0x0  }
0xa: {  	s2 =	sand.u32 $0x1, s2;
	s3 =	sshll.u32 s4, $0x1;
	s23 =	sshrl.u32 s4, $0x2  }
0xb: {  	[smem:$0x7FF] =	sst s7;
	s6 =	sor.u32 s2, s3;
	s4 =	smul.u32 $0xC000, s23  }
0xc: {  	_ =	strace $0x80000047;
	s2 =	ssub.s32 $0x2, s2;
	s24 =	sshll.u32 s6, $0x7  }
0xd: {  	s3 =	sadd.s32 $0x187200, s5;
	s26 =	sshrl.u32 s2, $0x1;
	s25 =	sand.u32 $0x380, s24  }
0xe: {  	s6 =	sshll.u32 s6, $0x6;
	s2 =	ssub.s32 s2, s26;
	s7 =	sor.u32 s4, s25  }
0xf: {  	s24 =	simm.s32 $0x700;
	s26 =	simm.s32 $0x1500;
	s7 =	sshrl.u32 s7, $0x3  }
0x10: {  	s4 =	sadd.s32 $0x190600, s5;
	s8 =	sadd.s32 s7, s5;
	s5 =	sadd.s32 s0, s6  }
0x11: {  	s6 =	sadd.s32 s1, s7;
	s1 =	simm.s32 $0x1580;
	s0 =	simm.s32 $0x1  }
0x12: {  	s7 =	sadd.s32 $0x800, s8;
	s8 =	smax.u32 s2, $0x1;
	s2 =	simm.s32 $0x2E00  }
.LBB2_1:
0x13: {  	s18 =	simm.s32 $0x0  }
0x14: {  	[tilespmem:s18], [sflag:$0x3] =	stream.linear.gather [hbm4b:s5+s18], $0x200, $0x38;
	[tilespmem:$0x4600] =	vst v63  }
0x15: {  	_ =	swait.ge [sflag:s9], $0x200  }
0x16: {  	[sflag:s9] =	ssyncset.done $0x0  }
0x17: {  	s25 =	simm.s32 $0x1600;
	[sflag:s9] =	ssyncadd.s32 $0xFFFFFE00  }
0x18: {  	[tilespmem:s25], [sflag:$0x2] =	stream.strided.gather [hbm4b:s6+s10], $0x1800, s11, s10, $0x38;
	[tilespmem:$0x4600] =	vst v63  }
0x19: {  	v0 =	vld [tilespmem:$0x0]  }
0x1a: {  	v1 =	vld [tilespmem:$0x10];
	_ =	sdelay $0x1  }
0x1b: {  	v2 =	vld [tilespmem:$0x20];
	_ =	sdelay $0x1  }
0x1c: {  	v0 =	vmul.u32 $0x3, v0  }
0x1d: {  	v1 =	vmul.u32 $0x3, v1  }
0x1e: {  	[tilespmem:$0x200] =	vst v0  }
0x1f: {  	v2 =	vmul.u32 $0x3, v2;
	v3 =	vadd.s32 $0x1, v0;
	v0 =	vadd.s32 $0x2, v0;
	[tilespmem:$0x210] =	vst v1  }
0x20: {  	[tilespmem:$0x600] =	vst v0;
	v0 =	vld [tilespmem:$0x30]  }
0x21: {  	[tilespmem:$0x220] =	vst v2  }
0x22: {  	[tilespmem:$0x400] =	vst v3;
	v3 =	vadd.s32 $0x1, v1;
	v1 =	vadd.s32 $0x2, v1  }
0x23: {  	[tilespmem:$0x610] =	vst v1;
	v1 =	vld [tilespmem:$0x40]  }
0x24: {  	[tilespmem:$0x410] =	vst v3;
	v3 =	vadd.s32 $0x1, v2  }
0x25: {  	v2 =	vadd.s32 $0x2, v2;
	[tilespmem:$0x420] =	vst v3;
	v0 =	vmul.u32 $0x3, v0  }
0x26: {  	[tilespmem:$0x620] =	vst v2;
	v2 =	vld [tilespmem:$0x50]  }
0x27: {  	[tilespmem:$0x230] =	vst v0;
	v3 =	vadd.s32 $0x1, v0  }
0x28: {  	v1 =	vmul.u32 $0x3, v1;
	v0 =	vadd.s32 $0x2, v0;
	[tilespmem:$0x430] =	vst v3  }
0x29: {  	[tilespmem:$0x630] =	vst v0;
	v0 =	vld [tilespmem:$0x60]  }
0x2a: {  	[tilespmem:$0x240] =	vst v1;
	v3 =	vadd.s32 $0x1, v1  }
0x2b: {  	v2 =	vmul.u32 $0x3, v2;
	v1 =	vadd.s32 $0x2, v1;
	[tilespmem:$0x440] =	vst v3  }
0x2c: {  	[tilespmem:$0x640] =	vst v1;
	v1 =	vld [tilespmem:$0x70]  }
0x2d: {  	[tilespmem:$0x250] =	vst v2;
	v3 =	vadd.s32 $0x1, v2  }
0x2e: {  	v2 =	vadd.s32 $0x2, v2;
	[tilespmem:$0x450] =	vst v3;
	v0 =	vmul.u32 $0x3, v0  }
0x2f: {  	[tilespmem:$0x650] =	vst v2;
	v2 =	vld [tilespmem:$0x80]  }
0x30: {  	[tilespmem:$0x260] =	vst v0;
	v3 =	vadd.s32 $0x1, v0  }
0x31: {  	v1 =	vmul.u32 $0x3, v1;
	v0 =	vadd.s32 $0x2, v0;
	[tilespmem:$0x460] =	vst v3  }
0x32: {  	[tilespmem:$0x660] =	vst v0;
	v0 =	vld [tilespmem:$0x90]  }
0x33: {  	[tilespmem:$0x270] =	vst v1;
	v3 =	vadd.s32 $0x1, v1  }
0x34: {  	v2 =	vmul.u32 $0x3, v2;
	v1 =	vadd.s32 $0x2, v1;
	[tilespmem:$0x470] =	vst v3  }
0x35: {  	[tilespmem:$0x670] =	vst v1;
	v1 =	vld [tilespmem:$0xA0]  }
0x36: {  	[tilespmem:$0x280] =	vst v2;
	v3 =	vadd.s32 $0x1, v2  }
0x37: {  	v2 =	vadd.s32 $0x2, v2;
	[tilespmem:$0x480] =	vst v3;
	v0 =	vmul.u32 $0x3, v0  }
0x38: {  	[tilespmem:$0x680] =	vst v2;
	v2 =	vld [tilespmem:$0xB0]  }
0x39: {  	[tilespmem:$0x290] =	vst v0;
	v3 =	vadd.s32 $0x1, v0  }
0x3a: {  	v1 =	vmul.u32 $0x3, v1;
	v0 =	vadd.s32 $0x2, v0;
	[tilespmem:$0x490] =	vst v3  }
0x3b: {  	[tilespmem:$0x690] =	vst v0;
	v0 =	vld [tilespmem:$0xC0]  }
0x3c: {  	[tilespmem:$0x2A0] =	vst v1;
	v3 =	vadd.s32 $0x1, v1  }
0x3d: {  	v2 =	vmul.u32 $0x3, v2;
	v1 =	vadd.s32 $0x2, v1;
	[tilespmem:$0x4A0] =	vst v3  }
0x3e: {  	[tilespmem:$0x6A0] =	vst v1;
	v1 =	vld [tilespmem:$0xD0]  }
0x3f: {  	[tilespmem:$0x2B0] =	vst v2;
	v3 =	vadd.s32 $0x1, v2  }
0x40: {  	v2 =	vadd.s32 $0x2, v2;
	[tilespmem:$0x4B0] =	vst v3;
	v0 =	vmul.u32 $0x3, v0  }
0x41: {  	[tilespmem:$0x6B0] =	vst v2;
	v2 =	vld [tilespmem:$0xE0]  }
0x42: {  	[tilespmem:$0x2C0] =	vst v0;
	v3 =	vadd.s32 $0x1, v0  }
0x43: {  	v1 =	vmul.u32 $0x3, v1;
	v0 =	vadd.s32 $0x2, v0;
	[tilespmem:$0x4C0] =	vst v3  }
0x44: {  	[tilespmem:$0x6C0] =	vst v0;
	v0 =	vld [tilespmem:$0xF0]  }
0x45: {  	[tilespmem:$0x2D0] =	vst v1;
	v3 =	vadd.s32 $0x1, v1  }
0x46: {  	v2 =	vmul.u32 $0x3, v2;
	v1 =	vadd.s32 $0x2, v1;
	[tilespmem:$0x4D0] =	vst v3  }
0x47: {  	[tilespmem:$0x6D0] =	vst v1;
	v1 =	vld [tilespmem:$0x100]  }
0x48: {  	[tilespmem:$0x2E0] =	vst v2;
	v3 =	vadd.s32 $0x1, v2  }
0x49: {  	v2 =	vadd.s32 $0x2, v2;
	[tilespmem:$0x4E0] =	vst v3;
	v0 =	vmul.u32 $0x3, v0  }
0x4a: {  	[tilespmem:$0x6E0] =	vst v2;
	v2 =	vld [tilespmem:$0x110]  }
0x4b: {  	[tilespmem:$0x2F0] =	vst v0;
	v3 =	vadd.s32 $0x1, v0  }
0x4c: {  	v1 =	vmul.u32 $0x3, v1;
	v0 =	vadd.s32 $0x2, v0;
	[tilespmem:$0x4F0] =	vst v3  }
0x4d: {  	[tilespmem:$0x6F0] =	vst v0;
	v0 =	vld [tilespmem:$0x120]  }
0x4e: {  	[tilespmem:$0x300] =	vst v1;
	v3 =	vadd.s32 $0x1, v1  }
0x4f: {  	v2 =	vmul.u32 $0x3, v2;
	v1 =	vadd.s32 $0x2, v1;
	[tilespmem:$0x500] =	vst v3  }
0x50: {  	[tilespmem:$0x700] =	vst v1;
	v1 =	vld [tilespmem:$0x130]  }
0x51: {  	[tilespmem:$0x310] =	vst v2;
	v3 =	vadd.s32 $0x1, v2  }
0x52: {  	v2 =	vadd.s32 $0x2, v2;
	[tilespmem:$0x510] =	vst v3;
	v0 =	vmul.u32 $0x3, v0  }
0x53: {  	[tilespmem:$0x710] =	vst v2;
	v2 =	vld [tilespmem:$0x140]  }
0x54: {  	[tilespmem:$0x320] =	vst v0;
	v3 =	vadd.s32 $0x1, v0  }
0x55: {  	v1 =	vmul.u32 $0x3, v1;
	v0 =	vadd.s32 $0x2, v0;
	[tilespmem:$0x520] =	vst v3  }
0x56: {  	[tilespmem:$0x720] =	vst v0;
	v0 =	vld [tilespmem:$0x150]  }
0x57: {  	[tilespmem:$0x330] =	vst v1;
	v3 =	vadd.s32 $0x1, v1  }
0x58: {  	v2 =	vmul.u32 $0x3, v2;
	v1 =	vadd.s32 $0x2, v1;
	[tilespmem:$0x530] =	vst v3  }
0x59: {  	[tilespmem:$0x730] =	vst v1;
	v1 =	vld [tilespmem:$0x160]  }
0x5a: {  	[tilespmem:$0x340] =	vst v2;
	v3 =	vadd.s32 $0x1, v2  }
0x5b: {  	v2 =	vadd.s32 $0x2, v2;
	[tilespmem:$0x540] =	vst v3;
	v0 =	vmul.u32 $0x3, v0  }
0x5c: {  	[tilespmem:$0x740] =	vst v2;
	v2 =	vld [tilespmem:$0x170]  }
0x5d: {  	[tilespmem:$0x350] =	vst v0;
	v3 =	vadd.s32 $0x1, v0  }
0x5e: {  	v1 =	vmul.u32 $0x3, v1;
	v0 =	vadd.s32 $0x2, v0;
	[tilespmem:$0x550] =	vst v3  }
0x5f: {  	[tilespmem:$0x750] =	vst v0;
	v0 =	vld [tilespmem:$0x180]  }
0x60: {  	[tilespmem:$0x360] =	vst v1;
	v3 =	vadd.s32 $0x1, v1  }
0x61: {  	v2 =	vmul.u32 $0x3, v2;
	v1 =	vadd.s32 $0x2, v1;
	[tilespmem:$0x560] =	vst v3  }
0x62: {  	[tilespmem:$0x760] =	vst v1;
	v1 =	vld [tilespmem:$0x190]  }
0x63: {  	[tilespmem:$0x370] =	vst v2;
	v3 =	vadd.s32 $0x1, v2  }
0x64: {  	v2 =	vadd.s32 $0x2, v2;
	[tilespmem:$0x570] =	vst v3;
	v0 =	vmul.u32 $0x3, v0  }
0x65: {  	[tilespmem:$0x770] =	vst v2;
	v2 =	vld [tilespmem:$0x1A0]  }
0x66: {  	[tilespmem:$0x380] =	vst v0;
	v3 =	vadd.s32 $0x1, v0  }
0x67: {  	v1 =	vmul.u32 $0x3, v1;
	v0 =	vadd.s32 $0x2, v0;
	[tilespmem:$0x580] =	vst v3  }
0x68: {  	[tilespmem:$0x780] =	vst v0;
	v0 =	vld [tilespmem:$0x1B0]  }
0x69: {  	[tilespmem:$0x390] =	vst v1;
	v3 =	vadd.s32 $0x1, v1  }
0x6a: {  	v2 =	vmul.u32 $0x3, v2;
	v1 =	vadd.s32 $0x2, v1;
	[tilespmem:$0x590] =	vst v3  }
0x6b: {  	[tilespmem:$0x790] =	vst v1;
	v1 =	vld [tilespmem:$0x1C0]  }
0x6c: {  	[tilespmem:$0x3A0] =	vst v2;
	v3 =	vadd.s32 $0x1, v2  }
0x6d: {  	v2 =	vadd.s32 $0x2, v2;
	[tilespmem:$0x5A0] =	vst v3;
	v0 =	vmul.u32 $0x3, v0  }
0x6e: {  	[tilespmem:$0x7A0] =	vst v2;
	v2 =	vld [tilespmem:$0x1D0]  }
0x6f: {  	[tilespmem:$0x3B0] =	vst v0;
	v3 =	vadd.s32 $0x1, v0  }
0x70: {  	v1 =	vmul.u32 $0x3, v1;
	v0 =	vadd.s32 $0x2, v0;
	[tilespmem:$0x5B0] =	vst v3  }
0x71: {  	[tilespmem:$0x7B0] =	vst v0;
	v0 =	vld [tilespmem:$0x1E0]  }
0x72: {  	[tilespmem:$0x3C0] =	vst v1;
	v3 =	vadd.s32 $0x1, v1  }
0x73: {  	v2 =	vmul.u32 $0x3, v2;
	v1 =	vadd.s32 $0x2, v1;
	[tilespmem:$0x5C0] =	vst v3  }
0x74: {  	[tilespmem:$0x7C0] =	vst v1;
	v1 =	vld [tilespmem:$0x1F0]  }
0x75: {  	[tilespmem:$0x3D0] =	vst v2;
	v3 =	vadd.s32 $0x1, v2  }
0x76: {  	v2 =	vadd.s32 $0x2, v2;
	[tilespmem:$0x5D0] =	vst v3;
	v0 =	vmul.u32 $0x3, v0  }
0x77: {  	[tilespmem:$0x7D0] =	vst v2  }
0x78: {  	[tilespmem:$0x3E0] =	vst v0;
	v2 =	vadd.s32 $0x1, v0  }
0x79: {  	v1 =	vmul.u32 $0x3, v1;
	v0 =	vadd.s32 $0x2, v0;
	[tilespmem:$0x5E0] =	vst v2  }
0x7a: {  	[tilespmem:$0x7E0] =	vst v0  }
0x7b: {  	[tilespmem:$0x3F0] =	vst v1;
	v0 =	vadd.s32 $0x1, v1  }
0x7c: {  	[tilespmem:$0x5F0] =	vst v0;
	v0 =	vadd.s32 $0x2, v1  }
0x7d: {  	s21 =	simm.s32 $0xA00;
	[tilespmem:$0x7F0] =	vst v0  }
0x7e: {  	[tilespmem:s21], [sflag:$0x1] =	stream.indirect.gather [hbm4b:s3+s10], $0x1, s13, s10, $0xb8;
	[tilespmem:$0x4600] =	vst v63  }
0x7f: {  	s23 =	simm.s32 $0x1000  }
0x80: {  	[tilespmem:s23], [sflag:$0x1] =	stream.indirect.gather [hbm4b:s4+s10], $0x1, s13, s10, $0xb8;
	[tilespmem:$0x4600] =	vst v63  }
0x81: {  	s25 =	simm.s32 $0xA80  }
0x82: {  	[tilespmem:s25], [sflag:$0x1] =	stream.indirect.gather [hbm4b:s3+s10], $0x1, s16, s10, $0xb8;
	[tilespmem:$0x4600] =	vst v63  }
0x83: {  	s21 =	simm.s32 $0x1080  }
0x84: {  	[tilespmem:s21], [sflag:$0x1] =	stream.indirect.gather [hbm4b:s4+s10], $0x1, s16, s10, $0xb8;
	[tilespmem:$0x4600] =	vst v63  }
0x85: {  	s23 =	simm.s32 $0xB00  }
0x86: {  	[tilespmem:s23], [sflag:$0x1] =	stream.indirect.gather [hbm4b:s3+s10], $0x1, s19, s10, $0xb8;
	[tilespmem:$0x4600] =	vst v63  }
0x87: {  	s25 =	simm.s32 $0x1100  }
0x88: {  	[tilespmem:s25], [sflag:$0x1] =	stream.indirect.gather [hbm4b:s4+s10], $0x1, s19, s10, $0xb8;
	[tilespmem:$0x4600] =	vst v63  }
0x89: {  	s21 =	simm.s32 $0xB80  }
0x8a: {  	[tilespmem:s21], [sflag:$0x1] =	stream.indirect.gather [hbm4b:s3+s10], $0x1, s22, s10, $0xb8;
	[tilespmem:$0x4600] =	vst v63  }
0x8b: {  	s23 =	simm.s32 $0x1180  }
0x8c: {  	[tilespmem:s23], [sflag:$0x1] =	stream.indirect.gather [hbm4b:s4+s10], $0x1, s22, s10, $0xb8;
	[tilespmem:$0x4600] =	vst v63  }
0x8d: {  	s25 =	simm.s32 $0xC00  }
0x8e: {  	[tilespmem:s25], [sflag:$0x1] =	stream.indirect.gather [hbm4b:s3+s10], $0x1, s11, s10, $0xb8;
	[tilespmem:$0x4600] =	vst v63  }
0x8f: {  	s21 =	simm.s32 $0x1200  }
0x90: {  	[tilespmem:s21], [sflag:$0x1] =	stream.indirect.gather [hbm4b:s4+s10], $0x1, s11, s10, $0xb8;
	[tilespmem:$0x4600] =	vst v63  }
0x91: {  	s23 =	simm.s32 $0xC80  }
0x92: {  	[tilespmem:s23], [sflag:$0x1] =	stream.indirect.gather [hbm4b:s3+s10], $0x1, s28, s10, $0xb8;
	[tilespmem:$0x4600] =	vst v63  }
0x93: {  	s25 =	simm.s32 $0x1280  }
0x94: {  	[tilespmem:s25], [sflag:$0x1] =	stream.indirect.gather [hbm4b:s4+s10], $0x1, s28, s10, $0xb8;
	[tilespmem:$0x4600] =	vst v63  }
0x95: {  	s21 =	simm.s32 $0xD00  }
0x96: {  	[tilespmem:s21], [sflag:$0x1] =	stream.indirect.gather [hbm4b:s3+s10], $0x1, s31, s10, $0xb8;
	[tilespmem:$0x4600] =	vst v63  }
0x97: {  	s23 =	simm.s32 $0x1300  }
0x98: {  	[tilespmem:s23], [sflag:$0x1] =	stream.indirect.gather [hbm4b:s4+s10], $0x1, s31, s10, $0xb8;
	[tilespmem:$0x4600] =	vst v63  }
0x99: {  	s25 =	simm.s32 $0xD80  }
0x9a: {  	[tilespmem:s25], [sflag:$0x1] =	stream.indirect.gather [hbm4b:s3+s10], $0x1, s12, s10, $0xb8;
	[tilespmem:$0x4600] =	vst v63  }
0x9b: {  	s21 =	simm.s32 $0x1380  }
0x9c: {  	[tilespmem:s21], [sflag:$0x1] =	stream.indirect.gather [hbm4b:s4+s10], $0x1, s12, s10, $0xb8;
	[tilespmem:$0x4600] =	vst v63  }
0x9d: {  	s23 =	simm.s32 $0xE00  }
0x9e: {  	[tilespmem:s23], [sflag:$0x1] =	stream.indirect.gather [hbm4b:s3+s10], $0x1, s15, s10, $0xb8;
	[tilespmem:$0x4600] =	vst v63  }
0x9f: {  	s25 =	simm.s32 $0x1400  }
0xa0: {  	[tilespmem:s25], [sflag:$0x1] =	stream.indirect.gather [hbm4b:s4+s10], $0x1, s15, s10, $0xb8;
	[tilespmem:$0x4600] =	vst v63  }
0xa1: {  	s21 =	simm.s32 $0xE80  }
0xa2: {  	[tilespmem:s21], [sflag:$0x1] =	stream.indirect.gather [hbm4b:s3+s10], $0x1, s20, s10, $0xb8;
	[tilespmem:$0x4600] =	vst v63  }
0xa3: {  	s23 =	simm.s32 $0x1480  }
0xa4: {  	[tilespmem:s23], [sflag:$0x1] =	stream.indirect.gather [hbm4b:s4+s10], $0x1, s20, s10, $0xb8;
	[tilespmem:$0x4600] =	vst v63  }
0xa5: {  	s25 =	simm.s32 $0xF00  }
0xa6: {  	[tilespmem:s25], [sflag:$0x1] =	stream.indirect.gather [hbm4b:s3+s10], $0x1, s24, s10, $0xb8;
	[tilespmem:$0x4600] =	vst v63  }
0xa7: {  	_ = 	snop  }
0xa8: {  	[tilespmem:s26], [sflag:$0x1] =	stream.indirect.gather [hbm4b:s4+s10], $0x1, s24, s10, $0xb8;
	[tilespmem:$0x4600] =	vst v63  }
0xa9: {  	_ = 	snop  }
0xaa: {  	[tilespmem:s30], [sflag:$0x1] =	stream.indirect.gather [hbm4b:s3+s10], $0x1, s29, s10, $0xb8;
	[tilespmem:$0x4600] =	vst v63  }
0xab: {  	_ = 	snop  }
0xac: {  	[tilespmem:s1], [sflag:$0x1] =	stream.indirect.gather [hbm4b:s4+s10], $0x1, s29, s10, $0xb8;
	[tilespmem:$0x4600] =	vst v63  }
0xad: {  	_ =	swait.ge [sflag:s0], $0x80  }
0xae: {  	[sflag:s0] =	ssyncset.done $0x0  }
0xaf: {  	[sflag:s0] =	ssyncadd.s32 $0xFFFFFF80  }
0xb0: {  	_ =	swait.ge [sflag:s0], $0x80  }
0xb1: {  	[sflag:s0] =	ssyncset.done $0x0  }
0xb2: {  	[sflag:s0] =	ssyncadd.s32 $0xFFFFFF80  }
0xb3: {  	_ =	swait.ge [sflag:s0], $0x80  }
0xb4: {  	[sflag:s0] =	ssyncset.done $0x0  }
0xb5: {  	[sflag:s0] =	ssyncadd.s32 $0xFFFFFF80  }
0xb6: {  	_ =	swait.ge [sflag:s0], $0x80  }
0xb7: {  	[sflag:s0] =	ssyncset.done $0x0  }
0xb8: {  	[sflag:s0] =	ssyncadd.s32 $0xFFFFFF80  }
0xb9: {  	_ =	swait.ge [sflag:s0], $0x80  }
0xba: {  	[sflag:s0] =	ssyncset.done $0x0  }
0xbb: {  	[sflag:s0] =	ssyncadd.s32 $0xFFFFFF80  }
0xbc: {  	_ =	swait.ge [sflag:s0], $0x80  }
0xbd: {  	[sflag:s0] =	ssyncset.done $0x0  }
0xbe: {  	[sflag:s0] =	ssyncadd.s32 $0xFFFFFF80  }
0xbf: {  	_ =	swait.ge [sflag:s0], $0x80  }
0xc0: {  	[sflag:s0] =	ssyncset.done $0x0  }
0xc1: {  	[sflag:s0] =	ssyncadd.s32 $0xFFFFFF80  }
0xc2: {  	_ =	swait.ge [sflag:s0], $0x80  }
0xc3: {  	[sflag:s0] =	ssyncset.done $0x0  }
0xc4: {  	[sflag:s0] =	ssyncadd.s32 $0xFFFFFF80  }
0xc5: {  	_ =	swait.ge [sflag:s0], $0x80  }
0xc6: {  	[sflag:s0] =	ssyncset.done $0x0  }
0xc7: {  	[sflag:s0] =	ssyncadd.s32 $0xFFFFFF80  }
0xc8: {  	_ =	swait.ge [sflag:s0], $0x80  }
0xc9: {  	[sflag:s0] =	ssyncset.done $0x0  }
0xca: {  	[sflag:s0] =	ssyncadd.s32 $0xFFFFFF80  }
0xcb: {  	_ =	swait.ge [sflag:s0], $0x80  }
0xcc: {  	[sflag:s0] =	ssyncset.done $0x0  }
0xcd: {  	[sflag:s0] =	ssyncadd.s32 $0xFFFFFF80  }
0xce: {  	_ =	swait.ge [sflag:s0], $0x80  }
0xcf: {  	[sflag:s0] =	ssyncset.done $0x0  }
0xd0: {  	[sflag:s0] =	ssyncadd.s32 $0xFFFFFF80  }
0xd1: {  	_ =	swait.ge [sflag:s0], $0x80  }
0xd2: {  	[sflag:s0] =	ssyncset.done $0x0  }
0xd3: {  	[sflag:s0] =	ssyncadd.s32 $0xFFFFFF80  }
0xd4: {  	_ =	swait.ge [sflag:s0], $0x80  }
0xd5: {  	[sflag:s0] =	ssyncset.done $0x0  }
0xd6: {  	[sflag:s0] =	ssyncadd.s32 $0xFFFFFF80  }
0xd7: {  	_ =	swait.ge [sflag:s0], $0x80  }
0xd8: {  	[sflag:s0] =	ssyncset.done $0x0  }
0xd9: {  	[sflag:s0] =	ssyncadd.s32 $0xFFFFFF80  }
0xda: {  	_ =	swait.ge [sflag:s0], $0x80  }
0xdb: {  	[sflag:s0] =	ssyncset.done $0x0  }
0xdc: {  	[sflag:s0] =	ssyncadd.s32 $0xFFFFFF80  }
0xdd: {  	_ =	swait.ge [sflag:s0], $0x80  }
0xde: {  	[sflag:s0] =	ssyncset.done $0x0  }
0xdf: {  	[sflag:s0] =	ssyncadd.s32 $0xFFFFFF80  }
0xe0: {  	_ =	swait.ge [sflag:s0], $0x80  }
0xe1: {  	[sflag:s0] =	ssyncset.done $0x0  }
0xe2: {  	[sflag:s0] =	ssyncadd.s32 $0xFFFFFF80  }
0xe3: {  	_ =	swait.ge [sflag:s0], $0x80  }
0xe4: {  	[sflag:s0] =	ssyncset.done $0x0  }
0xe5: {  	[sflag:s0] =	ssyncadd.s32 $0xFFFFFF80  }
0xe6: {  	_ =	swait.ge [sflag:s0], $0x80  }
0xe7: {  	[sflag:s0] =	ssyncset.done $0x0  }
0xe8: {  	[sflag:s0] =	ssyncadd.s32 $0xFFFFFF80  }
0xe9: {  	_ =	swait.ge [sflag:s0], $0x80  }
0xea: {  	[sflag:s0] =	ssyncset.done $0x0  }
0xeb: {  	[sflag:s0] =	ssyncadd.s32 $0xFFFFFF80  }
0xec: {  	_ =	swait.ge [sflag:s0], $0x80  }
0xed: {  	[sflag:s0] =	ssyncset.done $0x0  }
0xee: {  	[sflag:s0] =	ssyncadd.s32 $0xFFFFFF80  }
0xef: {  	_ =	swait.ge [sflag:s0], $0x80  }
0xf0: {  	[sflag:s0] =	ssyncset.done $0x0  }
0xf1: {  	[sflag:s0] =	ssyncadd.s32 $0xFFFFFF80  }
0xf2: {  	_ =	swait.ge [sflag:s0], $0x80  }
0xf3: {  	[sflag:s0] =	ssyncset.done $0x0  }
0xf4: {  	[sflag:s0] =	ssyncadd.s32 $0xFFFFFF80  }
0xf5: {  	_ =	swait.ge [sflag:s14], $0x1800  }
0xf6: {  	[sflag:s14] =	ssyncset.done $0x0  }
0xf7: {  	s21 =	simm.s32 $0x0;
	[sflag:s14] =	ssyncadd.s32 $0xFFFFE800  }
0xf8: {  	v8 =	vld [tilespmem:s21+$0xA00]  }
0xf9: {  	v11 =	vld [tilespmem:s21+$0xC00]  }
0xfa: {  	v14 =	vld [tilespmem:s21+$0xE00]  }
0xfb: {  	v0 =	vld [tilespmem:s21+$0x1C00]  }
0xfc: {  	v1 =	vld [tilespmem:s21+$0x1200]  }
0xfd: {  	v2 =	vld [tilespmem:s21+$0x1000]  }
0xfe: {  	v3 =	vld [tilespmem:s21+$0x2400]  }
0xff: {  	v4 =	vmul.f32 v8, v8;
	v5 =	vmul.f32 v11, v11;
	_ =	sdelay $0x1  }
0x100: {  	v6 =	vmul.f32 v14, v14;
	v4 =	vadd.f32 v5, v4  }
0x101: {  	v0 =	vadd.f32 v2, v0  }
0x102: {  	v1 =	vadd.f32 v1, v3;
	v6 =	vadd.f32 v6, v4  }
0x103: {  	v3 =	vld [tilespmem:s21+$0x1400];
	[tilespmem:s21+$0x3400] =	vst v0  }
0x104: {  	[tilespmem:s21+$0x3C00] =	vst v1;
	v1 =	vld [tilespmem:s21+$0x2C00];
	v0 =	vmul.f32 $2.755732000e-07, v6;
	_ =	sdelay $0x1  }
0x105: {  	v2 =	vmul.f32 $2.755731880e-06, v6;
	v0 =	vadd.f32 $-2.480158760e-05, v0;
	_ =	sdelay $0x1  }
0x106: {  	v2 =	vadd.f32 $-1.984127010e-04, v2;
	v0 =	vmul.f32 v0, v6  }
0x107: {  	s18 =	simm.s32 $0x10;
	v3 =	vadd.f32 v3, v1  }
0x108: {  	v1 =	vld [tilespmem:s18+$0xC00];
	v2 =	vmul.f32 v2, v6;
	v4 =	vadd.f32 $1.388888920e-03, v0  }
0x109: {  	v0 =	vld [tilespmem:s18+$0xA00];
	[tilespmem:s21+$0x4400] =	vst v3  }
0x10a: {  	v2 =	vadd.f32 $8.333333770e-03, v2;
	v19 =	vld [tilespmem:s18+$0x1200];
	v4 =	vmul.f32 v4, v6  }
0x10b: {  	v20 =	vld [tilespmem:s18+$0x2400]  }
0x10c: {  	v3 =	vmul.f32 v2, v6;
	v2 =	vld [tilespmem:s18+$0xE00];
	v4 =	vadd.f32 $-4.166666790e-02, v4;
	_ =	sdelay $0x1  }
0x10d: {  	v5 =	vadd.f32 $-1.666666720e-01, v3;
	v4 =	vmul.f32 v4, v6  }
0x10e: {  	v9 =	vmul.f32 v1, v1;
	v7 =	vmul.f32 v0, v0  }
0x10f: {  	v10 =	vadd.f32 $5.000000000e-01, v4;
	v4 =	vmul.f32 v5, v6  }
0x110: {  	v19 =	vadd.f32 v19, v20;
	v13 =	vmul.f32 v2, v2;
	v7 =	vadd.f32 v9, v7  }
0x111: {  	v12 =	vld [tilespmem:s18+$0x1C00];
	v9 =	vmul.f32 v10, v11;
	v15 =	vadd.f32 $1.000000000e+00, v4;
	v17 =	vmul.f32 v10, v6  }
0x112: {  	v6 =	vadd.f32 v13, v7;
	v7 =	vld [tilespmem:s18+$0x1000];
	v18 =	vmul.f32 v10, v14;
	v20 =	vmul.f32 v10, v8  }
0x113: {  	v13 =	vmul.f32 v15, v8;
	v16 =	vmul.f32 v9, v14  }
0x114: {  	v3 =	vld [tilespmem:s21+$0x2600];
	v21 =	vmul.f32 $2.755732000e-07, v6;
	v22 =	vmul.f32 v9, v11  }
0x115: {  	v4 =	vld [tilespmem:s21+$0x1E00];
	v23 =	vmul.f32 $2.755731880e-06, v6;
	v27 =	vmul.f32 v18, v14  }
0x116: {  	v5 =	vld [tilespmem:s21+$0x2800];
	v26 =	vmul.f32 v20, v11;
	v32 =	vsub.f32 $1.000000000e+00, v17;
	v18 =	vadd.f32 $-2.480158760e-05, v21  }
0x117: {  	v11 =	vmul.f32 v15, v11;
	v25 =	vadd.f32 v16, v13;
	v12 =	vadd.f32 v7, v12  }
0x118: {  	v9 =	vld [tilespmem:s21+$0x2000];
	v29 =	vsub.f32 v16, v13;
	v13 =	vadd.f32 $-1.984127010e-04, v23;
	v21 =	vmul.f32 v18, v6  }
0x119: {  	v8 =	vmul.f32 v20, v8;
	v20 =	vmul.f32 v20, v14;
	v31 =	vadd.f32 v22, v32;
	v7 =	vld [tilespmem:s21+$0x2200];
	[tilespmem:s18+$0x3400] =	vst v12  }
0x11a: {  	v16 =	vmul.f32 v25, v4;
	v23 =	vmul.f32 v13, v6;
	v10 =	vadd.f32 $1.388888920e-03, v21;
	v24 =	vld [tilespmem:s21+$0x1600];
	[tilespmem:s18+$0x3C00] =	vst v19  }
0x11b: {  	v27 =	vadd.f32 v27, v32;
	v18 =	vmul.f32 v29, v5;
	v13 =	vmul.f32 v29, v3;
	v19 =	vld [tilespmem:s21+$0x1800]  }
0x11c: {  	v21 =	vadd.f32 $8.333333770e-03, v23;
	v23 =	vmul.f32 v15, v14;
	v17 =	vld [tilespmem:s21+$0x1A00];
	v30 =	vmul.f32 v10, v6  }
0x11d: {  	v12 =	vmul.f32 v25, v9;
	v37 =	vmul.f32 v31, v9;
	v14 =	vadd.f32 v20, v11;
	v10 =	vld [tilespmem:s21+$0x2A00]  }
0x11e: {  	v33 =	vmul.f32 v21, v6;
	v28 =	vadd.f32 v26, v23;
	v21 =	vadd.f32 $-4.166666790e-02, v30  }
0x11f: {  	v34 =	vld [tilespmem:s18+$0x2C00];
	v15 =	vsub.f32 v26, v23;
	v26 =	vmul.f32 v25, v7;
	v25 =	vsub.f32 v20, v11  }
0x120: {  	v35 =	vld [tilespmem:s18+$0x1400];
	v20 =	vmul.f32 v31, v4;
	v33 =	vadd.f32 $-1.666666720e-01, v33;
	v23 =	vmul.f32 v21, v6  }
0x121: {  	v22 =	vmul.f32 v28, v24;
	v21 =	vadd.f32 v8, v32;
	v36 =	vmul.f32 v28, v19  }
0x122: {  	v32 =	vmul.f32 v25, v17;
	v29 =	vmul.f32 v29, v10;
	v11 =	vadd.f32 $5.000000000e-01, v23  }
0x123: {  	v30 =	vadd.f32 v20, v22;
	v20 =	vmul.f32 v27, v5;
	v23 =	vmul.f32 v21, v24  }
0x124: {  	s23 =	simm.s32 $0x80;
	v36 =	vadd.f32 v37, v36;
	v8 =	vmul.f32 v11, v6;
	v22 =	vmul.f32 v11, v1  }
.LBB2_2:
0x125: {  	s25 =	sshra.s32 s23, $0x2;
	p0 =	sne.s32 s23, $0x7C0;
	s23 =	sadd.s32 $0x40, s23;
	v6 =	vmul.f32 v33, v6;
	v33 =	vadd.f32 v35, v34;
	v24 =	vmul.f32 v25, v24  }
0x126: {  	v28 =	vmul.f32 v28, v17;
	v31 =	vmul.f32 v31, v7;
	v34 =	vld [tilespmem:s25+$0xA00];
	v18 =	vadd.f32 v36, v18  }
0x127: {  	v35 =	vld [tilespmem:s25+$0xC00];
	[tilespmem:s18+$0x4400] =	vst v33;
	v33 =	vmul.f32 v14, v5;
	v5 =	vadd.f32 v16, v24;
	v16 =	vmul.f32 v27, v3  }
0x128: {  	v37 =	vmul.f32 v22, v1;
	v24 =	vmul.f32 v21, v19;
	v36 =	vld [tilespmem:s25+$0xE00];
	[tilespmem:s21+$0x3800] =	vst v18;
	v18 =	vadd.f32 v31, v28  }
0x129: {  	v5 =	vadd.f32 v5, v16;
	v16 =	vadd.f32 v26, v32;
	v26 =	vmul.f32 v27, v10  }
0x12a: {  	v27 =	vadd.f32 $1.000000000e+00, v6;
	v6 =	vmul.f32 v15, v9;
	v9 =	vadd.f32 v18, v29  }
0x12b: {  	v18 =	vmul.f32 v34, v34;
	[tilespmem:s21+$0x3E00] =	vst v5;
	v5 =	vmul.f32 v25, v19;
	v16 =	vadd.f32 v16, v26  }
0x12c: {  	v13 =	vadd.f32 v30, v13;
	v25 =	vmul.f32 v14, v3;
	v19 =	vmul.f32 v35, v35;
	v3 =	vld [tilespmem:s18+$0x2600];
	[tilespmem:s21+$0x3A00] =	vst v9  }
0x12d: {  	v6 =	vadd.f32 v6, v24;
	v26 =	vld [tilespmem:s25+$0x1C00];
	v9 =	vmul.f32 v36, v36;
	v12 =	vadd.f32 v12, v5;
	[tilespmem:s21+$0x4200] =	vst v16  }
0x12e: {  	v16 =	vadd.f32 v19, v18;
	v5 =	vld [tilespmem:s18+$0x2800];
	v18 =	vmul.f32 v27, v0;
	v19 =	vmul.f32 v15, v4;
	[tilespmem:s21+$0x3600] =	vst v13  }
0x12f: {  	v17 =	vmul.f32 v21, v17;
	v7 =	vmul.f32 v15, v7;
	v13 =	vadd.f32 v6, v33;
	v4 =	vld [tilespmem:s18+$0x1E00]  }
0x130: {  	v6 =	vadd.f32 v9, v16;
	v15 =	vld [tilespmem:s25+$0x1200];
	v16 =	vmul.f32 v22, v2;
	v19 =	vadd.f32 v19, v23  }
0x131: {  	v7 =	vadd.f32 v7, v17;
	v10 =	vmul.f32 v14, v10;
	v22 =	vmul.f32 v11, v2;
	v21 =	vld [tilespmem:s25+$0x1000];
	[tilespmem:s21+$0x3000] =	vst v13  }
0x132: {  	v13 =	vld [tilespmem:s25+$0x2400];
	v14 =	vmul.f32 $2.755731880e-06, v6;
	v17 =	vmul.f32 $2.755732000e-07, v6;
	v23 =	vadd.f32 v16, v18  }
0x133: {  	v7 =	vadd.f32 v7, v10;
	v10 =	vadd.f32 v12, v20;
	v22 =	vmul.f32 v22, v2;
	v9 =	vld [tilespmem:s18+$0x2000]  }
0x134: {  	v20 =	vsub.f32 v16, v18;
	v12 =	vadd.f32 $-2.480158760e-05, v17;
	v16 =	vmul.f32 v23, v4  }
0x135: {  	v14 =	vadd.f32 $-1.984127010e-04, v14;
	v17 =	vadd.f32 v19, v25;
	[tilespmem:s21+$0x3200] =	vst v7  }
0x136: {  	v18 =	vmul.f32 v20, v5;
	v12 =	vmul.f32 v12, v6;
	v19 =	vadd.f32 v21, v26;
	[tilespmem:s21+$0x4000] =	vst v10  }
0x137: {  	v11 =	vmul.f32 v11, v0;
	v10 =	vmul.f32 v14, v6;
	v14 =	vadd.f32 v15, v13;
	v7 =	vld [tilespmem:s18+$0x2200];
	[tilespmem:s21+$0x2E00] =	vst v17;
	s21 =	smov.u32 s18;
	s18 =	smov.u32 s25  }
0x138: {  	v13 =	vmul.f32 v20, v3;
	v15 =	vadd.f32 $1.388888920e-03, v12;
	[tilespmem:s18+$0x3400] =	vst v19;
	v24 =	vld [tilespmem:s21+$0x1600];
	v12 =	vmul.f32 v23, v9  }
0x139: {  	v21 =	vmul.f32 v11, v1;
	v17 =	vadd.f32 $8.333333770e-03, v10;
	[tilespmem:s18+$0x3C00] =	vst v14;
	v14 =	vmul.f32 v27, v2  }
0x13a: {  	v8 =	vsub.f32 $1.000000000e+00, v8;
	v25 =	vmul.f32 v27, v1;
	v1 =	vmovc v35;
	v15 =	vmul.f32 v15, v6;
	v10 =	vld [tilespmem:s21+$0x2A00]  }
0x13b: {  	v29 =	vmul.f32 v11, v0;
	v0 =	vmovc v34;
	v30 =	vmul.f32 v17, v6;
	v19 =	vld [tilespmem:s21+$0x1800];
	v28 =	vadd.f32 v21, v14  }
0x13c: {  	v11 =	vmul.f32 v11, v2;
	v2 =	vmovc v36;
	v27 =	vadd.f32 $-4.166666790e-02, v15;
	v17 =	vld [tilespmem:s21+$0x1A00];
	v15 =	vsub.f32 v21, v14  }
0x13d: {  	v31 =	vadd.f32 v37, v8;
	v26 =	vmul.f32 v23, v7;
	v36 =	vmul.f32 v28, v24  }
0x13e: {  	v14 =	vadd.f32 v11, v25;
	v34 =	vld [tilespmem:s18+$0x2C00];
	v23 =	vmul.f32 v27, v6;
	v27 =	vadd.f32 v22, v8  }
.Ltmp0:
0x13f: {  	v21 =	vadd.f32 v29, v8;
	v25 =	vsub.f32 v11, v25;
	v35 =	vld [tilespmem:s18+$0x1400];
	v29 =	vmul.f32 v20, v10;
	(pc) =	sbr.rel @p0 .LBB2_2-.Ltmp0, $4  }
0x140: {  	v20 =	vmul.f32 v31, v4;
	v11 =	vadd.f32 $5.000000000e-01, v23;
	v37 =	vmul.f32 v28, v19  }
0x141: {  	v38 =	vmul.f32 v31, v9;
	v33 =	vadd.f32 $-1.666666720e-01, v30;
	v32 =	vmul.f32 v25, v17  }
0x142: {  	v23 =	vmul.f32 v21, v24;
	v30 =	vadd.f32 v20, v36;
	v8 =	vmul.f32 v11, v6  }
0x143: {  	v20 =	vmul.f32 v27, v5;
	v22 =	vmul.f32 v11, v1;
	v36 =	vadd.f32 v38, v37  }
0x144: {  	v24 =	vmul.f32 v25, v24;
	v28 =	vmul.f32 v28, v17  }
0x145: {  	v31 =	vmul.f32 v31, v7;
	v45 =	vmul.f32 v27, v3  }
0x146: {  	v34 =	vadd.f32 v35, v34;
	v47 =	vmul.f32 v27, v10;
	v49 =	vmul.f32 v21, v19  }
0x147: {  	v46 =	vadd.f32 v26, v32;
	v9 =	vmul.f32 v15, v9;
	v5 =	vmul.f32 v14, v5  }
0x148: {  	v13 =	vadd.f32 v30, v13;
	v50 =	vmul.f32 v21, v17;
	v51 =	vmul.f32 v15, v7  }
0x149: {  	v6 =	vmul.f32 v33, v6;
	v52 =	vmul.f32 v25, v19;
	v16 =	vadd.f32 v16, v24  }
0x14a: {  	v53 =	vmul.f32 v14, v10;
	v18 =	vadd.f32 v36, v18;
	v28 =	vadd.f32 v31, v28  }
0x14b: {  	v4 =	vmul.f32 v15, v4;
	v8 =	vsub.f32 $1.000000000e+00, v8;
	[tilespmem:s18+$0x4400] =	vst v34;
	v16 =	vadd.f32 v16, v45  }
0x14c: {  	v56 =	vmul.f32 v14, v3;
	v9 =	vadd.f32 v9, v49;
	[tilespmem:s21+$0x3800] =	vst v18;
	v48 =	vadd.f32 v28, v29  }
0x14d: {  	v60 =	vmul.f32 v11, v2;
	v7 =	vadd.f32 v51, v50;
	v18 =	vadd.f32 v46, v47;
	[tilespmem:s21+$0x3E00] =	vst v16  }
0x14e: {  	v59 =	vmul.f32 v22, v2;
	v54 =	vadd.f32 v12, v52;
	v6 =	vadd.f32 $1.000000000e+00, v6;
	v24 =	vld [tilespmem:s18+$0x2600];
	[tilespmem:s21+$0x3A00] =	vst v48  }
0x14f: {  	v61 =	vmul.f32 v22, v1;
	v4 =	vadd.f32 v4, v23;
	v5 =	vadd.f32 v9, v5;
	[tilespmem:s21+$0x4200] =	vst v18  }
0x150: {  	v31 =	vmul.f32 v11, v0;
	v55 =	vadd.f32 v7, v53;
	v58 =	vmul.f32 v6, v0;
	v18 =	vld [tilespmem:s18+$0x2800];
	[tilespmem:s21+$0x3600] =	vst v13  }
0x151: {  	v57 =	vadd.f32 v54, v20;
	v35 =	vmul.f32 v6, v2;
	v41 =	vmul.f32 v6, v1;
	v12 =	vld [tilespmem:s18+$0x1E00];
	[tilespmem:s21+$0x3000] =	vst v5  }
0x152: {  	v3 =	vadd.f32 v4, v56;
	v44 =	vmul.f32 v31, v2;
	v5 =	vmul.f32 v60, v2;
	v7 =	vld [tilespmem:s18+$0x2000];
	[tilespmem:s21+$0x3200] =	vst v55  }
0x153: {  	v36 =	vmul.f32 v31, v1;
	v4 =	vadd.f32 v61, v8;
	v10 =	vsub.f32 v59, v58;
	[tilespmem:s21+$0x4000] =	vst v57  }
0x154: {  	v0 =	vmul.f32 v31, v0;
	v1 =	vadd.f32 v44, v41;
	v63 =	vld [tilespmem:s18+$0x2200];
	[tilespmem:s21+$0x2E00] =	vst v3;
	v5 =	vadd.f32 v5, v8  }
0x155: {  	v62 =	vadd.f32 v59, v58;
	v34 =	vld [tilespmem:s18+$0x1600];
	v38 =	vmul.f32 v10, v24;
	v33 =	vmul.f32 v10, v18  }
0x156: {  	v45 =	vsub.f32 v36, v35;
	v40 =	vld [tilespmem:s18+$0x1800];
	v54 =	vmul.f32 v1, v18;
	v55 =	vmul.f32 v5, v24  }
0x157: {  	v37 =	vld [tilespmem:s18+$0x2A00];
	v32 =	vmul.f32 v62, v12;
	v50 =	vmul.f32 v4, v12  }
0x158: {  	v43 =	vld [tilespmem:s18+$0x1A00];
	v61 =	vmul.f32 v45, v12;
	v39 =	vmul.f32 v62, v7  }
0x159: {  	v42 =	vadd.f32 v36, v35;
	v49 =	vmul.f32 v4, v7;
	v7 =	vmul.f32 v45, v7  }
0x15a: {  	v47 =	vsub.f32 v44, v41;
	v9 =	vmul.f32 v62, v63;
	v4 =	vmul.f32 v4, v63  }
0x15b: {  	v59 =	vmul.f32 v45, v63;
	v48 =	vmul.f32 v42, v40  }
0x15c: {  	v0 =	vadd.f32 v0, v8;
	v46 =	vmul.f32 v42, v34;
	v15 =	vmul.f32 v47, v34  }
0x15d: {  	v10 =	vmul.f32 v10, v37;
	v6 =	vmul.f32 v42, v43;
	v25 =	vadd.f32 v49, v48  }
0x15e: {  	v51 =	vmul.f32 v47, v43;
	v52 =	vmul.f32 v0, v34;
	v3 =	vadd.f32 v32, v15  }
0x15f: {  	v56 =	vmul.f32 v0, v40;
	v4 =	vadd.f32 v4, v6;
	v53 =	vadd.f32 v25, v33  }
0x160: {  	v57 =	vmul.f32 v5, v37;
	v9 =	vadd.f32 v9, v51;
	v3 =	vadd.f32 v3, v55  }
0x161: {  	v0 =	vmul.f32 v0, v43;
	v2 =	vadd.f32 v50, v46;
	v4 =	vadd.f32 v4, v10;
	[tilespmem:s18+$0x3800] =	vst v53  }
0x162: {  	v60 =	vmul.f32 v47, v40;
	v6 =	vadd.f32 v7, v56;
	v58 =	vadd.f32 v9, v57;
	[tilespmem:s18+$0x3E00] =	vst v3  }
0x163: {  	v62 =	vmul.f32 v1, v37;
	v0 =	vadd.f32 v59, v0;
	v2 =	vadd.f32 v2, v38;
	[tilespmem:s18+$0x3A00] =	vst v4  }
0x164: {  	v1 =	vmul.f32 v1, v24;
	v63 =	vadd.f32 v61, v52;
	v6 =	vadd.f32 v6, v54;
	[tilespmem:s18+$0x4200] =	vst v58  }
0x165: {  	v5 =	vmul.f32 v5, v18;
	v0 =	vadd.f32 v0, v62;
	v3 =	vadd.f32 v39, v60;
	[tilespmem:s18+$0x3600] =	vst v2  }
0x166: {  	v1 =	vadd.f32 v63, v1;
	[tilespmem:s18+$0x3000] =	vst v6  }
0x167: {  	s17 =	sadd.s32 $0x1, s17;
	[tilespmem:s18+$0x3200] =	vst v0;
	v3 =	vadd.f32 v3, v5  }
0x168: {  	p0 =	sne.s32 s17, s8;
	[tilespmem:s18+$0x2E00] =	vst v1  }
.Ltmp1:
0x169: {  	[tilespmem:s18+$0x4000] =	vst v3;
	(pc) =	sbr.rel @p0 .LBB2_1-.Ltmp1, $4  }
0x16a: {  	[hbm4b:s7+s10] =	stream.strided.scatter [tilespmem:s2], [sflag:$0x3], $0x1800, s11, s10, $0x38;
	[tilespmem:$0x4600] =	vst v63  }
0x16b: {  	_ =	swait.ge [sflag:s9], $0x1800  }
0x16c: {  	[sflag:s9] =	ssyncset.done $0x0  }
0x16d: {  	[sflag:s9] =	ssyncadd.s32 $0xFFFFE800  }
0x16e: {  	_ =	sfence.sel $0x180000  }
0x16f: {  	[bflag:$0x0] =	sbarrier.arrive $0xFFFF  }
0x170: {  	_ =	strace $0x90000047  }
0x171: {  	s0 =	stileid.u32;
	[bflag:$0x2] =	sbarrier.arrive $0xFFFF  }
0x172: {  	p0 =	sne.s32 s0, $0x0;
	s0 =	rddreg [dreg:$0x3]  }
0x173: {  	s0 =	sadd.s32 @!p0 $0x100000, s0  }
0x174: {  	[sflag:s0] =	ssyncadd.tile.s32 @!p0 $0x1;
	_ =	shalt  }
.Lfunc_end2:
_tile_overlayer_lowered:
.L_overlay_start_2:
0x175: {  	(tag) =	ssettag $0x2  }
0x176: {  	s0 =	rddreg [dreg:$0x0];
	s2 =	stileid.u32  }
0x177: {  	s1 =	rddreg [dreg:$0x1];
	p0 =	sne.s32 s2, $0x0  }
0x178: {  	s3 =	rddreg [dreg:$0x2];
	[bflag:$0x3] =	sbarrier.arrive $0xFFFF;
	s2 =	simm.s32 @!p0 $0x1C03  }
0x179: {  	[timem:s3], [sflag:s2] =	dma.local @!p0 [hbm:s0], s1  }
0x17a: {  	s0 =	simm.s32 @!p0 $0x3  }
0x17b: {  	_ =	swait.ge @!p0 [sflag:s0], s1  }
0x17c: {  	s1 =	ssub.s32 @!p0 $0x0, s1;
	[sflag:s0] =	ssyncset.done @!p0 $0x0  }
0x17d: {  	[sflag:s0] =	ssyncadd.s32 @!p0 s1  }
0x17e: {  	[bflag:$0x3] =	sbarrier.arrive $0xFFFF  }
0x17f: {  	_ =	shalt  }

</sc_bundles>
